<compile_context>
chip_gen: v7x
topology: tpu7x:2x2x1
jax: 0.10.2.dev20260603
libtpu: 0.0.44.dev20260713+nightly
codegen_flags: <defaults>
</compile_context>

<pallas_src>
import functools

import jax
import jax.numpy as jnp
from jax import lax
from jax.experimental import pallas as pl
from jax.experimental.pallas import tpu as pltpu
from jax.experimental.pallas import tpu_sc as plsc

_NG = 100000
_NM = 10000
_NE = 500000
_D = 64
_W = 128

_NC = 2
_NS = 16
_NW = _NC * _NS
_CH = 128
_NEH = 250000
_PER_W = 7936
_CHUNKS = _PER_W // _CH
_NEP = _PER_W * _NW
_ACC = 10240
_APT = _ACC // _NS

_BLE = 2000
_BLN = 2000


def _ln(h):
    mu = jnp.mean(h, axis=-1, keepdims=True)
    var = jnp.mean((h - mu) ** 2, axis=-1, keepdims=True)
    return (h - mu) * lax.rsqrt(var + 1e-5)


def _dot(a, b):
    return jnp.dot(a, b, preferred_element_type=jnp.float32)


def _wspec(shape):
    return pl.BlockSpec(shape, lambda i: (0,) * len(shape))



def _mesh_body(x_ref, w0, b0, w1, b1, g, b, w0i, c0, me_ref, ta_ref):
    x = x_ref[...]
    h = jnp.maximum(_dot(x, w0[...]) + b0[...], 0.0)
    h = _dot(h, w1[...]) + b1[...]
    me = _ln(h) * g[...] + b[...]
    me_ref[...] = me
    a = _dot(me, w0i[...]) + c0[...]
    ta_ref[...] = jnp.concatenate([a, jnp.zeros_like(a)], axis=1)


def _gridhead_body(x_ref, w0, b0, w1, b1, g, b, w0j, tb_ref):
    x = x_ref[...]
    h = jnp.maximum(_dot(x, w0[...]) + b0[...], 0.0)
    h = _dot(h, w1[...]) + b1[...]
    ge = _ln(h) * g[...] + b[...]
    tb = _dot(ge, w0j[...])
    tb_ref[...] = jnp.concatenate([jnp.zeros_like(tb), tb], axis=1)


def _edge_msg_body(e_ref, g_in_ref, we0, be0, we1, be1, w0e, u1, u1b, gg, gb,
                   out_ref):
    e = e_ref[...]
    h = jnp.maximum(_dot(e, we0[...]) + be0[...], 0.0)
    h = _dot(h, we1[...]) + be1[...]
    nh = _ln(h)
    gv = g_in_ref[...]
    h1 = _dot(nh, w0e[...]) + gv[:, :_D] + gv[:, _D:]
    y = jnp.maximum(h1, 0.0)
    y = _dot(y, u1[...]) + u1b[...]
    msg = _ln(y) * gg[...] + gb[...]
    out_ref[...] = jnp.concatenate([msg, jnp.zeros_like(msg)], axis=1)


def _grid_body(x_ref, w0, b0, w1, b1, g, b, v0, d0, v1, d1, gf, bf, out_ref):
    x = x_ref[...]
    h = jnp.maximum(_dot(x, w0[...]) + b0[...], 0.0)
    h = _dot(h, w1[...]) + b1[...]
    ge = _ln(h) * g[...] + b[...]
    f = jnp.maximum(_dot(ge, v0[...]) + d0[...], 0.0)
    f = _dot(f, v1[...]) + d1[...]
    out_ref[...] = ge + _ln(f) * gf[...] + bf[...]


def _mesh_out_body(me_ref, p0_ref, p1_ref, p2_ref, p3_ref,
                   w0m, w0a, b0, w1, b1, g, b, out_ref):
    me = me_ref[...]
    aggr = (p0_ref[...] + p1_ref[...]) + (p2_ref[...] + p3_ref[...])
    h = jnp.maximum(_dot(me, w0m[...]) + _dot(aggr, w0a[...]) + b0[...], 0.0)
    h = _dot(h, w1[...]) + b1[...]
    out_ref[...] = me + _ln(h) * g[...] + b[...]


def _run_rows(body, n_rows, blk, n_blocked, out_widths, args):
    in_specs = []
    for i, a in enumerate(args):
        if i < n_blocked:
            in_specs.append(pl.BlockSpec((blk, a.shape[1]), lambda i: (i, 0)))
        else:
            in_specs.append(_wspec(a.shape))
    out = pl.pallas_call(
        body,
        grid=(n_rows // blk,),
        in_specs=in_specs,
        out_shape=[jax.ShapeDtypeStruct((n_rows, w), jnp.float32)
                   for w in out_widths],
        out_specs=[pl.BlockSpec((blk, w), lambda i: (i, 0))
                   for w in out_widths],
    )(*args)
    return out



_SC_MESH = plsc.VectorSubcoreMesh(core_axis_name="c", subcore_axis_name="s")


@functools.partial(
    pl.kernel,
    out_type=jax.ShapeDtypeStruct((_NEP, _W), jnp.float32),
    mesh=_SC_MESH,
    scratch_types=[
        pltpu.VMEM((_CHUNKS, _CH), jnp.int32),
        pltpu.VMEM((_CHUNKS, _CH), jnp.int32),
        pltpu.VMEM((_CH, _W), jnp.float32),
        pltpu.VMEM((_CH, _W), jnp.float32),
        pltpu.VMEM((_CH, _W), jnp.float32),
        pltpu.VMEM((_CH, _W), jnp.float32),
        pltpu.SemaphoreType.DMA,
        pltpu.SemaphoreType.DMA,
    ],
)
def _sc_gather(ta_hbm, tb_hbm, recv_hbm, send_hbm, g_hbm,
               ridx_all, sidx_all, ra0, ra1, rb0, rb1, sem_a, sem_b):
    c = lax.axis_index("c")
    s = lax.axis_index("s")
    w = s * _NC + c
    base = w * _PER_W
    ta = ta_hbm
    tb = tb_hbm
    pltpu.sync_copy(recv_hbm.at[w], ridx_all)
    pltpu.sync_copy(send_hbm.at[w], sidx_all)
    bufs_a = (ra0, ra1)
    bufs_b = (rb0, rb1)
    pltpu.async_copy(ta.at[ridx_all.at[0]], ra0, sem_a)
    pltpu.async_copy(tb.at[sidx_all.at[0]], rb0, sem_b)

    def body(i, carry):
        for b in range(2):
            j = i * 2 + b
            ra, rb = bufs_a[b], bufs_b[b]
            na, nb = bufs_a[1 - b], bufs_b[1 - b]
            jn = j + 1

            @pl.when(jn < _CHUNKS)
            def _():
                pltpu.async_copy(ta.at[ridx_all.at[jn]], na, sem_a)
                pltpu.async_copy(tb.at[sidx_all.at[jn]], nb, sem_b)

            pltpu.make_async_copy(ta.at[ridx_all.at[j]], ra, sem_a).wait()
            pltpu.make_async_copy(tb.at[sidx_all.at[j]], rb, sem_b).wait()

            def merge(r, cc):
                for k in range(_D // 16):
                    sl = pl.ds(_D + 16 * k, 16)
                    ra[r, sl] = rb[r, sl]
                return cc

            lax.fori_loop(0, _CH, merge, 0)
            pltpu.sync_copy(ra, g_hbm.at[pl.ds(base + j * _CH, _CH)])
        return carry

    lax.fori_loop(0, _CHUNKS // 2, body, 0)


@functools.partial(
    pl.kernel,
    out_type=jax.ShapeDtypeStruct((_NC, _ACC, _W), jnp.float32),
    mesh=_SC_MESH,
    scratch_types=[
        pltpu.VMEM((_CHUNKS, _CH), jnp.int32),
        pltpu.VMEM((_CH, _W), jnp.float32),
        pltpu.VMEM((_CH, _W), jnp.float32),
        pltpu.VMEM_SHARED((_ACC, _W), jnp.float32),
        pltpu.SemaphoreType.DMA,
    ],
)
def _sc_scatter(msg_hbm, recv_hbm, zeros_hbm, out_hbm,
                ridx_all, r0, r1, acc, sem_m):
    c = lax.axis_index("c")
    s = lax.axis_index("s")
    pltpu.sync_copy(zeros_hbm, acc.at[pl.ds(s * _APT, _APT)])
    w = s * _NC + c
    base = w * _PER_W
    pltpu.sync_copy(recv_hbm.at[w], ridx_all)
    plsc.subcore_barrier()
    bufs = (r0, r1)
    pltpu.async_copy(msg_hbm.at[pl.ds(base, _CH)], r0, sem_m)

    def body(i, carry):
        for b in range(2):
            j = i * 2 + b
            rcur = bufs[b]
            rnext = bufs[1 - b]
            jn = j + 1

            @pl.when(jn < _CHUNKS)
            def _():
                pltpu.async_copy(msg_hbm.at[pl.ds(base + jn * _CH, _CH)],
                                 rnext, sem_m)

            pltpu.make_async_copy(msg_hbm.at[pl.ds(base, _CH)], rcur,
                                  sem_m).wait()
            pltpu.sync_copy(rcur, acc.at[ridx_all.at[j]], add=True)
        return carry

    lax.fori_loop(0, _CHUNKS // 2, body, 0)
    plsc.subcore_barrier()
    pltpu.sync_copy(acc.at[pl.ds(s * _APT, _APT)],
                    out_hbm.at[c].at[pl.ds(s * _APT, _APT)])



def kernel(input_grid_nodes, input_mesh_nodes, input_edge_attr, params,
           edge_index):
    p_g = params["grid_mlp"]
    p_m = params["mesh_mlp"]
    p_e = params["edges_mlp"]
    p_ge = params["gnn_edges"]
    p_gn = params["gnn_nodes"]
    p_gf = params["grid_mlp_final"]

    f32 = jnp.float32
    row = lambda v: v.reshape(1, _D).astype(f32)

    w0 = p_ge["Ws"][0]
    w0i, w0j, w0e = w0[:_D], w0[_D:2 * _D], w0[2 * _D:]
    w0e_eff = p_e["ln_g"][:, None] * w0e
    c0 = (p_e["ln_b"] @ w0e + p_ge["bs"][0]).reshape(1, _D)

    mesh8 = jnp.pad(input_mesh_nodes, ((0, 0), (0, 5)))
    wm0 = jnp.pad(p_m["Ws"][0], ((0, 5), (0, 0)))

    mesh_emb, table_a = _run_rows(
        _mesh_body, _NM, _BLN, 1, (_D, _W),
        (mesh8, wm0, row(p_m["bs"][0]), p_m["Ws"][1], row(p_m["bs"][1]),
         row(p_m["ln_g"]), row(p_m["ln_b"]), w0i, c0))

    (table_b,) = _run_rows(
        _gridhead_body, _NM, _BLN, 1, (_W,),
        (input_grid_nodes[:_NM], p_g["Ws"][0], row(p_g["bs"][0]),
         p_g["Ws"][1], row(p_g["bs"][1]), row(p_g["ln_g"]),
         row(p_g["ln_b"]), w0j))

    shp = (_NW, _CHUNKS, _CH)
    n_blk = _NEH // _BLE
    partials = []
    for h in range(2):
        lo, hi = h * _NEH, (h + 1) * _NEH
        pad = (0, _NEP - _NEH)
        send_h = jnp.pad(edge_index[0][lo:hi], pad).reshape(shp)
        recv_h = jnp.pad(edge_index[1][lo:hi], pad).reshape(shp)
        recv_sh = jnp.pad(edge_index[1][lo:hi], pad,
                          constant_values=_NM).reshape(shp)
        g_edges = _sc_gather(table_a, table_b, recv_h, send_h)

        eargs = (input_edge_attr, g_edges, p_e["Ws"][0], row(p_e["bs"][0]),
                 p_e["Ws"][1], row(p_e["bs"][1]), w0e_eff, p_ge["Ws"][1],
                 row(p_ge["bs"][1]), row(p_ge["ln_g"]), row(p_ge["ln_b"]))
        in_specs = [
            pl.BlockSpec((_BLE, 4), lambda i, o=h * n_blk: (i + o, 0)),
            pl.BlockSpec((_BLE, _W), lambda i: (i, 0))]
        in_specs += [_wspec(a.shape) for a in eargs[2:]]
        msg = pl.pallas_call(
            _edge_msg_body,
            grid=(n_blk,),
            in_specs=in_specs,
            out_shape=jax.ShapeDtypeStruct((_NEP, _W), jnp.float32),
            out_specs=pl.BlockSpec((_BLE, _W), lambda i: (i, 0)),
        )(*eargs)

        partials.append(_sc_scatter(msg, recv_sh, jnp.zeros((_APT, _W), f32)))

    wn0 = p_gn["Ws"][0]
    (latent_mesh,) = _run_rows(
        _mesh_out_body, _NM, _BLN, 5, (_D,),
        (mesh_emb, partials[0][0, :_NM, :_D], partials[0][1, :_NM, :_D],
         partials[1][0, :_NM, :_D], partials[1][1, :_NM, :_D],
         wn0[:_D], wn0[_D:], row(p_gn["bs"][0]), p_gn["Ws"][1],
         row(p_gn["bs"][1]), row(p_gn["ln_g"]), row(p_gn["ln_b"])))

    (latent_grid,) = _run_rows(
        _grid_body, _NG, _BLN, 1, (_D,),
        (input_grid_nodes, p_g["Ws"][0], row(p_g["bs"][0]), p_g["Ws"][1],
         row(p_g["bs"][1]), row(p_g["ln_g"]), row(p_g["ln_b"]),
         p_gf["Ws"][0], row(p_gf["bs"][0]), p_gf["Ws"][1], row(p_gf["bs"][1]),
         row(p_gf["ln_g"]), row(p_gf["ln_b"])))

    return (latent_grid, latent_mesh)

# --- scband reference (transcript-rebuilt; emitter-appended) ---
"""Pipeline reference for scband-encoder-88261577933427 (READ-ONLY COPY).

The authoritative reference and input builder live on the scoring server;
editing this copy changes nothing except your own understanding.
"""

import jax, jax.numpy as jnp
import numpy as np

N_GRID = 100000
N_MESH = 10000
N_EDGES = 500000
GRID_DIM = 128
MESH_DIM = 3
EDGE_DIM = 4
HIDDEN_DIMS = [64, 64]
LATENT = HIDDEN_DIMS[-1]


def _make_mlp_params(key, in_dim, hidden_dims):
    dims = [in_dim] + list(hidden_dims)
    keys = jax.random.split(key, len(hidden_dims))
    Ws, bs = [], []
    for i in range(len(hidden_dims)):
        W = jax.random.normal(keys[i], (dims[i], dims[i + 1]), dtype=jnp.float32) / np.sqrt(dims[i])
        Ws.append(W)
        bs.append(jnp.zeros((dims[i + 1],), dtype=jnp.float32))
    return {
        "Ws": Ws,
        "bs": bs,
        "ln_g": jnp.ones((hidden_dims[-1],), dtype=jnp.float32),
        "ln_b": jnp.zeros((hidden_dims[-1],), dtype=jnp.float32),
    }


def _mlp_apply(p, x):
    # MLP with ReLU between layers, no activation on final layer, then LayerNorm
    n = len(p["Ws"])
    h = x
    for i in range(n):
        h = h @ p["Ws"][i] + p["bs"][i]
        if i < n - 1:
            h = jax.nn.relu(h)
    mu = jnp.mean(h, axis=-1, keepdims=True)
    var = jnp.var(h, axis=-1, keepdims=True)
    h = (h - mu) / jnp.sqrt(var + 1e-5) * p["ln_g"] + p["ln_b"]
    return h


def setup_inputs(seed: int = 0) -> dict:
    key = jax.random.key(seed)
    k = jax.random.split(key, 10)
    input_grid_nodes = jax.random.normal(k[0], (N_GRID, GRID_DIM), dtype=jnp.float32)
    input_mesh_nodes = jax.random.normal(k[1], (N_MESH, MESH_DIM), dtype=jnp.float32)
    input_edge_attr = jax.random.normal(k[2], (N_EDGES, EDGE_DIM), dtype=jnp.float32)
    edge_index = jax.random.randint(k[3], (2, N_EDGES), 0, N_MESH, dtype=jnp.int32)
    params = {
        "grid_mlp": _make_mlp_params(k[4], GRID_DIM, HIDDEN_DIMS),
        "mesh_mlp": _make_mlp_params(k[5], MESH_DIM, HIDDEN_DIMS),
        "edges_mlp": _make_mlp_params(k[6], EDGE_DIM, HIDDEN_DIMS),
        "gnn_edges": _make_mlp_params(k[7], 3 * LATENT, HIDDEN_DIMS),
        "gnn_nodes": _make_mlp_params(k[8], 2 * LATENT, HIDDEN_DIMS),
        "grid_mlp_final": _make_mlp_params(k[9], LATENT, HIDDEN_DIMS),
    }
    return {
        "input_grid_nodes": input_grid_nodes,
        "input_mesh_nodes": input_mesh_nodes,
        "input_edge_attr": input_edge_attr,
        "params": params,
        "edge_index": edge_index,
    }


def reference(input_grid_nodes, input_mesh_nodes, input_edge_attr, params, edge_index):
    grid_emb = _mlp_apply(params["grid_mlp"], input_grid_nodes)
    mesh_emb = _mlp_apply(params["mesh_mlp"], input_mesh_nodes)
    edges_emb = _mlp_apply(params["edges_mlp"], input_edge_attr)

    senders = edge_index[0]    # grid node indices (source)
    receivers = edge_index[1]  # mesh node indices (target)

    x_j = jnp.take(grid_emb, senders, axis=0)    # sender features
    x_i = jnp.take(mesh_emb, receivers, axis=0)  # receiver features
    msg = _mlp_apply(params["gnn_edges"], jnp.concatenate([x_i, x_j, edges_emb], axis=-1))
    aggr = jax.ops.segment_sum(msg, receivers, num_segments=mesh_emb.shape[0])
    gnn_out = _mlp_apply(params["gnn_nodes"], jnp.concatenate([mesh_emb, aggr], axis=-1))

    latent_mesh_nodes = mesh_emb + gnn_out
    latent_grid_nodes = grid_emb + _mlp_apply(params["grid_mlp_final"], grid_emb)
    return (latent_grid_nodes, latent_mesh_nodes)

if __name__ == "__main__":
    import jax
    _d = setup_inputs()
    print(jax.jit(kernel)(*tuple(_d.values())))

</pallas_src>

<mosaic_0001>
#map = affine_map<(d0, d1) -> (0, 0)>
#map1 = affine_map<(d0, d1) -> (0, 0, 0)>
module attributes {stable_mosaic.version = 14 : i64} {
  func.func @_sc_scatter(%arg0: i32, %arg1: i32, %arg2: memref<253952x128xf32, #tpu.memory_space<hbm>>, %arg3: memref<32x62x128xi32, #tpu.memory_space<hbm>>, %arg4: memref<640x128xf32, #tpu.memory_space<hbm>>, %arg5: memref<2x10240x128xf32, #tpu.memory_space<hbm>>, %arg6: memref<62x128xi32, #tpu.memory_space<vmem>>, %arg7: memref<128x128xf32, #tpu.memory_space<vmem>>, %arg8: memref<128x128xf32, #tpu.memory_space<vmem>>, %arg9: memref<10240x128xf32, #tpu.memory_space<vmem_shared>>, %arg10: memref<!tpu.dma_semaphore, #tpu.memory_space<semaphore_mem>>) attributes {dimension_semantics = [#tpu.dimension_semantics<core_parallel>, #tpu.dimension_semantics<subcore_parallel>], iteration_bounds = array<i64: 2, 16>, scalar_prefetch = 0 : i64, scratch_operands = 5 : i64, tpu.core_type = #tpu.core_type<sc_vector_subcore>, window_params = [{transform_indices = #map}, {transform_indices = #map1}, {transform_indices = #map}, {transform_indices = #map1}]} {
    %mul3A = arith.constant 640 : i32
    %mul3A_0 = arith.muli %arg1, %mul3A : i32
    "tpu.region"() ({
      %run_scoped3A = tpu.sem_alloc : memref<!tpu.dma_semaphore, #tpu.memory_space<semaphore_mem>>
      %dma_start3A_18 = arith.constant 0 : i32
      %dma_start3A_19 = tpu.memref_slice %arg9[%mul3A_0, %dma_start3A_18] : memref<10240x128xf32, #tpu.memory_space<vmem_shared>> -> memref<640x128xf32, #tpu.memory_space<vmem_shared>>
      tpu.enqueue_dma source(%arg4 : memref<640x128xf32, #tpu.memory_space<hbm>>) target(%dma_start3A_19 : memref<640x128xf32, #tpu.memory_space<vmem_shared>>) target_semaphore(%run_scoped3A : memref<!tpu.dma_semaphore, #tpu.memory_space<semaphore_mem>>)
      %dma_wait3A = arith.constant 0 : i32
      %dma_wait3A_20 = tpu.memref_slice %arg9[%mul3A_0, %dma_wait3A] : memref<10240x128xf32, #tpu.memory_space<vmem_shared>> -> memref<640x128xf32, #tpu.memory_space<vmem_shared>>
      tpu.wait_dma2 semaphore(%run_scoped3A : memref<!tpu.dma_semaphore, #tpu.memory_space<semaphore_mem>>) src(%arg4 : memref<640x128xf32, #tpu.memory_space<hbm>>) dst(%dma_wait3A_20 : memref<640x128xf32, #tpu.memory_space<vmem_shared>>)
      tpu.yield
    }) : () -> ()
    %mul3A_1 = arith.constant 2 : i32
    %mul3A_2 = arith.muli %arg1, %mul3A_1 : i32
    %add3A = arith.addi %mul3A_2, %arg0 : i32
    %mul3A_3 = arith.constant 7936 : i32
    %mul3A_4 = arith.muli %add3A, %mul3A_3 : i32
    "tpu.region"() ({
      %run_scoped3A = tpu.sem_alloc : memref<!tpu.dma_semaphore, #tpu.memory_space<semaphore_mem>>
      %dma_start3A_18 = arith.constant 0 : i32
      %dma_start3A_19 = arith.constant 0 : i32
      %dma_start3A_20 = tpu.memref_slice %arg3[%add3A, %dma_start3A_18, %dma_start3A_19] : memref<32x62x128xi32, #tpu.memory_space<hbm>> -> memref<1x62x128xi32, #tpu.memory_space<hbm>>
      %dma_start3A_21 = tpu.memref_squeeze %dma_start3A_20 : memref<1x62x128xi32, #tpu.memory_space<hbm>> -> memref<62x128xi32, #tpu.memory_space<hbm>>
      %dma_start3A_22 = arith.constant 0 : i32
      %dma_start3A_23 = arith.constant 0 : i32
      %dma_start3A_24 = tpu.memref_slice %arg3[%add3A, %dma_start3A_22, %dma_start3A_23] : memref<32x62x128xi32, #tpu.memory_space<hbm>> -> memref<1x62x128xi32, #tpu.memory_space<hbm>>
      %dma_start3A_25 = tpu.memref_squeeze %dma_start3A_24 : memref<1x62x128xi32, #tpu.memory_space<hbm>> -> memref<62x128xi32, #tpu.memory_space<hbm>>
      tpu.enqueue_dma source(%dma_start3A_25 : memref<62x128xi32, #tpu.memory_space<hbm>>) target(%arg6 : memref<62x128xi32, #tpu.memory_space<vmem>>) target_semaphore(%run_scoped3A : memref<!tpu.dma_semaphore, #tpu.memory_space<semaphore_mem>>)
      %dma_wait3A = arith.constant 0 : i32
      %dma_wait3A_26 = arith.constant 0 : i32
      %dma_wait3A_27 = tpu.memref_slice %arg3[%add3A, %dma_wait3A, %dma_wait3A_26] : memref<32x62x128xi32, #tpu.memory_space<hbm>> -> memref<1x62x128xi32, #tpu.memory_space<hbm>>
      %dma_wait3A_28 = tpu.memref_squeeze %dma_wait3A_27 : memref<1x62x128xi32, #tpu.memory_space<hbm>> -> memref<62x128xi32, #tpu.memory_space<hbm>>
      %dma_wait3A_29 = arith.constant 0 : i32
      %dma_wait3A_30 = arith.constant 0 : i32
      %dma_wait3A_31 = tpu.memref_slice %arg3[%add3A, %dma_wait3A_29, %dma_wait3A_30] : memref<32x62x128xi32, #tpu.memory_space<hbm>> -> memref<1x62x128xi32, #tpu.memory_space<hbm>>
      %dma_wait3A_32 = tpu.memref_squeeze %dma_wait3A_31 : memref<1x62x128xi32, #tpu.memory_space<hbm>> -> memref<62x128xi32, #tpu.memory_space<hbm>>
      tpu.wait_dma2 semaphore(%run_scoped3A : memref<!tpu.dma_semaphore, #tpu.memory_space<semaphore_mem>>) src(%dma_wait3A_32 : memref<62x128xi32, #tpu.memory_space<hbm>>) dst(%arg6 : memref<62x128xi32, #tpu.memory_space<vmem>>)
      tpu.yield
    }) : () -> ()
    %barrier3A = arith.constant 0 : index
    tpu.barrier barrier_id(%barrier3A)
    %dma_start3A = arith.constant 0 : i32
    %dma_start3A_5 = tpu.memref_slice %arg2[%mul3A_4, %dma_start3A] : memref<253952x128xf32, #tpu.memory_space<hbm>> -> memref<128x128xf32, #tpu.memory_space<hbm>>
    %dma_start3A_6 = arith.constant 0 : i32
    %dma_start3A_7 = tpu.memref_slice %arg2[%mul3A_4, %dma_start3A_6] : memref<253952x128xf32, #tpu.memory_space<hbm>> -> memref<128x128xf32, #tpu.memory_space<hbm>>
    tpu.enqueue_dma source(%dma_start3A_7 : memref<128x128xf32, #tpu.memory_space<hbm>>) target(%arg7 : memref<128x128xf32, #tpu.memory_space<vmem>>) target_semaphore(%arg10 : memref<!tpu.dma_semaphore, #tpu.memory_space<semaphore_mem>>)
    %scan3A = arith.constant 0 : i32
    %scan3A_8 = arith.constant 0 : i32
    %scan3A_9 = arith.constant 31 : i32
    %scan3A_10 = arith.addi %scan3A_8, %scan3A_9 : i32
    %scan3A_11 = arith.constant 1 : i32
    scf.for %scan3A_18 = %scan3A_8 to %scan3A_10 step %scan3A_11  : i32 {
      %mul3A_19 = arith.constant 2 : i32
      %mul3A_20 = arith.muli %scan3A_18, %mul3A_19 : i32
      %add3A_21 = arith.constant 0 : i32
      %add3A_22 = arith.addi %mul3A_20, %add3A_21 : i32
      %add3A_23 = arith.constant 1 : i32
      %add3A_24 = arith.addi %add3A_22, %add3A_23 : i32
      %lt3A = arith.constant 62 : i32
      %lt3A_25 = arith.cmpi slt, %add3A_24, %lt3A : i32
      %convert_element_type3A = arith.extui %lt3A_25 : i1 to i32
      %cond3A = arith.constant 0 : i32
      %cond3A_26 = arith.cmpi ne, %convert_element_type3A, %cond3A : i32
      scf.if %cond3A_26 {
        %mul3A_45 = arith.constant 128 : i32
        %mul3A_46 = arith.muli %add3A_24, %mul3A_45 : i32
        %add3A_47 = arith.addi %mul3A_4, %mul3A_46 : i32
        %dma_start3A_48 = arith.constant 0 : i32
        %dma_start3A_49 = tpu.memref_slice %arg2[%add3A_47, %dma_start3A_48] : memref<253952x128xf32, #tpu.memory_space<hbm>> -> memref<128x128xf32, #tpu.memory_space<hbm>>
        %dma_start3A_50 = arith.constant 0 : i32
        %dma_start3A_51 = tpu.memref_slice %arg2[%add3A_47, %dma_start3A_50] : memref<253952x128xf32, #tpu.memory_space<hbm>> -> memref<128x128xf32, #tpu.memory_space<hbm>>
        tpu.enqueue_dma source(%dma_start3A_51 : memref<128x128xf32, #tpu.memory_space<hbm>>) target(%arg8 : memref<128x128xf32, #tpu.memory_space<vmem>>) target_semaphore(%arg10 : memref<!tpu.dma_semaphore, #tpu.memory_space<semaphore_mem>>)
      } else {
      }
      %dma_wait3A = arith.constant 0 : i32
      %dma_wait3A_27 = tpu.memref_slice %arg2[%mul3A_4, %dma_wait3A] : memref<253952x128xf32, #tpu.memory_space<hbm>> -> memref<128x128xf32, #tpu.memory_space<hbm>>
      %dma_wait3A_28 = arith.constant 0 : i32
      %dma_wait3A_29 = tpu.memref_slice %arg2[%mul3A_4, %dma_wait3A_28] : memref<253952x128xf32, #tpu.memory_space<hbm>> -> memref<128x128xf32, #tpu.memory_space<hbm>>
      tpu.wait_dma2 semaphore(%arg10 : memref<!tpu.dma_semaphore, #tpu.memory_space<semaphore_mem>>) src(%dma_wait3A_29 : memref<128x128xf32, #tpu.memory_space<hbm>>) dst(%arg7 : memref<128x128xf32, #tpu.memory_space<vmem>>)
      "tpu.region"() ({
        %run_scoped3A = tpu.sem_alloc : memref<!tpu.dma_semaphore, #tpu.memory_space<semaphore_mem>>
        %dma_start3A_45 = arith.constant 0 : i32
        %dma_start3A_46 = tpu.memref_slice %arg6[%add3A_22, %dma_start3A_45] : memref<62x128xi32, #tpu.memory_space<vmem>> -> memref<1x128xi32, #tpu.memory_space<vmem>>
        %dma_start3A_47 = tpu.memref_squeeze %dma_start3A_46 : memref<1x128xi32, #tpu.memory_space<vmem>> -> memref<128xi32, #tpu.memory_space<vmem>>
        %dma_start3A_48 = arith.constant 0 : i32
        %dma_start3A_49 = arith.constant 0 : i32
        %dma_start3A_50 = tpu.memref_slice %arg9[%dma_start3A_48, %dma_start3A_49] : memref<10240x128xf32, #tpu.memory_space<vmem_shared>> -> memref<10240x128xf32, #tpu.memory_space<vmem_shared>>
        tpu.enqueue_indirect_dma source(%arg7 : memref<128x128xf32, #tpu.memory_space<vmem>>) target(%dma_start3A_50 : memref<10240x128xf32, #tpu.memory_space<vmem_shared>>) offsets(%dma_start3A_47 : memref<128xi32, #tpu.memory_space<vmem>>) semaphore(%run_scoped3A : memref<!tpu.dma_semaphore, #tpu.memory_space<semaphore_mem>>) {add = true}
        %dma_wait3A_51 = arith.constant 0 : i32
        %dma_wait3A_52 = tpu.memref_slice %arg6[%add3A_22, %dma_wait3A_51] : memref<62x128xi32, #tpu.memory_space<vmem>> -> memref<1x128xi32, #tpu.memory_space<vmem>>
        %dma_wait3A_53 = tpu.memref_squeeze %dma_wait3A_52 : memref<1x128xi32, #tpu.memory_space<vmem>> -> memref<128xi32, #tpu.memory_space<vmem>>
        %dma_wait3A_54 = arith.constant 0 : i32
        %dma_wait3A_55 = arith.constant 0 : i32
        %dma_wait3A_56 = tpu.memref_slice %arg9[%dma_wait3A_54, %dma_wait3A_55] : memref<10240x128xf32, #tpu.memory_space<vmem_shared>> -> memref<10240x128xf32, #tpu.memory_space<vmem_shared>>
        tpu.wait_indirect_dma semaphore(%run_scoped3A : memref<!tpu.dma_semaphore, #tpu.memory_space<semaphore_mem>>) src(%arg7 : memref<128x128xf32, #tpu.memory_space<vmem>>) dst(%dma_wait3A_56 : memref<10240x128xf32, #tpu.memory_space<vmem_shared>>)
        tpu.yield
      }) : () -> ()
      %mul3A_30 = arith.constant 2 : i32
      %mul3A_31 = arith.muli %scan3A_18, %mul3A_30 : i32
      %add3A_32 = arith.constant 1 : i32
      %add3A_33 = arith.addi %mul3A_31, %add3A_32 : i32
      %add3A_34 = arith.constant 1 : i32
      %add3A_35 = arith.addi %add3A_33, %add3A_34 : i32
      %lt3A_36 = arith.constant 62 : i32
      %lt3A_37 = arith.cmpi slt, %add3A_35, %lt3A_36 : i32
      %convert_element_type3A_38 = arith.extui %lt3A_37 : i1 to i32
      %cond3A_39 = arith.constant 0 : i32
      %cond3A_40 = arith.cmpi ne, %convert_element_type3A_38, %cond3A_39 : i32
      scf.if %cond3A_40 {
        %mul3A_45 = arith.constant 128 : i32
        %mul3A_46 = arith.muli %add3A_35, %mul3A_45 : i32
        %add3A_47 = arith.addi %mul3A_4, %mul3A_46 : i32
        %dma_start3A_48 = arith.constant 0 : i32
        %dma_start3A_49 = tpu.memref_slice %arg2[%add3A_47, %dma_start3A_48] : memref<253952x128xf32, #tpu.memory_space<hbm>> -> memref<128x128xf32, #tpu.memory_space<hbm>>
        %dma_start3A_50 = arith.constant 0 : i32
        %dma_start3A_51 = tpu.memref_slice %arg2[%add3A_47, %dma_start3A_50] : memref<253952x128xf32, #tpu.memory_space<hbm>> -> memref<128x128xf32, #tpu.memory_space<hbm>>
        tpu.enqueue_dma source(%dma_start3A_51 : memref<128x128xf32, #tpu.memory_space<hbm>>) target(%arg7 : memref<128x128xf32, #tpu.memory_space<vmem>>) target_semaphore(%arg10 : memref<!tpu.dma_semaphore, #tpu.memory_space<semaphore_mem>>)
      } else {
      }
      %dma_wait3A_41 = arith.constant 0 : i32
      %dma_wait3A_42 = tpu.memref_slice %arg2[%mul3A_4, %dma_wait3A_41] : memref<253952x128xf32, #tpu.memory_space<hbm>> -> memref<128x128xf32, #tpu.memory_space<hbm>>
      %dma_wait3A_43 = arith.constant 0 : i32
      %dma_wait3A_44 = tpu.memref_slice %arg2[%mul3A_4, %dma_wait3A_43] : memref<253952x128xf32, #tpu.memory_space<hbm>> -> memref<128x128xf32, #tpu.memory_space<hbm>>
      tpu.wait_dma2 semaphore(%arg10 : memref<!tpu.dma_semaphore, #tpu.memory_space<semaphore_mem>>) src(%dma_wait3A_44 : memref<128x128xf32, #tpu.memory_space<hbm>>) dst(%arg8 : memref<128x128xf32, #tpu.memory_space<vmem>>)
      "tpu.region"() ({
        %run_scoped3A = tpu.sem_alloc : memref<!tpu.dma_semaphore, #tpu.memory_space<semaphore_mem>>
        %dma_start3A_45 = arith.constant 0 : i32
        %dma_start3A_46 = tpu.memref_slice %arg6[%add3A_33, %dma_start3A_45] : memref<62x128xi32, #tpu.memory_space<vmem>> -> memref<1x128xi32, #tpu.memory_space<vmem>>
        %dma_start3A_47 = tpu.memref_squeeze %dma_start3A_46 : memref<1x128xi32, #tpu.memory_space<vmem>> -> memref<128xi32, #tpu.memory_space<vmem>>
        %dma_start3A_48 = arith.constant 0 : i32
        %dma_start3A_49 = arith.constant 0 : i32
        %dma_start3A_50 = tpu.memref_slice %arg9[%dma_start3A_48, %dma_start3A_49] : memref<10240x128xf32, #tpu.memory_space<vmem_shared>> -> memref<10240x128xf32, #tpu.memory_space<vmem_shared>>
        tpu.enqueue_indirect_dma source(%arg8 : memref<128x128xf32, #tpu.memory_space<vmem>>) target(%dma_start3A_50 : memref<10240x128xf32, #tpu.memory_space<vmem_shared>>) offsets(%dma_start3A_47 : memref<128xi32, #tpu.memory_space<vmem>>) semaphore(%run_scoped3A : memref<!tpu.dma_semaphore, #tpu.memory_space<semaphore_mem>>) {add = true}
        %dma_wait3A_51 = arith.constant 0 : i32
        %dma_wait3A_52 = tpu.memref_slice %arg6[%add3A_33, %dma_wait3A_51] : memref<62x128xi32, #tpu.memory_space<vmem>> -> memref<1x128xi32, #tpu.memory_space<vmem>>
        %dma_wait3A_53 = tpu.memref_squeeze %dma_wait3A_52 : memref<1x128xi32, #tpu.memory_space<vmem>> -> memref<128xi32, #tpu.memory_space<vmem>>
        %dma_wait3A_54 = arith.constant 0 : i32
        %dma_wait3A_55 = arith.constant 0 : i32
        %dma_wait3A_56 = tpu.memref_slice %arg9[%dma_wait3A_54, %dma_wait3A_55] : memref<10240x128xf32, #tpu.memory_space<vmem_shared>> -> memref<10240x128xf32, #tpu.memory_space<vmem_shared>>
        tpu.wait_indirect_dma semaphore(%run_scoped3A : memref<!tpu.dma_semaphore, #tpu.memory_space<semaphore_mem>>) src(%arg8 : memref<128x128xf32, #tpu.memory_space<vmem>>) dst(%dma_wait3A_56 : memref<10240x128xf32, #tpu.memory_space<vmem_shared>>)
        tpu.yield
      }) : () -> ()
    }
    %scan3A_12 = arith.constant 31 : i32
    %barrier3A_13 = arith.constant 0 : index
    tpu.barrier barrier_id(%barrier3A_13)
    %mul3A_14 = arith.constant 640 : i32
    %mul3A_15 = arith.muli %arg1, %mul3A_14 : i32
    %mul3A_16 = arith.constant 640 : i32
    %mul3A_17 = arith.muli %arg1, %mul3A_16 : i32
    "tpu.region"() ({
      %run_scoped3A = tpu.sem_alloc : memref<!tpu.dma_semaphore, #tpu.memory_space<semaphore_mem>>
      %dma_start3A_18 = arith.constant 0 : i32
      %dma_start3A_19 = arith.constant 0 : i32
      %dma_start3A_20 = tpu.memref_slice %arg5[%arg0, %dma_start3A_18, %dma_start3A_19] : memref<2x10240x128xf32, #tpu.memory_space<hbm>> -> memref<1x10240x128xf32, #tpu.memory_space<hbm>>
      %dma_start3A_21 = tpu.memref_squeeze %dma_start3A_20 : memref<1x10240x128xf32, #tpu.memory_space<hbm>> -> memref<10240x128xf32, #tpu.memory_space<hbm>>
      %dma_start3A_22 = arith.constant 0 : i32
      %dma_start3A_23 = tpu.memref_slice %dma_start3A_21[%mul3A_17, %dma_start3A_22] : memref<10240x128xf32, #tpu.memory_space<hbm>> -> memref<640x128xf32, #tpu.memory_space<hbm>>
      %dma_start3A_24 = arith.constant 0 : i32
      %dma_start3A_25 = tpu.memref_slice %arg9[%mul3A_15, %dma_start3A_24] : memref<10240x128xf32, #tpu.memory_space<vmem_shared>> -> memref<640x128xf32, #tpu.memory_space<vmem_shared>>
      tpu.enqueue_dma source(%dma_start3A_25 : memref<640x128xf32, #tpu.memory_space<vmem_shared>>) target(%dma_start3A_23 : memref<640x128xf32, #tpu.memory_space<hbm>>) target_semaphore(%run_scoped3A : memref<!tpu.dma_semaphore, #tpu.memory_space<semaphore_mem>>)
      %dma_wait3A = arith.constant 0 : i32
      %dma_wait3A_26 = arith.constant 0 : i32
      %dma_wait3A_27 = tpu.memref_slice %arg5[%arg0, %dma_wait3A, %dma_wait3A_26] : memref<2x10240x128xf32, #tpu.memory_space<hbm>> -> memref<1x10240x128xf32, #tpu.memory_space<hbm>>
      %dma_wait3A_28 = tpu.memref_squeeze %dma_wait3A_27 : memref<1x10240x128xf32, #tpu.memory_space<hbm>> -> memref<10240x128xf32, #tpu.memory_space<hbm>>
      %dma_wait3A_29 = arith.constant 0 : i32
      %dma_wait3A_30 = tpu.memref_slice %dma_wait3A_28[%mul3A_17, %dma_wait3A_29] : memref<10240x128xf32, #tpu.memory_space<hbm>> -> memref<640x128xf32, #tpu.memory_space<hbm>>
      %dma_wait3A_31 = arith.constant 0 : i32
      %dma_wait3A_32 = tpu.memref_slice %arg9[%mul3A_15, %dma_wait3A_31] : memref<10240x128xf32, #tpu.memory_space<vmem_shared>> -> memref<640x128xf32, #tpu.memory_space<vmem_shared>>
      tpu.wait_dma2 semaphore(%run_scoped3A : memref<!tpu.dma_semaphore, #tpu.memory_space<semaphore_mem>>) src(%dma_wait3A_32 : memref<640x128xf32, #tpu.memory_space<vmem_shared>>) dst(%dma_wait3A_30 : memref<640x128xf32, #tpu.memory_space<hbm>>)
      tpu.yield
    }) : () -> ()
    return
  }
}

#map = affine_map<(d0, d1) -> (0, 0)>
#map1 = affine_map<(d0, d1) -> (0, 0, 0)>
module attributes {stable_mosaic.version = 14 : i64} {
  func.func @_sc_scatter(%arg0: i32, %arg1: i32, %arg2: memref<253952x128xf32, #tpu.memory_space<hbm>>, %arg3: memref<32x62x128xi32, #tpu.memory_space<hbm>>, %arg4: memref<640x128xf32, #tpu.memory_space<hbm>>, %arg5: memref<2x10240x128xf32, #tpu.memory_space<hbm>>, %arg6: memref<62x128xi32, #tpu.memory_space<vmem>>, %arg7: memref<128x128xf32, #tpu.memory_space<vmem>>, %arg8: memref<128x128xf32, #tpu.memory_space<vmem>>, %arg9: memref<10240x128xf32, #tpu.memory_space<vmem_shared>>, %arg10: memref<!tpu.dma_semaphore, #tpu.memory_space<semaphore_mem>>) attributes {dimension_semantics = [#tpu.dimension_semantics<core_parallel>, #tpu.dimension_semantics<subcore_parallel>], iteration_bounds = array<i64: 2, 16>, scalar_prefetch = 0 : i64, scratch_operands = 5 : i64, tpu.core_type = #tpu.core_type<sc_vector_subcore>, window_params = [{transform_indices = #map}, {transform_indices = #map1}, {transform_indices = #map}, {transform_indices = #map1}]} {
    %mul3A = arith.constant 640 : i32
    %mul3A_0 = arith.muli %arg1, %mul3A : i32
    "tpu.region"() ({
      %run_scoped3A = tpu.sem_alloc : memref<!tpu.dma_semaphore, #tpu.memory_space<semaphore_mem>>
      %dma_start3A_18 = arith.constant 0 : i32
      %dma_start3A_19 = tpu.memref_slice %arg9[%mul3A_0, %dma_start3A_18] : memref<10240x128xf32, #tpu.memory_space<vmem_shared>> -> memref<640x128xf32, #tpu.memory_space<vmem_shared>>
      tpu.enqueue_dma source(%arg4 : memref<640x128xf32, #tpu.memory_space<hbm>>) target(%dma_start3A_19 : memref<640x128xf32, #tpu.memory_space<vmem_shared>>) target_semaphore(%run_scoped3A : memref<!tpu.dma_semaphore, #tpu.memory_space<semaphore_mem>>)
      %dma_wait3A = arith.constant 0 : i32
      %dma_wait3A_20 = tpu.memref_slice %arg9[%mul3A_0, %dma_wait3A] : memref<10240x128xf32, #tpu.memory_space<vmem_shared>> -> memref<640x128xf32, #tpu.memory_space<vmem_shared>>
      tpu.wait_dma2 semaphore(%run_scoped3A : memref<!tpu.dma_semaphore, #tpu.memory_space<semaphore_mem>>) src(%arg4 : memref<640x128xf32, #tpu.memory_space<hbm>>) dst(%dma_wait3A_20 : memref<640x128xf32, #tpu.memory_space<vmem_shared>>)
      tpu.yield
    }) : () -> ()
    %mul3A_1 = arith.constant 2 : i32
    %mul3A_2 = arith.muli %arg1, %mul3A_1 : i32
    %add3A = arith.addi %mul3A_2, %arg0 : i32
    %mul3A_3 = arith.constant 7936 : i32
    %mul3A_4 = arith.muli %add3A, %mul3A_3 : i32
    "tpu.region"() ({
      %run_scoped3A = tpu.sem_alloc : memref<!tpu.dma_semaphore, #tpu.memory_space<semaphore_mem>>
      %dma_start3A_18 = arith.constant 0 : i32
      %dma_start3A_19 = arith.constant 0 : i32
      %dma_start3A_20 = tpu.memref_slice %arg3[%add3A, %dma_start3A_18, %dma_start3A_19] : memref<32x62x128xi32, #tpu.memory_space<hbm>> -> memref<1x62x128xi32, #tpu.memory_space<hbm>>
      %dma_start3A_21 = tpu.memref_squeeze %dma_start3A_20 : memref<1x62x128xi32, #tpu.memory_space<hbm>> -> memref<62x128xi32, #tpu.memory_space<hbm>>
      %dma_start3A_22 = arith.constant 0 : i32
      %dma_start3A_23 = arith.constant 0 : i32
      %dma_start3A_24 = tpu.memref_slice %arg3[%add3A, %dma_start3A_22, %dma_start3A_23] : memref<32x62x128xi32, #tpu.memory_space<hbm>> -> memref<1x62x128xi32, #tpu.memory_space<hbm>>
      %dma_start3A_25 = tpu.memref_squeeze %dma_start3A_24 : memref<1x62x128xi32, #tpu.memory_space<hbm>> -> memref<62x128xi32, #tpu.memory_space<hbm>>
      tpu.enqueue_dma source(%dma_start3A_25 : memref<62x128xi32, #tpu.memory_space<hbm>>) target(%arg6 : memref<62x128xi32, #tpu.memory_space<vmem>>) target_semaphore(%run_scoped3A : memref<!tpu.dma_semaphore, #tpu.memory_space<semaphore_mem>>)
      %dma_wait3A = arith.constant 0 : i32
      %dma_wait3A_26 = arith.constant 0 : i32
      %dma_wait3A_27 = tpu.memref_slice %arg3[%add3A, %dma_wait3A, %dma_wait3A_26] : memref<32x62x128xi32, #tpu.memory_space<hbm>> -> memref<1x62x128xi32, #tpu.memory_space<hbm>>
      %dma_wait3A_28 = tpu.memref_squeeze %dma_wait3A_27 : memref<1x62x128xi32, #tpu.memory_space<hbm>> -> memref<62x128xi32, #tpu.memory_space<hbm>>
      %dma_wait3A_29 = arith.constant 0 : i32
      %dma_wait3A_30 = arith.constant 0 : i32
      %dma_wait3A_31 = tpu.memref_slice %arg3[%add3A, %dma_wait3A_29, %dma_wait3A_30] : memref<32x62x128xi32, #tpu.memory_space<hbm>> -> memref<1x62x128xi32, #tpu.memory_space<hbm>>
      %dma_wait3A_32 = tpu.memref_squeeze %dma_wait3A_31 : memref<1x62x128xi32, #tpu.memory_space<hbm>> -> memref<62x128xi32, #tpu.memory_space<hbm>>
      tpu.wait_dma2 semaphore(%run_scoped3A : memref<!tpu.dma_semaphore, #tpu.memory_space<semaphore_mem>>) src(%dma_wait3A_32 : memref<62x128xi32, #tpu.memory_space<hbm>>) dst(%arg6 : memref<62x128xi32, #tpu.memory_space<vmem>>)
      tpu.yield
    }) : () -> ()
    %barrier3A = arith.constant 0 : index
    tpu.barrier barrier_id(%barrier3A)
    %dma_start3A = arith.constant 0 : i32
    %dma_start3A_5 = tpu.memref_slice %arg2[%mul3A_4, %dma_start3A] : memref<253952x128xf32, #tpu.memory_space<hbm>> -> memref<128x128xf32, #tpu.memory_space<hbm>>
    %dma_start3A_6 = arith.constant 0 : i32
    %dma_start3A_7 = tpu.memref_slice %arg2[%mul3A_4, %dma_start3A_6] : memref<253952x128xf32, #tpu.memory_space<hbm>> -> memref<128x128xf32, #tpu.memory_space<hbm>>
    tpu.enqueue_dma source(%dma_start3A_7 : memref<128x128xf32, #tpu.memory_space<hbm>>) target(%arg7 : memref<128x128xf32, #tpu.memory_space<vmem>>) target_semaphore(%arg10 : memref<!tpu.dma_semaphore, #tpu.memory_space<semaphore_mem>>)
    %scan3A = arith.constant 0 : i32
    %scan3A_8 = arith.constant 0 : i32
    %scan3A_9 = arith.constant 31 : i32
    %scan3A_10 = arith.addi %scan3A_8, %scan3A_9 : i32
    %scan3A_11 = arith.constant 1 : i32
    scf.for %scan3A_18 = %scan3A_8 to %scan3A_10 step %scan3A_11  : i32 {
      %mul3A_19 = arith.constant 2 : i32
      %mul3A_20 = arith.muli %scan3A_18, %mul3A_19 : i32
      %add3A_21 = arith.constant 0 : i32
      %add3A_22 = arith.addi %mul3A_20, %add3A_21 : i32
      %add3A_23 = arith.constant 1 : i32
      %add3A_24 = arith.addi %add3A_22, %add3A_23 : i32
      %lt3A = arith.constant 62 : i32
      %lt3A_25 = arith.cmpi slt, %add3A_24, %lt3A : i32
      %convert_element_type3A = arith.extui %lt3A_25 : i1 to i32
      %cond3A = arith.constant 0 : i32
      %cond3A_26 = arith.cmpi ne, %convert_element_type3A, %cond3A : i32
      scf.if %cond3A_26 {
        %mul3A_45 = arith.constant 128 : i32
        %mul3A_46 = arith.muli %add3A_24, %mul3A_45 : i32
        %add3A_47 = arith.addi %mul3A_4, %mul3A_46 : i32
        %dma_start3A_48 = arith.constant 0 : i32
        %dma_start3A_49 = tpu.memref_slice %arg2[%add3A_47, %dma_start3A_48] : memref<253952x128xf32, #tpu.memory_space<hbm>> -> memref<128x128xf32, #tpu.memory_space<hbm>>
        %dma_start3A_50 = arith.constant 0 : i32
        %dma_start3A_51 = tpu.memref_slice %arg2[%add3A_47, %dma_start3A_50] : memref<253952x128xf32, #tpu.memory_space<hbm>> -> memref<128x128xf32, #tpu.memory_space<hbm>>
        tpu.enqueue_dma source(%dma_start3A_51 : memref<128x128xf32, #tpu.memory_space<hbm>>) target(%arg8 : memref<128x128xf32, #tpu.memory_space<vmem>>) target_semaphore(%arg10 : memref<!tpu.dma_semaphore, #tpu.memory_space<semaphore_mem>>)
      } else {
      }
      %dma_wait3A = arith.constant 0 : i32
      %dma_wait3A_27 = tpu.memref_slice %arg2[%mul3A_4, %dma_wait3A] : memref<253952x128xf32, #tpu.memory_space<hbm>> -> memref<128x128xf32, #tpu.memory_space<hbm>>
      %dma_wait3A_28 = arith.constant 0 : i32
      %dma_wait3A_29 = tpu.memref_slice %arg2[%mul3A_4, %dma_wait3A_28] : memref<253952x128xf32, #tpu.memory_space<hbm>> -> memref<128x128xf32, #tpu.memory_space<hbm>>
      tpu.wait_dma2 semaphore(%arg10 : memref<!tpu.dma_semaphore, #tpu.memory_space<semaphore_mem>>) src(%dma_wait3A_29 : memref<128x128xf32, #tpu.memory_space<hbm>>) dst(%arg7 : memref<128x128xf32, #tpu.memory_space<vmem>>)
      "tpu.region"() ({
        %run_scoped3A = tpu.sem_alloc : memref<!tpu.dma_semaphore, #tpu.memory_space<semaphore_mem>>
        %dma_start3A_45 = arith.constant 0 : i32
        %dma_start3A_46 = tpu.memref_slice %arg6[%add3A_22, %dma_start3A_45] : memref<62x128xi32, #tpu.memory_space<vmem>> -> memref<1x128xi32, #tpu.memory_space<vmem>>
        %dma_start3A_47 = tpu.memref_squeeze %dma_start3A_46 : memref<1x128xi32, #tpu.memory_space<vmem>> -> memref<128xi32, #tpu.memory_space<vmem>>
        %dma_start3A_48 = arith.constant 0 : i32
        %dma_start3A_49 = arith.constant 0 : i32
        %dma_start3A_50 = tpu.memref_slice %arg9[%dma_start3A_48, %dma_start3A_49] : memref<10240x128xf32, #tpu.memory_space<vmem_shared>> -> memref<10240x128xf32, #tpu.memory_space<vmem_shared>>
        tpu.enqueue_indirect_dma source(%arg7 : memref<128x128xf32, #tpu.memory_space<vmem>>) target(%dma_start3A_50 : memref<10240x128xf32, #tpu.memory_space<vmem_shared>>) offsets(%dma_start3A_47 : memref<128xi32, #tpu.memory_space<vmem>>) semaphore(%run_scoped3A : memref<!tpu.dma_semaphore, #tpu.memory_space<semaphore_mem>>) {add = true}
        %dma_wait3A_51 = arith.constant 0 : i32
        %dma_wait3A_52 = tpu.memref_slice %arg6[%add3A_22, %dma_wait3A_51] : memref<62x128xi32, #tpu.memory_space<vmem>> -> memref<1x128xi32, #tpu.memory_space<vmem>>
        %dma_wait3A_53 = tpu.memref_squeeze %dma_wait3A_52 : memref<1x128xi32, #tpu.memory_space<vmem>> -> memref<128xi32, #tpu.memory_space<vmem>>
        %dma_wait3A_54 = arith.constant 0 : i32
        %dma_wait3A_55 = arith.constant 0 : i32
        %dma_wait3A_56 = tpu.memref_slice %arg9[%dma_wait3A_54, %dma_wait3A_55] : memref<10240x128xf32, #tpu.memory_space<vmem_shared>> -> memref<10240x128xf32, #tpu.memory_space<vmem_shared>>
        tpu.wait_indirect_dma semaphore(%run_scoped3A : memref<!tpu.dma_semaphore, #tpu.memory_space<semaphore_mem>>) src(%arg7 : memref<128x128xf32, #tpu.memory_space<vmem>>) dst(%dma_wait3A_56 : memref<10240x128xf32, #tpu.memory_space<vmem_shared>>)
        tpu.yield
      }) : () -> ()
      %mul3A_30 = arith.constant 2 : i32
      %mul3A_31 = arith.muli %scan3A_18, %mul3A_30 : i32
      %add3A_32 = arith.constant 1 : i32
      %add3A_33 = arith.addi %mul3A_31, %add3A_32 : i32
      %add3A_34 = arith.constant 1 : i32
      %add3A_35 = arith.addi %add3A_33, %add3A_34 : i32
      %lt3A_36 = arith.constant 62 : i32
      %lt3A_37 = arith.cmpi slt, %add3A_35, %lt3A_36 : i32
      %convert_element_type3A_38 = arith.extui %lt3A_37 : i1 to i32
      %cond3A_39 = arith.constant 0 : i32
      %cond3A_40 = arith.cmpi ne, %convert_element_type3A_38, %cond3A_39 : i32
      scf.if %cond3A_40 {
        %mul3A_45 = arith.constant 128 : i32
        %mul3A_46 = arith.muli %add3A_35, %mul3A_45 : i32
        %add3A_47 = arith.addi %mul3A_4, %mul3A_46 : i32
        %dma_start3A_48 = arith.constant 0 : i32
        %dma_start3A_49 = tpu.memref_slice %arg2[%add3A_47, %dma_start3A_48] : memref<253952x128xf32, #tpu.memory_space<hbm>> -> memref<128x128xf32, #tpu.memory_space<hbm>>
        %dma_start3A_50 = arith.constant 0 : i32
        %dma_start3A_51 = tpu.memref_slice %arg2[%add3A_47, %dma_start3A_50] : memref<253952x128xf32, #tpu.memory_space<hbm>> -> memref<128x128xf32, #tpu.memory_space<hbm>>
        tpu.enqueue_dma source(%dma_start3A_51 : memref<128x128xf32, #tpu.memory_space<hbm>>) target(%arg7 : memref<128x128xf32, #tpu.memory_space<vmem>>) target_semaphore(%arg10 : memref<!tpu.dma_semaphore, #tpu.memory_space<semaphore_mem>>)
      } else {
      }
      %dma_wait3A_41 = arith.constant 0 : i32
      %dma_wait3A_42 = tpu.memref_slice %arg2[%mul3A_4, %dma_wait3A_41] : memref<253952x128xf32, #tpu.memory_space<hbm>> -> memref<128x128xf32, #tpu.memory_space<hbm>>
      %dma_wait3A_43 = arith.constant 0 : i32
      %dma_wait3A_44 = tpu.memref_slice %arg2[%mul3A_4, %dma_wait3A_43] : memref<253952x128xf32, #tpu.memory_space<hbm>> -> memref<128x128xf32, #tpu.memory_space<hbm>>
      tpu.wait_dma2 semaphore(%arg10 : memref<!tpu.dma_semaphore, #tpu.memory_space<semaphore_mem>>) src(%dma_wait3A_44 : memref<128x128xf32, #tpu.memory_space<hbm>>) dst(%arg8 : memref<128x128xf32, #tpu.memory_space<vmem>>)
      "tpu.region"() ({
        %run_scoped3A = tpu.sem_alloc : memref<!tpu.dma_semaphore, #tpu.memory_space<semaphore_mem>>
        %dma_start3A_45 = arith.constant 0 : i32
        %dma_start3A_46 = tpu.memref_slice %arg6[%add3A_33, %dma_start3A_45] : memref<62x128xi32, #tpu.memory_space<vmem>> -> memref<1x128xi32, #tpu.memory_space<vmem>>
        %dma_start3A_47 = tpu.memref_squeeze %dma_start3A_46 : memref<1x128xi32, #tpu.memory_space<vmem>> -> memref<128xi32, #tpu.memory_space<vmem>>
        %dma_start3A_48 = arith.constant 0 : i32
        %dma_start3A_49 = arith.constant 0 : i32
        %dma_start3A_50 = tpu.memref_slice %arg9[%dma_start3A_48, %dma_start3A_49] : memref<10240x128xf32, #tpu.memory_space<vmem_shared>> -> memref<10240x128xf32, #tpu.memory_space<vmem_shared>>
        tpu.enqueue_indirect_dma source(%arg8 : memref<128x128xf32, #tpu.memory_space<vmem>>) target(%dma_start3A_50 : memref<10240x128xf32, #tpu.memory_space<vmem_shared>>) offsets(%dma_start3A_47 : memref<128xi32, #tpu.memory_space<vmem>>) semaphore(%run_scoped3A : memref<!tpu.dma_semaphore, #tpu.memory_space<semaphore_mem>>) {add = true}
        %dma_wait3A_51 = arith.constant 0 : i32
        %dma_wait3A_52 = tpu.memref_slice %arg6[%add3A_33, %dma_wait3A_51] : memref<62x128xi32, #tpu.memory_space<vmem>> -> memref<1x128xi32, #tpu.memory_space<vmem>>
        %dma_wait3A_53 = tpu.memref_squeeze %dma_wait3A_52 : memref<1x128xi32, #tpu.memory_space<vmem>> -> memref<128xi32, #tpu.memory_space<vmem>>
        %dma_wait3A_54 = arith.constant 0 : i32
        %dma_wait3A_55 = arith.constant 0 : i32
        %dma_wait3A_56 = tpu.memref_slice %arg9[%dma_wait3A_54, %dma_wait3A_55] : memref<10240x128xf32, #tpu.memory_space<vmem_shared>> -> memref<10240x128xf32, #tpu.memory_space<vmem_shared>>
        tpu.wait_indirect_dma semaphore(%run_scoped3A : memref<!tpu.dma_semaphore, #tpu.memory_space<semaphore_mem>>) src(%arg8 : memref<128x128xf32, #tpu.memory_space<vmem>>) dst(%dma_wait3A_56 : memref<10240x128xf32, #tpu.memory_space<vmem_shared>>)
        tpu.yield
      }) : () -> ()
    }
    %scan3A_12 = arith.constant 31 : i32
    %barrier3A_13 = arith.constant 0 : index
    tpu.barrier barrier_id(%barrier3A_13)
    %mul3A_14 = arith.constant 640 : i32
    %mul3A_15 = arith.muli %arg1, %mul3A_14 : i32
    %mul3A_16 = arith.constant 640 : i32
    %mul3A_17 = arith.muli %arg1, %mul3A_16 : i32
    "tpu.region"() ({
      %run_scoped3A = tpu.sem_alloc : memref<!tpu.dma_semaphore, #tpu.memory_space<semaphore_mem>>
      %dma_start3A_18 = arith.constant 0 : i32
      %dma_start3A_19 = arith.constant 0 : i32
      %dma_start3A_20 = tpu.memref_slice %arg5[%arg0, %dma_start3A_18, %dma_start3A_19] : memref<2x10240x128xf32, #tpu.memory_space<hbm>> -> memref<1x10240x128xf32, #tpu.memory_space<hbm>>
      %dma_start3A_21 = tpu.memref_squeeze %dma_start3A_20 : memref<1x10240x128xf32, #tpu.memory_space<hbm>> -> memref<10240x128xf32, #tpu.memory_space<hbm>>
      %dma_start3A_22 = arith.constant 0 : i32
      %dma_start3A_23 = tpu.memref_slice %dma_start3A_21[%mul3A_17, %dma_start3A_22] : memref<10240x128xf32, #tpu.memory_space<hbm>> -> memref<640x128xf32, #tpu.memory_space<hbm>>
      %dma_start3A_24 = arith.constant 0 : i32
      %dma_start3A_25 = tpu.memref_slice %arg9[%mul3A_15, %dma_start3A_24] : memref<10240x128xf32, #tpu.memory_space<vmem_shared>> -> memref<640x128xf32, #tpu.memory_space<vmem_shared>>
      tpu.enqueue_dma source(%dma_start3A_25 : memref<640x128xf32, #tpu.memory_space<vmem_shared>>) target(%dma_start3A_23 : memref<640x128xf32, #tpu.memory_space<hbm>>) target_semaphore(%run_scoped3A : memref<!tpu.dma_semaphore, #tpu.memory_space<semaphore_mem>>)
      %dma_wait3A = arith.constant 0 : i32
      %dma_wait3A_26 = arith.constant 0 : i32
      %dma_wait3A_27 = tpu.memref_slice %arg5[%arg0, %dma_wait3A, %dma_wait3A_26] : memref<2x10240x128xf32, #tpu.memory_space<hbm>> -> memref<1x10240x128xf32, #tpu.memory_space<hbm>>
      %dma_wait3A_28 = tpu.memref_squeeze %dma_wait3A_27 : memref<1x10240x128xf32, #tpu.memory_space<hbm>> -> memref<10240x128xf32, #tpu.memory_space<hbm>>
      %dma_wait3A_29 = arith.constant 0 : i32
      %dma_wait3A_30 = tpu.memref_slice %dma_wait3A_28[%mul3A_17, %dma_wait3A_29] : memref<10240x128xf32, #tpu.memory_space<hbm>> -> memref<640x128xf32, #tpu.memory_space<hbm>>
      %dma_wait3A_31 = arith.constant 0 : i32
      %dma_wait3A_32 = tpu.memref_slice %arg9[%mul3A_15, %dma_wait3A_31] : memref<10240x128xf32, #tpu.memory_space<vmem_shared>> -> memref<640x128xf32, #tpu.memory_space<vmem_shared>>
      tpu.wait_dma2 semaphore(%run_scoped3A : memref<!tpu.dma_semaphore, #tpu.memory_space<semaphore_mem>>) src(%dma_wait3A_32 : memref<640x128xf32, #tpu.memory_space<vmem_shared>>) dst(%dma_wait3A_30 : memref<640x128xf32, #tpu.memory_space<hbm>>)
      tpu.yield
    }) : () -> ()
    return
  }
}

#map = affine_map<(d0, d1) -> (0, 0)>
#map1 = affine_map<(d0, d1) -> (0, 0, 0)>
module attributes {stable_mosaic.version = 14 : i64} {
  func.func @_sc_gather(%arg0: i32, %arg1: i32, %arg2: memref<10000x128xf32, #tpu.memory_space<hbm>>, %arg3: memref<10000x128xf32, #tpu.memory_space<hbm>>, %arg4: memref<32x62x128xi32, #tpu.memory_space<hbm>>, %arg5: memref<32x62x128xi32, #tpu.memory_space<hbm>>, %arg6: memref<253952x128xf32, #tpu.memory_space<hbm>>, %arg7: memref<62x128xi32, #tpu.memory_space<vmem>>, %arg8: memref<62x128xi32, #tpu.memory_space<vmem>>, %arg9: memref<128x128xf32, #tpu.memory_space<vmem>>, %arg10: memref<128x128xf32, #tpu.memory_space<vmem>>, %arg11: memref<128x128xf32, #tpu.memory_space<vmem>>, %arg12: memref<128x128xf32, #tpu.memory_space<vmem>>, %arg13: memref<!tpu.dma_semaphore, #tpu.memory_space<semaphore_mem>>, %arg14: memref<!tpu.dma_semaphore, #tpu.memory_space<semaphore_mem>>) attributes {dimension_semantics = [#tpu.dimension_semantics<core_parallel>, #tpu.dimension_semantics<subcore_parallel>], iteration_bounds = array<i64: 2, 16>, scalar_prefetch = 0 : i64, scratch_operands = 8 : i64, tpu.core_type = #tpu.core_type<sc_vector_subcore>, window_params = [{transform_indices = #map}, {transform_indices = #map}, {transform_indices = #map1}, {transform_indices = #map1}, {transform_indices = #map}]} {
    %mul3A = arith.constant 2 : i32
    %mul3A_0 = arith.muli %arg1, %mul3A : i32
    %add3A = arith.addi %mul3A_0, %arg0 : i32
    %mul3A_1 = arith.constant 7936 : i32
    %mul3A_2 = arith.muli %add3A, %mul3A_1 : i32
    "tpu.region"() ({
      %run_scoped3A = tpu.sem_alloc : memref<!tpu.dma_semaphore, #tpu.memory_space<semaphore_mem>>
      %dma_start3A_21 = arith.constant 0 : i32
      %dma_start3A_22 = arith.constant 0 : i32
      %dma_start3A_23 = tpu.memref_slice %arg4[%add3A, %dma_start3A_21, %dma_start3A_22] : memref<32x62x128xi32, #tpu.memory_space<hbm>> -> memref<1x62x128xi32, #tpu.memory_space<hbm>>
      %dma_start3A_24 = tpu.memref_squeeze %dma_start3A_23 : memref<1x62x128xi32, #tpu.memory_space<hbm>> -> memref<62x128xi32, #tpu.memory_space<hbm>>
      %dma_start3A_25 = arith.constant 0 : i32
      %dma_start3A_26 = arith.constant 0 : i32
      %dma_start3A_27 = tpu.memref_slice %arg4[%add3A, %dma_start3A_25, %dma_start3A_26] : memref<32x62x128xi32, #tpu.memory_space<hbm>> -> memref<1x62x128xi32, #tpu.memory_space<hbm>>
      %dma_start3A_28 = tpu.memref_squeeze %dma_start3A_27 : memref<1x62x128xi32, #tpu.memory_space<hbm>> -> memref<62x128xi32, #tpu.memory_space<hbm>>
      tpu.enqueue_dma source(%dma_start3A_28 : memref<62x128xi32, #tpu.memory_space<hbm>>) target(%arg7 : memref<62x128xi32, #tpu.memory_space<vmem>>) target_semaphore(%run_scoped3A : memref<!tpu.dma_semaphore, #tpu.memory_space<semaphore_mem>>)
      %dma_wait3A = arith.constant 0 : i32
      %dma_wait3A_29 = arith.constant 0 : i32
      %dma_wait3A_30 = tpu.memref_slice %arg4[%add3A, %dma_wait3A, %dma_wait3A_29] : memref<32x62x128xi32, #tpu.memory_space<hbm>> -> memref<1x62x128xi32, #tpu.memory_space<hbm>>
      %dma_wait3A_31 = tpu.memref_squeeze %dma_wait3A_30 : memref<1x62x128xi32, #tpu.memory_space<hbm>> -> memref<62x128xi32, #tpu.memory_space<hbm>>
      %dma_wait3A_32 = arith.constant 0 : i32
      %dma_wait3A_33 = arith.constant 0 : i32
      %dma_wait3A_34 = tpu.memref_slice %arg4[%add3A, %dma_wait3A_32, %dma_wait3A_33] : memref<32x62x128xi32, #tpu.memory_space<hbm>> -> memref<1x62x128xi32, #tpu.memory_space<hbm>>
      %dma_wait3A_35 = tpu.memref_squeeze %dma_wait3A_34 : memref<1x62x128xi32, #tpu.memory_space<hbm>> -> memref<62x128xi32, #tpu.memory_space<hbm>>
      tpu.wait_dma2 semaphore(%run_scoped3A : memref<!tpu.dma_semaphore, #tpu.memory_space<semaphore_mem>>) src(%dma_wait3A_35 : memref<62x128xi32, #tpu.memory_space<hbm>>) dst(%arg7 : memref<62x128xi32, #tpu.memory_space<vmem>>)
      tpu.yield
    }) : () -> ()
    "tpu.region"() ({
      %run_scoped3A = tpu.sem_alloc : memref<!tpu.dma_semaphore, #tpu.memory_space<semaphore_mem>>
      %dma_start3A_21 = arith.constant 0 : i32
      %dma_start3A_22 = arith.constant 0 : i32
      %dma_start3A_23 = tpu.memref_slice %arg5[%add3A, %dma_start3A_21, %dma_start3A_22] : memref<32x62x128xi32, #tpu.memory_space<hbm>> -> memref<1x62x128xi32, #tpu.memory_space<hbm>>
      %dma_start3A_24 = tpu.memref_squeeze %dma_start3A_23 : memref<1x62x128xi32, #tpu.memory_space<hbm>> -> memref<62x128xi32, #tpu.memory_space<hbm>>
      %dma_start3A_25 = arith.constant 0 : i32
      %dma_start3A_26 = arith.constant 0 : i32
      %dma_start3A_27 = tpu.memref_slice %arg5[%add3A, %dma_start3A_25, %dma_start3A_26] : memref<32x62x128xi32, #tpu.memory_space<hbm>> -> memref<1x62x128xi32, #tpu.memory_space<hbm>>
      %dma_start3A_28 = tpu.memref_squeeze %dma_start3A_27 : memref<1x62x128xi32, #tpu.memory_space<hbm>> -> memref<62x128xi32, #tpu.memory_space<hbm>>
      tpu.enqueue_dma source(%dma_start3A_28 : memref<62x128xi32, #tpu.memory_space<hbm>>) target(%arg8 : memref<62x128xi32, #tpu.memory_space<vmem>>) target_semaphore(%run_scoped3A : memref<!tpu.dma_semaphore, #tpu.memory_space<semaphore_mem>>)
      %dma_wait3A = arith.constant 0 : i32
      %dma_wait3A_29 = arith.constant 0 : i32
      %dma_wait3A_30 = tpu.memref_slice %arg5[%add3A, %dma_wait3A, %dma_wait3A_29] : memref<32x62x128xi32, #tpu.memory_space<hbm>> -> memref<1x62x128xi32, #tpu.memory_space<hbm>>
      %dma_wait3A_31 = tpu.memref_squeeze %dma_wait3A_30 : memref<1x62x128xi32, #tpu.memory_space<hbm>> -> memref<62x128xi32, #tpu.memory_space<hbm>>
      %dma_wait3A_32 = arith.constant 0 : i32
      %dma_wait3A_33 = arith.constant 0 : i32
      %dma_wait3A_34 = tpu.memref_slice %arg5[%add3A, %dma_wait3A_32, %dma_wait3A_33] : memref<32x62x128xi32, #tpu.memory_space<hbm>> -> memref<1x62x128xi32, #tpu.memory_space<hbm>>
      %dma_wait3A_35 = tpu.memref_squeeze %dma_wait3A_34 : memref<1x62x128xi32, #tpu.memory_space<hbm>> -> memref<62x128xi32, #tpu.memory_space<hbm>>
      tpu.wait_dma2 semaphore(%run_scoped3A : memref<!tpu.dma_semaphore, #tpu.memory_space<semaphore_mem>>) src(%dma_wait3A_35 : memref<62x128xi32, #tpu.memory_space<hbm>>) dst(%arg8 : memref<62x128xi32, #tpu.memory_space<vmem>>)
      tpu.yield
    }) : () -> ()
    %dma_start3A = arith.constant 0 : i32
    %dma_start3A_3 = arith.constant 0 : i32
    %dma_start3A_4 = tpu.memref_slice %arg7[%dma_start3A, %dma_start3A_3] : memref<62x128xi32, #tpu.memory_space<vmem>> -> memref<1x128xi32, #tpu.memory_space<vmem>>
    %dma_start3A_5 = tpu.memref_squeeze %dma_start3A_4 : memref<1x128xi32, #tpu.memory_space<vmem>> -> memref<128xi32, #tpu.memory_space<vmem>>
    %dma_start3A_6 = arith.constant 0 : i32
    %dma_start3A_7 = arith.constant 0 : i32
    %dma_start3A_8 = tpu.memref_slice %arg2[%dma_start3A_6, %dma_start3A_7] : memref<10000x128xf32, #tpu.memory_space<hbm>> -> memref<10000x128xf32, #tpu.memory_space<hbm>>
    tpu.enqueue_indirect_dma source(%dma_start3A_8 : memref<10000x128xf32, #tpu.memory_space<hbm>>) target(%arg9 : memref<128x128xf32, #tpu.memory_space<vmem>>) offsets(%dma_start3A_5 : memref<128xi32, #tpu.memory_space<vmem>>) semaphore(%arg13 : memref<!tpu.dma_semaphore, #tpu.memory_space<semaphore_mem>>)
    %dma_start3A_9 = arith.constant 0 : i32
    %dma_start3A_10 = arith.constant 0 : i32
    %dma_start3A_11 = tpu.memref_slice %arg8[%dma_start3A_9, %dma_start3A_10] : memref<62x128xi32, #tpu.memory_space<vmem>> -> memref<1x128xi32, #tpu.memory_space<vmem>>
    %dma_start3A_12 = tpu.memref_squeeze %dma_start3A_11 : memref<1x128xi32, #tpu.memory_space<vmem>> -> memref<128xi32, #tpu.memory_space<vmem>>
    %dma_start3A_13 = arith.constant 0 : i32
    %dma_start3A_14 = arith.constant 0 : i32
    %dma_start3A_15 = tpu.memref_slice %arg3[%dma_start3A_13, %dma_start3A_14] : memref<10000x128xf32, #tpu.memory_space<hbm>> -> memref<10000x128xf32, #tpu.memory_space<hbm>>
    tpu.enqueue_indirect_dma source(%dma_start3A_15 : memref<10000x128xf32, #tpu.memory_space<hbm>>) target(%arg11 : memref<128x128xf32, #tpu.memory_space<vmem>>) offsets(%dma_start3A_12 : memref<128xi32, #tpu.memory_space<vmem>>) semaphore(%arg14 : memref<!tpu.dma_semaphore, #tpu.memory_space<semaphore_mem>>)
    %scan3A = arith.constant 0 : i32
    %scan3A_16 = arith.constant 0 : i32
    %scan3A_17 = arith.constant 31 : i32
    %scan3A_18 = arith.addi %scan3A_16, %scan3A_17 : i32
    %scan3A_19 = arith.constant 1 : i32
    scf.for %scan3A_21 = %scan3A_16 to %scan3A_18 step %scan3A_19  : i32 {
      %mul3A_22 = arith.constant 2 : i32
      %mul3A_23 = arith.muli %scan3A_21, %mul3A_22 : i32
      %add3A_24 = arith.constant 0 : i32
      %add3A_25 = arith.addi %mul3A_23, %add3A_24 : i32
      %add3A_26 = arith.constant 1 : i32
      %add3A_27 = arith.addi %add3A_25, %add3A_26 : i32
      %lt3A = arith.constant 62 : i32
      %lt3A_28 = arith.cmpi slt, %add3A_27, %lt3A : i32
      %convert_element_type3A = arith.extui %lt3A_28 : i1 to i32
      %cond3A = arith.constant 0 : i32
      %cond3A_29 = arith.cmpi ne, %convert_element_type3A, %cond3A : i32
      scf.if %cond3A_29 {
        %dma_start3A_82 = arith.constant 0 : i32
        %dma_start3A_83 = tpu.memref_slice %arg7[%add3A_27, %dma_start3A_82] : memref<62x128xi32, #tpu.memory_space<vmem>> -> memref<1x128xi32, #tpu.memory_space<vmem>>
        %dma_start3A_84 = tpu.memref_squeeze %dma_start3A_83 : memref<1x128xi32, #tpu.memory_space<vmem>> -> memref<128xi32, #tpu.memory_space<vmem>>
        %dma_start3A_85 = arith.constant 0 : i32
        %dma_start3A_86 = arith.constant 0 : i32
        %dma_start3A_87 = tpu.memref_slice %arg2[%dma_start3A_85, %dma_start3A_86] : memref<10000x128xf32, #tpu.memory_space<hbm>> -> memref<10000x128xf32, #tpu.memory_space<hbm>>
        tpu.enqueue_indirect_dma source(%dma_start3A_87 : memref<10000x128xf32, #tpu.memory_space<hbm>>) target(%arg10 : memref<128x128xf32, #tpu.memory_space<vmem>>) offsets(%dma_start3A_84 : memref<128xi32, #tpu.memory_space<vmem>>) semaphore(%arg13 : memref<!tpu.dma_semaphore, #tpu.memory_space<semaphore_mem>>)
        %dma_start3A_88 = arith.constant 0 : i32
        %dma_start3A_89 = tpu.memref_slice %arg8[%add3A_27, %dma_start3A_88] : memref<62x128xi32, #tpu.memory_space<vmem>> -> memref<1x128xi32, #tpu.memory_space<vmem>>
        %dma_start3A_90 = tpu.memref_squeeze %dma_start3A_89 : memref<1x128xi32, #tpu.memory_space<vmem>> -> memref<128xi32, #tpu.memory_space<vmem>>
        %dma_start3A_91 = arith.constant 0 : i32
        %dma_start3A_92 = arith.constant 0 : i32
        %dma_start3A_93 = tpu.memref_slice %arg3[%dma_start3A_91, %dma_start3A_92] : memref<10000x128xf32, #tpu.memory_space<hbm>> -> memref<10000x128xf32, #tpu.memory_space<hbm>>
        tpu.enqueue_indirect_dma source(%dma_start3A_93 : memref<10000x128xf32, #tpu.memory_space<hbm>>) target(%arg12 : memref<128x128xf32, #tpu.memory_space<vmem>>) offsets(%dma_start3A_90 : memref<128xi32, #tpu.memory_space<vmem>>) semaphore(%arg14 : memref<!tpu.dma_semaphore, #tpu.memory_space<semaphore_mem>>)
      } else {
      }
      %dma_wait3A = arith.constant 0 : i32
      %dma_wait3A_30 = tpu.memref_slice %arg7[%add3A_25, %dma_wait3A] : memref<62x128xi32, #tpu.memory_space<vmem>> -> memref<1x128xi32, #tpu.memory_space<vmem>>
      %dma_wait3A_31 = tpu.memref_squeeze %dma_wait3A_30 : memref<1x128xi32, #tpu.memory_space<vmem>> -> memref<128xi32, #tpu.memory_space<vmem>>
      %dma_wait3A_32 = arith.constant 0 : i32
      %dma_wait3A_33 = arith.constant 0 : i32
      %dma_wait3A_34 = tpu.memref_slice %arg2[%dma_wait3A_32, %dma_wait3A_33] : memref<10000x128xf32, #tpu.memory_space<hbm>> -> memref<10000x128xf32, #tpu.memory_space<hbm>>
      tpu.wait_indirect_dma semaphore(%arg13 : memref<!tpu.dma_semaphore, #tpu.memory_space<semaphore_mem>>) src(%dma_wait3A_34 : memref<10000x128xf32, #tpu.memory_space<hbm>>) dst(%arg9 : memref<128x128xf32, #tpu.memory_space<vmem>>)
      %dma_wait3A_35 = arith.constant 0 : i32
      %dma_wait3A_36 = tpu.memref_slice %arg8[%add3A_25, %dma_wait3A_35] : memref<62x128xi32, #tpu.memory_space<vmem>> -> memref<1x128xi32, #tpu.memory_space<vmem>>
      %dma_wait3A_37 = tpu.memref_squeeze %dma_wait3A_36 : memref<1x128xi32, #tpu.memory_space<vmem>> -> memref<128xi32, #tpu.memory_space<vmem>>
      %dma_wait3A_38 = arith.constant 0 : i32
      %dma_wait3A_39 = arith.constant 0 : i32
      %dma_wait3A_40 = tpu.memref_slice %arg3[%dma_wait3A_38, %dma_wait3A_39] : memref<10000x128xf32, #tpu.memory_space<hbm>> -> memref<10000x128xf32, #tpu.memory_space<hbm>>
      tpu.wait_indirect_dma semaphore(%arg14 : memref<!tpu.dma_semaphore, #tpu.memory_space<semaphore_mem>>) src(%dma_wait3A_40 : memref<10000x128xf32, #tpu.memory_space<hbm>>) dst(%arg11 : memref<128x128xf32, #tpu.memory_space<vmem>>)
      %scan3A_41 = arith.constant 0 : i32
      %scan3A_42 = arith.constant 0 : i32
      %scan3A_43 = arith.constant 128 : i32
      %scan3A_44 = arith.addi %scan3A_42, %scan3A_43 : i32
      %scan3A_45 = arith.constant 1 : i32
      scf.for %scan3A_82 = %scan3A_42 to %scan3A_44 step %scan3A_45  : i32 {
        %get3A = arith.index_cast %scan3A_82 : i32 to index
        %get3A_83 = arith.constant 64 : index
        %get3A_84 = tpu.vector_load %arg11[%get3A, %get3A_83] {strides = array<i32>} : memref<128x128xf32, #tpu.memory_space<vmem>>, vector<1x16xf32>,
        %get3A_85 = vector.shape_cast %get3A_84 : vector<1x16xf32> to vector<16xf32>
        %swap3A = arith.index_cast %scan3A_82 : i32 to index
        %swap3A_86 = arith.constant 64 : index
        %swap3A_87 = tpu.vector_load %arg9[%swap3A, %swap3A_86] {strides = array<i32>} : memref<128x128xf32, #tpu.memory_space<vmem>>, vector<1x16xf32>,
        %swap3A_88 = vector.shape_cast %swap3A_87 : vector<1x16xf32> to vector<16xf32>
        %swap3A_89 = vector.shape_cast %get3A_85 : vector<16xf32> to vector<1x16xf32>
        tpu.vector_store %arg9[%swap3A, %swap3A_86], %swap3A_89 {strides = array<i32>} : memref<128x128xf32, #tpu.memory_space<vmem>>, vector<1x16xf32>,
        %get3A_90 = arith.index_cast %scan3A_82 : i32 to index
        %get3A_91 = arith.constant 80 : index
        %get3A_92 = tpu.vector_load %arg11[%get3A_90, %get3A_91] {strides = array<i32>} : memref<128x128xf32, #tpu.memory_space<vmem>>, vector<1x16xf32>,
        %get3A_93 = vector.shape_cast %get3A_92 : vector<1x16xf32> to vector<16xf32>
        %swap3A_94 = arith.index_cast %scan3A_82 : i32 to index
        %swap3A_95 = arith.constant 80 : index
        %swap3A_96 = tpu.vector_load %arg9[%swap3A_94, %swap3A_95] {strides = array<i32>} : memref<128x128xf32, #tpu.memory_space<vmem>>, vector<1x16xf32>,
        %swap3A_97 = vector.shape_cast %swap3A_96 : vector<1x16xf32> to vector<16xf32>
        %swap3A_98 = vector.shape_cast %get3A_93 : vector<16xf32> to vector<1x16xf32>
        tpu.vector_store %arg9[%swap3A_94, %swap3A_95], %swap3A_98 {strides = array<i32>} : memref<128x128xf32, #tpu.memory_space<vmem>>, vector<1x16xf32>,
        %get3A_99 = arith.index_cast %scan3A_82 : i32 to index
        %get3A_100 = arith.constant 96 : index
        %get3A_101 = tpu.vector_load %arg11[%get3A_99, %get3A_100] {strides = array<i32>} : memref<128x128xf32, #tpu.memory_space<vmem>>, vector<1x16xf32>,
        %get3A_102 = vector.shape_cast %get3A_101 : vector<1x16xf32> to vector<16xf32>
        %swap3A_103 = arith.index_cast %scan3A_82 : i32 to index
        %swap3A_104 = arith.constant 96 : index
        %swap3A_105 = tpu.vector_load %arg9[%swap3A_103, %swap3A_104] {strides = array<i32>} : memref<128x128xf32, #tpu.memory_space<vmem>>, vector<1x16xf32>,
        %swap3A_106 = vector.shape_cast %swap3A_105 : vector<1x16xf32> to vector<16xf32>
        %swap3A_107 = vector.shape_cast %get3A_102 : vector<16xf32> to vector<1x16xf32>
        tpu.vector_store %arg9[%swap3A_103, %swap3A_104], %swap3A_107 {strides = array<i32>} : memref<128x128xf32, #tpu.memory_space<vmem>>, vector<1x16xf32>,
        %get3A_108 = arith.index_cast %scan3A_82 : i32 to index
        %get3A_109 = arith.constant 112 : index
        %get3A_110 = tpu.vector_load %arg11[%get3A_108, %get3A_109] {strides = array<i32>} : memref<128x128xf32, #tpu.memory_space<vmem>>, vector<1x16xf32>,
        %get3A_111 = vector.shape_cast %get3A_110 : vector<1x16xf32> to vector<16xf32>
        %swap3A_112 = arith.index_cast %scan3A_82 : i32 to index
        %swap3A_113 = arith.constant 112 : index
        %swap3A_114 = tpu.vector_load %arg9[%swap3A_112, %swap3A_113] {strides = array<i32>} : memref<128x128xf32, #tpu.memory_space<vmem>>, vector<1x16xf32>,
        %swap3A_115 = vector.shape_cast %swap3A_114 : vector<1x16xf32> to vector<16xf32>
        %swap3A_116 = vector.shape_cast %get3A_111 : vector<16xf32> to vector<1x16xf32>
        tpu.vector_store %arg9[%swap3A_112, %swap3A_113], %swap3A_116 {strides = array<i32>} : memref<128x128xf32, #tpu.memory_space<vmem>>, vector<1x16xf32>,
      }
      %scan3A_46 = arith.constant 128 : i32
      %mul3A_47 = arith.constant 128 : i32
      %mul3A_48 = arith.muli %add3A_25, %mul3A_47 : i32
      %add3A_49 = arith.addi %mul3A_2, %mul3A_48 : i32
      "tpu.region"() ({
        %run_scoped3A = tpu.sem_alloc : memref<!tpu.dma_semaphore, #tpu.memory_space<semaphore_mem>>
        %dma_start3A_82 = arith.constant 0 : i32
        %dma_start3A_83 = tpu.memref_slice %arg6[%add3A_49, %dma_start3A_82] : memref<253952x128xf32, #tpu.memory_space<hbm>> -> memref<128x128xf32, #tpu.memory_space<hbm>>
        %dma_start3A_84 = arith.constant 0 : i32
        %dma_start3A_85 = tpu.memref_slice %arg6[%add3A_49, %dma_start3A_84] : memref<253952x128xf32, #tpu.memory_space<hbm>> -> memref<128x128xf32, #tpu.memory_space<hbm>>
        tpu.enqueue_dma source(%arg9 : memref<128x128xf32, #tpu.memory_space<vmem>>) target(%dma_start3A_85 : memref<128x128xf32, #tpu.memory_space<hbm>>) target_semaphore(%run_scoped3A : memref<!tpu.dma_semaphore, #tpu.memory_space<semaphore_mem>>)
        %dma_wait3A_86 = arith.constant 0 : i32
        %dma_wait3A_87 = tpu.memref_slice %arg6[%add3A_49, %dma_wait3A_86] : memref<253952x128xf32, #tpu.memory_space<hbm>> -> memref<128x128xf32, #tpu.memory_space<hbm>>
        %dma_wait3A_88 = arith.constant 0 : i32
        %dma_wait3A_89 = tpu.memref_slice %arg6[%add3A_49, %dma_wait3A_88] : memref<253952x128xf32, #tpu.memory_space<hbm>> -> memref<128x128xf32, #tpu.memory_space<hbm>>
        tpu.wait_dma2 semaphore(%run_scoped3A : memref<!tpu.dma_semaphore, #tpu.memory_space<semaphore_mem>>) src(%arg9 : memref<128x128xf32, #tpu.memory_space<vmem>>) dst(%dma_wait3A_89 : memref<128x128xf32, #tpu.memory_space<hbm>>)
        tpu.yield
      }) : () -> ()
      %mul3A_50 = arith.constant 2 : i32
      %mul3A_51 = arith.muli %scan3A_21, %mul3A_50 : i32
      %add3A_52 = arith.constant 1 : i32
      %add3A_53 = arith.addi %mul3A_51, %add3A_52 : i32
      %add3A_54 = arith.constant 1 : i32
      %add3A_55 = arith.addi %add3A_53, %add3A_54 : i32
      %lt3A_56 = arith.constant 62 : i32
      %lt3A_57 = arith.cmpi slt, %add3A_55, %lt3A_56 : i32
      %convert_element_type3A_58 = arith.extui %lt3A_57 : i1 to i32
      %cond3A_59 = arith.constant 0 : i32
      %cond3A_60 = arith.cmpi ne, %convert_element_type3A_58, %cond3A_59 : i32
      scf.if %cond3A_60 {
        %dma_start3A_82 = arith.constant 0 : i32
        %dma_start3A_83 = tpu.memref_slice %arg7[%add3A_55, %dma_start3A_82] : memref<62x128xi32, #tpu.memory_space<vmem>> -> memref<1x128xi32, #tpu.memory_space<vmem>>
        %dma_start3A_84 = tpu.memref_squeeze %dma_start3A_83 : memref<1x128xi32, #tpu.memory_space<vmem>> -> memref<128xi32, #tpu.memory_space<vmem>>
        %dma_start3A_85 = arith.constant 0 : i32
        %dma_start3A_86 = arith.constant 0 : i32
        %dma_start3A_87 = tpu.memref_slice %arg2[%dma_start3A_85, %dma_start3A_86] : memref<10000x128xf32, #tpu.memory_space<hbm>> -> memref<10000x128xf32, #tpu.memory_space<hbm>>
        tpu.enqueue_indirect_dma source(%dma_start3A_87 : memref<10000x128xf32, #tpu.memory_space<hbm>>) target(%arg9 : memref<128x128xf32, #tpu.memory_space<vmem>>) offsets(%dma_start3A_84 : memref<128xi32, #tpu.memory_space<vmem>>) semaphore(%arg13 : memref<!tpu.dma_semaphore, #tpu.memory_space<semaphore_mem>>)
        %dma_start3A_88 = arith.constant 0 : i32
        %dma_start3A_89 = tpu.memref_slice %arg8[%add3A_55, %dma_start3A_88] : memref<62x128xi32, #tpu.memory_space<vmem>> -> memref<1x128xi32, #tpu.memory_space<vmem>>
        %dma_start3A_90 = tpu.memref_squeeze %dma_start3A_89 : memref<1x128xi32, #tpu.memory_space<vmem>> -> memref<128xi32, #tpu.memory_space<vmem>>
        %dma_start3A_91 = arith.constant 0 : i32
        %dma_start3A_92 = arith.constant 0 : i32
        %dma_start3A_93 = tpu.memref_slice %arg3[%dma_start3A_91, %dma_start3A_92] : memref<10000x128xf32, #tpu.memory_space<hbm>> -> memref<10000x128xf32, #tpu.memory_space<hbm>>
        tpu.enqueue_indirect_dma source(%dma_start3A_93 : memref<10000x128xf32, #tpu.memory_space<hbm>>) target(%arg11 : memref<128x128xf32, #tpu.memory_space<vmem>>) offsets(%dma_start3A_90 : memref<128xi32, #tpu.memory_space<vmem>>) semaphore(%arg14 : memref<!tpu.dma_semaphore, #tpu.memory_space<semaphore_mem>>)
      } else {
      }
      %dma_wait3A_61 = arith.constant 0 : i32
      %dma_wait3A_62 = tpu.memref_slice %arg7[%add3A_53, %dma_wait3A_61] : memref<62x128xi32, #tpu.memory_space<vmem>> -> memref<1x128xi32, #tpu.memory_space<vmem>>
      %dma_wait3A_63 = tpu.memref_squeeze %dma_wait3A_62 : memref<1x128xi32, #tpu.memory_space<vmem>> -> memref<128xi32, #tpu.memory_space<vmem>>
      %dma_wait3A_64 = arith.constant 0 : i32
      %dma_wait3A_65 = arith.constant 0 : i32
      %dma_wait3A_66 = tpu.memref_slice %arg2[%dma_wait3A_64, %dma_wait3A_65] : memref<10000x128xf32, #tpu.memory_space<hbm>> -> memref<10000x128xf32, #tpu.memory_space<hbm>>
      tpu.wait_indirect_dma semaphore(%arg13 : memref<!tpu.dma_semaphore, #tpu.memory_space<semaphore_mem>>) src(%dma_wait3A_66 : memref<10000x128xf32, #tpu.memory_space<hbm>>) dst(%arg10 : memref<128x128xf32, #tpu.memory_space<vmem>>)
      %dma_wait3A_67 = arith.constant 0 : i32
      %dma_wait3A_68 = tpu.memref_slice %arg8[%add3A_53, %dma_wait3A_67] : memref<62x128xi32, #tpu.memory_space<vmem>> -> memref<1x128xi32, #tpu.memory_space<vmem>>
      %dma_wait3A_69 = tpu.memref_squeeze %dma_wait3A_68 : memref<1x128xi32, #tpu.memory_space<vmem>> -> memref<128xi32, #tpu.memory_space<vmem>>
      %dma_wait3A_70 = arith.constant 0 : i32
      %dma_wait3A_71 = arith.constant 0 : i32
      %dma_wait3A_72 = tpu.memref_slice %arg3[%dma_wait3A_70, %dma_wait3A_71] : memref<10000x128xf32, #tpu.memory_space<hbm>> -> memref<10000x128xf32, #tpu.memory_space<hbm>>
      tpu.wait_indirect_dma semaphore(%arg14 : memref<!tpu.dma_semaphore, #tpu.memory_space<semaphore_mem>>) src(%dma_wait3A_72 : memref<10000x128xf32, #tpu.memory_space<hbm>>) dst(%arg12 : memref<128x128xf32, #tpu.memory_space<vmem>>)
      %scan3A_73 = arith.constant 0 : i32
      %scan3A_74 = arith.constant 0 : i32
      %scan3A_75 = arith.constant 128 : i32
      %scan3A_76 = arith.addi %scan3A_74, %scan3A_75 : i32
      %scan3A_77 = arith.constant 1 : i32
      scf.for %scan3A_82 = %scan3A_74 to %scan3A_76 step %scan3A_77  : i32 {
        %get3A = arith.index_cast %scan3A_82 : i32 to index
        %get3A_83 = arith.constant 64 : index
        %get3A_84 = tpu.vector_load %arg12[%get3A, %get3A_83] {strides = array<i32>} : memref<128x128xf32, #tpu.memory_space<vmem>>, vector<1x16xf32>,
        %get3A_85 = vector.shape_cast %get3A_84 : vector<1x16xf32> to vector<16xf32>
        %swap3A = arith.index_cast %scan3A_82 : i32 to index
        %swap3A_86 = arith.constant 64 : index
        %swap3A_87 = tpu.vector_load %arg10[%swap3A, %swap3A_86] {strides = array<i32>} : memref<128x128xf32, #tpu.memory_space<vmem>>, vector<1x16xf32>,
        %swap3A_88 = vector.shape_cast %swap3A_87 : vector<1x16xf32> to vector<16xf32>
        %swap3A_89 = vector.shape_cast %get3A_85 : vector<16xf32> to vector<1x16xf32>
        tpu.vector_store %arg10[%swap3A, %swap3A_86], %swap3A_89 {strides = array<i32>} : memref<128x128xf32, #tpu.memory_space<vmem>>, vector<1x16xf32>,
        %get3A_90 = arith.index_cast %scan3A_82 : i32 to index
        %get3A_91 = arith.constant 80 : index
        %get3A_92 = tpu.vector_load %arg12[%get3A_90, %get3A_91] {strides = array<i32>} : memref<128x128xf32, #tpu.memory_space<vmem>>, vector<1x16xf32>,
        %get3A_93 = vector.shape_cast %get3A_92 : vector<1x16xf32> to vector<16xf32>
        %swap3A_94 = arith.index_cast %scan3A_82 : i32 to index
        %swap3A_95 = arith.constant 80 : index
        %swap3A_96 = tpu.vector_load %arg10[%swap3A_94, %swap3A_95] {strides = array<i32>} : memref<128x128xf32, #tpu.memory_space<vmem>>, vector<1x16xf32>,
        %swap3A_97 = vector.shape_cast %swap3A_96 : vector<1x16xf32> to vector<16xf32>
        %swap3A_98 = vector.shape_cast %get3A_93 : vector<16xf32> to vector<1x16xf32>
        tpu.vector_store %arg10[%swap3A_94, %swap3A_95], %swap3A_98 {strides = array<i32>} : memref<128x128xf32, #tpu.memory_space<vmem>>, vector<1x16xf32>,
        %get3A_99 = arith.index_cast %scan3A_82 : i32 to index
        %get3A_100 = arith.constant 96 : index
        %get3A_101 = tpu.vector_load %arg12[%get3A_99, %get3A_100] {strides = array<i32>} : memref<128x128xf32, #tpu.memory_space<vmem>>, vector<1x16xf32>,
        %get3A_102 = vector.shape_cast %get3A_101 : vector<1x16xf32> to vector<16xf32>
        %swap3A_103 = arith.index_cast %scan3A_82 : i32 to index
        %swap3A_104 = arith.constant 96 : index
        %swap3A_105 = tpu.vector_load %arg10[%swap3A_103, %swap3A_104] {strides = array<i32>} : memref<128x128xf32, #tpu.memory_space<vmem>>, vector<1x16xf32>,
        %swap3A_106 = vector.shape_cast %swap3A_105 : vector<1x16xf32> to vector<16xf32>
        %swap3A_107 = vector.shape_cast %get3A_102 : vector<16xf32> to vector<1x16xf32>
        tpu.vector_store %arg10[%swap3A_103, %swap3A_104], %swap3A_107 {strides = array<i32>} : memref<128x128xf32, #tpu.memory_space<vmem>>, vector<1x16xf32>,
        %get3A_108 = arith.index_cast %scan3A_82 : i32 to index
        %get3A_109 = arith.constant 112 : index
        %get3A_110 = tpu.vector_load %arg12[%get3A_108, %get3A_109] {strides = array<i32>} : memref<128x128xf32, #tpu.memory_space<vmem>>, vector<1x16xf32>,
        %get3A_111 = vector.shape_cast %get3A_110 : vector<1x16xf32> to vector<16xf32>
        %swap3A_112 = arith.index_cast %scan3A_82 : i32 to index
        %swap3A_113 = arith.constant 112 : index
        %swap3A_114 = tpu.vector_load %arg10[%swap3A_112, %swap3A_113] {strides = array<i32>} : memref<128x128xf32, #tpu.memory_space<vmem>>, vector<1x16xf32>,
        %swap3A_115 = vector.shape_cast %swap3A_114 : vector<1x16xf32> to vector<16xf32>
        %swap3A_116 = vector.shape_cast %get3A_111 : vector<16xf32> to vector<1x16xf32>
        tpu.vector_store %arg10[%swap3A_112, %swap3A_113], %swap3A_116 {strides = array<i32>} : memref<128x128xf32, #tpu.memory_space<vmem>>, vector<1x16xf32>,
      }
      %scan3A_78 = arith.constant 128 : i32
      %mul3A_79 = arith.constant 128 : i32
      %mul3A_80 = arith.muli %add3A_53, %mul3A_79 : i32
      %add3A_81 = arith.addi %mul3A_2, %mul3A_80 : i32
      "tpu.region"() ({
        %run_scoped3A = tpu.sem_alloc : memref<!tpu.dma_semaphore, #tpu.memory_space<semaphore_mem>>
        %dma_start3A_82 = arith.constant 0 : i32
        %dma_start3A_83 = tpu.memref_slice %arg6[%add3A_81, %dma_start3A_82] : memref<253952x128xf32, #tpu.memory_space<hbm>> -> memref<128x128xf32, #tpu.memory_space<hbm>>
        %dma_start3A_84 = arith.constant 0 : i32
        %dma_start3A_85 = tpu.memref_slice %arg6[%add3A_81, %dma_start3A_84] : memref<253952x128xf32, #tpu.memory_space<hbm>> -> memref<128x128xf32, #tpu.memory_space<hbm>>
        tpu.enqueue_dma source(%arg10 : memref<128x128xf32, #tpu.memory_space<vmem>>) target(%dma_start3A_85 : memref<128x128xf32, #tpu.memory_space<hbm>>) target_semaphore(%run_scoped3A : memref<!tpu.dma_semaphore, #tpu.memory_space<semaphore_mem>>)
        %dma_wait3A_86 = arith.constant 0 : i32
        %dma_wait3A_87 = tpu.memref_slice %arg6[%add3A_81, %dma_wait3A_86] : memref<253952x128xf32, #tpu.memory_space<hbm>> -> memref<128x128xf32, #tpu.memory_space<hbm>>
        %dma_wait3A_88 = arith.constant 0 : i32
        %dma_wait3A_89 = tpu.memref_slice %arg6[%add3A_81, %dma_wait3A_88] : memref<253952x128xf32, #tpu.memory_space<hbm>> -> memref<128x128xf32, #tpu.memory_space<hbm>>
        tpu.wait_dma2 semaphore(%run_scoped3A : memref<!tpu.dma_semaphore, #tpu.memory_space<semaphore_mem>>) src(%arg10 : memref<128x128xf32, #tpu.memory_space<vmem>>) dst(%dma_wait3A_89 : memref<128x128xf32, #tpu.memory_space<hbm>>)
        tpu.yield
      }) : () -> ()
    }
    %scan3A_20 = arith.constant 31 : i32
    return
  }
}

#map = affine_map<(d0, d1) -> (0, 0)>
#map1 = affine_map<(d0, d1) -> (0, 0, 0)>
module attributes {stable_mosaic.version = 14 : i64} {
  func.func @_sc_gather(%arg0: i32, %arg1: i32, %arg2: memref<10000x128xf32, #tpu.memory_space<hbm>>, %arg3: memref<10000x128xf32, #tpu.memory_space<hbm>>, %arg4: memref<32x62x128xi32, #tpu.memory_space<hbm>>, %arg5: memref<32x62x128xi32, #tpu.memory_space<hbm>>, %arg6: memref<253952x128xf32, #tpu.memory_space<hbm>>, %arg7: memref<62x128xi32, #tpu.memory_space<vmem>>, %arg8: memref<62x128xi32, #tpu.memory_space<vmem>>, %arg9: memref<128x128xf32, #tpu.memory_space<vmem>>, %arg10: memref<128x128xf32, #tpu.memory_space<vmem>>, %arg11: memref<128x128xf32, #tpu.memory_space<vmem>>, %arg12: memref<128x128xf32, #tpu.memory_space<vmem>>, %arg13: memref<!tpu.dma_semaphore, #tpu.memory_space<semaphore_mem>>, %arg14: memref<!tpu.dma_semaphore, #tpu.memory_space<semaphore_mem>>) attributes {dimension_semantics = [#tpu.dimension_semantics<core_parallel>, #tpu.dimension_semantics<subcore_parallel>], iteration_bounds = array<i64: 2, 16>, scalar_prefetch = 0 : i64, scratch_operands = 8 : i64, tpu.core_type = #tpu.core_type<sc_vector_subcore>, window_params = [{transform_indices = #map}, {transform_indices = #map}, {transform_indices = #map1}, {transform_indices = #map1}, {transform_indices = #map}]} {
    %mul3A = arith.constant 2 : i32
    %mul3A_0 = arith.muli %arg1, %mul3A : i32
    %add3A = arith.addi %mul3A_0, %arg0 : i32
    %mul3A_1 = arith.constant 7936 : i32
    %mul3A_2 = arith.muli %add3A, %mul3A_1 : i32
    "tpu.region"() ({
      %run_scoped3A = tpu.sem_alloc : memref<!tpu.dma_semaphore, #tpu.memory_space<semaphore_mem>>
      %dma_start3A_21 = arith.constant 0 : i32
      %dma_start3A_22 = arith.constant 0 : i32
      %dma_start3A_23 = tpu.memref_slice %arg4[%add3A, %dma_start3A_21, %dma_start3A_22] : memref<32x62x128xi32, #tpu.memory_space<hbm>> -> memref<1x62x128xi32, #tpu.memory_space<hbm>>
      %dma_start3A_24 = tpu.memref_squeeze %dma_start3A_23 : memref<1x62x128xi32, #tpu.memory_space<hbm>> -> memref<62x128xi32, #tpu.memory_space<hbm>>
      %dma_start3A_25 = arith.constant 0 : i32
      %dma_start3A_26 = arith.constant 0 : i32
      %dma_start3A_27 = tpu.memref_slice %arg4[%add3A, %dma_start3A_25, %dma_start3A_26] : memref<32x62x128xi32, #tpu.memory_space<hbm>> -> memref<1x62x128xi32, #tpu.memory_space<hbm>>
      %dma_start3A_28 = tpu.memref_squeeze %dma_start3A_27 : memref<1x62x128xi32, #tpu.memory_space<hbm>> -> memref<62x128xi32, #tpu.memory_space<hbm>>
      tpu.enqueue_dma source(%dma_start3A_28 : memref<62x128xi32, #tpu.memory_space<hbm>>) target(%arg7 : memref<62x128xi32, #tpu.memory_space<vmem>>) target_semaphore(%run_scoped3A : memref<!tpu.dma_semaphore, #tpu.memory_space<semaphore_mem>>)
      %dma_wait3A = arith.constant 0 : i32
      %dma_wait3A_29 = arith.constant 0 : i32
      %dma_wait3A_30 = tpu.memref_slice %arg4[%add3A, %dma_wait3A, %dma_wait3A_29] : memref<32x62x128xi32, #tpu.memory_space<hbm>> -> memref<1x62x128xi32, #tpu.memory_space<hbm>>
      %dma_wait3A_31 = tpu.memref_squeeze %dma_wait3A_30 : memref<1x62x128xi32, #tpu.memory_space<hbm>> -> memref<62x128xi32, #tpu.memory_space<hbm>>
      %dma_wait3A_32 = arith.constant 0 : i32
      %dma_wait3A_33 = arith.constant 0 : i32
      %dma_wait3A_34 = tpu.memref_slice %arg4[%add3A, %dma_wait3A_32, %dma_wait3A_33] : memref<32x62x128xi32, #tpu.memory_space<hbm>> -> memref<1x62x128xi32, #tpu.memory_space<hbm>>
      %dma_wait3A_35 = tpu.memref_squeeze %dma_wait3A_34 : memref<1x62x128xi32, #tpu.memory_space<hbm>> -> memref<62x128xi32, #tpu.memory_space<hbm>>
      tpu.wait_dma2 semaphore(%run_scoped3A : memref<!tpu.dma_semaphore, #tpu.memory_space<semaphore_mem>>) src(%dma_wait3A_35 : memref<62x128xi32, #tpu.memory_space<hbm>>) dst(%arg7 : memref<62x128xi32, #tpu.memory_space<vmem>>)
      tpu.yield
    }) : () -> ()
    "tpu.region"() ({
      %run_scoped3A = tpu.sem_alloc : memref<!tpu.dma_semaphore, #tpu.memory_space<semaphore_mem>>
      %dma_start3A_21 = arith.constant 0 : i32
      %dma_start3A_22 = arith.constant 0 : i32
      %dma_start3A_23 = tpu.memref_slice %arg5[%add3A, %dma_start3A_21, %dma_start3A_22] : memref<32x62x128xi32, #tpu.memory_space<hbm>> -> memref<1x62x128xi32, #tpu.memory_space<hbm>>
      %dma_start3A_24 = tpu.memref_squeeze %dma_start3A_23 : memref<1x62x128xi32, #tpu.memory_space<hbm>> -> memref<62x128xi32, #tpu.memory_space<hbm>>
      %dma_start3A_25 = arith.constant 0 : i32
      %dma_start3A_26 = arith.constant 0 : i32
      %dma_start3A_27 = tpu.memref_slice %arg5[%add3A, %dma_start3A_25, %dma_start3A_26] : memref<32x62x128xi32, #tpu.memory_space<hbm>> -> memref<1x62x128xi32, #tpu.memory_space<hbm>>
      %dma_start3A_28 = tpu.memref_squeeze %dma_start3A_27 : memref<1x62x128xi32, #tpu.memory_space<hbm>> -> memref<62x128xi32, #tpu.memory_space<hbm>>
      tpu.enqueue_dma source(%dma_start3A_28 : memref<62x128xi32, #tpu.memory_space<hbm>>) target(%arg8 : memref<62x128xi32, #tpu.memory_space<vmem>>) target_semaphore(%run_scoped3A : memref<!tpu.dma_semaphore, #tpu.memory_space<semaphore_mem>>)
      %dma_wait3A = arith.constant 0 : i32
      %dma_wait3A_29 = arith.constant 0 : i32
      %dma_wait3A_30 = tpu.memref_slice %arg5[%add3A, %dma_wait3A, %dma_wait3A_29] : memref<32x62x128xi32, #tpu.memory_space<hbm>> -> memref<1x62x128xi32, #tpu.memory_space<hbm>>
      %dma_wait3A_31 = tpu.memref_squeeze %dma_wait3A_30 : memref<1x62x128xi32, #tpu.memory_space<hbm>> -> memref<62x128xi32, #tpu.memory_space<hbm>>
      %dma_wait3A_32 = arith.constant 0 : i32
      %dma_wait3A_33 = arith.constant 0 : i32
      %dma_wait3A_34 = tpu.memref_slice %arg5[%add3A, %dma_wait3A_32, %dma_wait3A_33] : memref<32x62x128xi32, #tpu.memory_space<hbm>> -> memref<1x62x128xi32, #tpu.memory_space<hbm>>
      %dma_wait3A_35 = tpu.memref_squeeze %dma_wait3A_34 : memref<1x62x128xi32, #tpu.memory_space<hbm>> -> memref<62x128xi32, #tpu.memory_space<hbm>>
      tpu.wait_dma2 semaphore(%run_scoped3A : memref<!tpu.dma_semaphore, #tpu.memory_space<semaphore_mem>>) src(%dma_wait3A_35 : memref<62x128xi32, #tpu.memory_space<hbm>>) dst(%arg8 : memref<62x128xi32, #tpu.memory_space<vmem>>)
      tpu.yield
    }) : () -> ()
    %dma_start3A = arith.constant 0 : i32
    %dma_start3A_3 = arith.constant 0 : i32
    %dma_start3A_4 = tpu.memref_slice %arg7[%dma_start3A, %dma_start3A_3] : memref<62x128xi32, #tpu.memory_space<vmem>> -> memref<1x128xi32, #tpu.memory_space<vmem>>
    %dma_start3A_5 = tpu.memref_squeeze %dma_start3A_4 : memref<1x128xi32, #tpu.memory_space<vmem>> -> memref<128xi32, #tpu.memory_space<vmem>>
    %dma_start3A_6 = arith.constant 0 : i32
    %dma_start3A_7 = arith.constant 0 : i32
    %dma_start3A_8 = tpu.memref_slice %arg2[%dma_start3A_6, %dma_start3A_7] : memref<10000x128xf32, #tpu.memory_space<hbm>> -> memref<10000x128xf32, #tpu.memory_space<hbm>>
    tpu.enqueue_indirect_dma source(%dma_start3A_8 : memref<10000x128xf32, #tpu.memory_space<hbm>>) target(%arg9 : memref<128x128xf32, #tpu.memory_space<vmem>>) offsets(%dma_start3A_5 : memref<128xi32, #tpu.memory_space<vmem>>) semaphore(%arg13 : memref<!tpu.dma_semaphore, #tpu.memory_space<semaphore_mem>>)
    %dma_start3A_9 = arith.constant 0 : i32
    %dma_start3A_10 = arith.constant 0 : i32
    %dma_start3A_11 = tpu.memref_slice %arg8[%dma_start3A_9, %dma_start3A_10] : memref<62x128xi32, #tpu.memory_space<vmem>> -> memref<1x128xi32, #tpu.memory_space<vmem>>
    %dma_start3A_12 = tpu.memref_squeeze %dma_start3A_11 : memref<1x128xi32, #tpu.memory_space<vmem>> -> memref<128xi32, #tpu.memory_space<vmem>>
    %dma_start3A_13 = arith.constant 0 : i32
    %dma_start3A_14 = arith.constant 0 : i32
    %dma_start3A_15 = tpu.memref_slice %arg3[%dma_start3A_13, %dma_start3A_14] : memref<10000x128xf32, #tpu.memory_space<hbm>> -> memref<10000x128xf32, #tpu.memory_space<hbm>>
    tpu.enqueue_indirect_dma source(%dma_start3A_15 : memref<10000x128xf32, #tpu.memory_space<hbm>>) target(%arg11 : memref<128x128xf32, #tpu.memory_space<vmem>>) offsets(%dma_start3A_12 : memref<128xi32, #tpu.memory_space<vmem>>) semaphore(%arg14 : memref<!tpu.dma_semaphore, #tpu.memory_space<semaphore_mem>>)
    %scan3A = arith.constant 0 : i32
    %scan3A_16 = arith.constant 0 : i32
    %scan3A_17 = arith.constant 31 : i32
    %scan3A_18 = arith.addi %scan3A_16, %scan3A_17 : i32
    %scan3A_19 = arith.constant 1 : i32
    scf.for %scan3A_21 = %scan3A_16 to %scan3A_18 step %scan3A_19  : i32 {
      %mul3A_22 = arith.constant 2 : i32
      %mul3A_23 = arith.muli %scan3A_21, %mul3A_22 : i32
      %add3A_24 = arith.constant 0 : i32
      %add3A_25 = arith.addi %mul3A_23, %add3A_24 : i32
      %add3A_26 = arith.constant 1 : i32
      %add3A_27 = arith.addi %add3A_25, %add3A_26 : i32
      %lt3A = arith.constant 62 : i32
      %lt3A_28 = arith.cmpi slt, %add3A_27, %lt3A : i32
      %convert_element_type3A = arith.extui %lt3A_28 : i1 to i32
      %cond3A = arith.constant 0 : i32
      %cond3A_29 = arith.cmpi ne, %convert_element_type3A, %cond3A : i32
      scf.if %cond3A_29 {
        %dma_start3A_82 = arith.constant 0 : i32
        %dma_start3A_83 = tpu.memref_slice %arg7[%add3A_27, %dma_start3A_82] : memref<62x128xi32, #tpu.memory_space<vmem>> -> memref<1x128xi32, #tpu.memory_space<vmem>>
        %dma_start3A_84 = tpu.memref_squeeze %dma_start3A_83 : memref<1x128xi32, #tpu.memory_space<vmem>> -> memref<128xi32, #tpu.memory_space<vmem>>
        %dma_start3A_85 = arith.constant 0 : i32
        %dma_start3A_86 = arith.constant 0 : i32
        %dma_start3A_87 = tpu.memref_slice %arg2[%dma_start3A_85, %dma_start3A_86] : memref<10000x128xf32, #tpu.memory_space<hbm>> -> memref<10000x128xf32, #tpu.memory_space<hbm>>
        tpu.enqueue_indirect_dma source(%dma_start3A_87 : memref<10000x128xf32, #tpu.memory_space<hbm>>) target(%arg10 : memref<128x128xf32, #tpu.memory_space<vmem>>) offsets(%dma_start3A_84 : memref<128xi32, #tpu.memory_space<vmem>>) semaphore(%arg13 : memref<!tpu.dma_semaphore, #tpu.memory_space<semaphore_mem>>)
        %dma_start3A_88 = arith.constant 0 : i32
        %dma_start3A_89 = tpu.memref_slice %arg8[%add3A_27, %dma_start3A_88] : memref<62x128xi32, #tpu.memory_space<vmem>> -> memref<1x128xi32, #tpu.memory_space<vmem>>
        %dma_start3A_90 = tpu.memref_squeeze %dma_start3A_89 : memref<1x128xi32, #tpu.memory_space<vmem>> -> memref<128xi32, #tpu.memory_space<vmem>>
        %dma_start3A_91 = arith.constant 0 : i32
        %dma_start3A_92 = arith.constant 0 : i32
        %dma_start3A_93 = tpu.memref_slice %arg3[%dma_start3A_91, %dma_start3A_92] : memref<10000x128xf32, #tpu.memory_space<hbm>> -> memref<10000x128xf32, #tpu.memory_space<hbm>>
        tpu.enqueue_indirect_dma source(%dma_start3A_93 : memref<10000x128xf32, #tpu.memory_space<hbm>>) target(%arg12 : memref<128x128xf32, #tpu.memory_space<vmem>>) offsets(%dma_start3A_90 : memref<128xi32, #tpu.memory_space<vmem>>) semaphore(%arg14 : memref<!tpu.dma_semaphore, #tpu.memory_space<semaphore_mem>>)
      } else {
      }
      %dma_wait3A = arith.constant 0 : i32
      %dma_wait3A_30 = tpu.memref_slice %arg7[%add3A_25, %dma_wait3A] : memref<62x128xi32, #tpu.memory_space<vmem>> -> memref<1x128xi32, #tpu.memory_space<vmem>>
      %dma_wait3A_31 = tpu.memref_squeeze %dma_wait3A_30 : memref<1x128xi32, #tpu.memory_space<vmem>> -> memref<128xi32, #tpu.memory_space<vmem>>
      %dma_wait3A_32 = arith.constant 0 : i32
      %dma_wait3A_33 = arith.constant 0 : i32
      %dma_wait3A_34 = tpu.memref_slice %arg2[%dma_wait3A_32, %dma_wait3A_33] : memref<10000x128xf32, #tpu.memory_space<hbm>> -> memref<10000x128xf32, #tpu.memory_space<hbm>>
      tpu.wait_indirect_dma semaphore(%arg13 : memref<!tpu.dma_semaphore, #tpu.memory_space<semaphore_mem>>) src(%dma_wait3A_34 : memref<10000x128xf32, #tpu.memory_space<hbm>>) dst(%arg9 : memref<128x128xf32, #tpu.memory_space<vmem>>)
      %dma_wait3A_35 = arith.constant 0 : i32
      %dma_wait3A_36 = tpu.memref_slice %arg8[%add3A_25, %dma_wait3A_35] : memref<62x128xi32, #tpu.memory_space<vmem>> -> memref<1x128xi32, #tpu.memory_space<vmem>>
      %dma_wait3A_37 = tpu.memref_squeeze %dma_wait3A_36 : memref<1x128xi32, #tpu.memory_space<vmem>> -> memref<128xi32, #tpu.memory_space<vmem>>
      %dma_wait3A_38 = arith.constant 0 : i32
      %dma_wait3A_39 = arith.constant 0 : i32
      %dma_wait3A_40 = tpu.memref_slice %arg3[%dma_wait3A_38, %dma_wait3A_39] : memref<10000x128xf32, #tpu.memory_space<hbm>> -> memref<10000x128xf32, #tpu.memory_space<hbm>>
      tpu.wait_indirect_dma semaphore(%arg14 : memref<!tpu.dma_semaphore, #tpu.memory_space<semaphore_mem>>) src(%dma_wait3A_40 : memref<10000x128xf32, #tpu.memory_space<hbm>>) dst(%arg11 : memref<128x128xf32, #tpu.memory_space<vmem>>)
      %scan3A_41 = arith.constant 0 : i32
      %scan3A_42 = arith.constant 0 : i32
      %scan3A_43 = arith.constant 128 : i32
      %scan3A_44 = arith.addi %scan3A_42, %scan3A_43 : i32
      %scan3A_45 = arith.constant 1 : i32
      scf.for %scan3A_82 = %scan3A_42 to %scan3A_44 step %scan3A_45  : i32 {
        %get3A = arith.index_cast %scan3A_82 : i32 to index
        %get3A_83 = arith.constant 64 : index
        %get3A_84 = tpu.vector_load %arg11[%get3A, %get3A_83] {strides = array<i32>} : memref<128x128xf32, #tpu.memory_space<vmem>>, vector<1x16xf32>,
        %get3A_85 = vector.shape_cast %get3A_84 : vector<1x16xf32> to vector<16xf32>
        %swap3A = arith.index_cast %scan3A_82 : i32 to index
        %swap3A_86 = arith.constant 64 : index
        %swap3A_87 = tpu.vector_load %arg9[%swap3A, %swap3A_86] {strides = array<i32>} : memref<128x128xf32, #tpu.memory_space<vmem>>, vector<1x16xf32>,
        %swap3A_88 = vector.shape_cast %swap3A_87 : vector<1x16xf32> to vector<16xf32>
        %swap3A_89 = vector.shape_cast %get3A_85 : vector<16xf32> to vector<1x16xf32>
        tpu.vector_store %arg9[%swap3A, %swap3A_86], %swap3A_89 {strides = array<i32>} : memref<128x128xf32, #tpu.memory_space<vmem>>, vector<1x16xf32>,
        %get3A_90 = arith.index_cast %scan3A_82 : i32 to index
        %get3A_91 = arith.constant 80 : index
        %get3A_92 = tpu.vector_load %arg11[%get3A_90, %get3A_91] {strides = array<i32>} : memref<128x128xf32, #tpu.memory_space<vmem>>, vector<1x16xf32>,
        %get3A_93 = vector.shape_cast %get3A_92 : vector<1x16xf32> to vector<16xf32>
        %swap3A_94 = arith.index_cast %scan3A_82 : i32 to index
        %swap3A_95 = arith.constant 80 : index
        %swap3A_96 = tpu.vector_load %arg9[%swap3A_94, %swap3A_95] {strides = array<i32>} : memref<128x128xf32, #tpu.memory_space<vmem>>, vector<1x16xf32>,
        %swap3A_97 = vector.shape_cast %swap3A_96 : vector<1x16xf32> to vector<16xf32>
        %swap3A_98 = vector.shape_cast %get3A_93 : vector<16xf32> to vector<1x16xf32>
        tpu.vector_store %arg9[%swap3A_94, %swap3A_95], %swap3A_98 {strides = array<i32>} : memref<128x128xf32, #tpu.memory_space<vmem>>, vector<1x16xf32>,
        %get3A_99 = arith.index_cast %scan3A_82 : i32 to index
        %get3A_100 = arith.constant 96 : index
        %get3A_101 = tpu.vector_load %arg11[%get3A_99, %get3A_100] {strides = array<i32>} : memref<128x128xf32, #tpu.memory_space<vmem>>, vector<1x16xf32>,
        %get3A_102 = vector.shape_cast %get3A_101 : vector<1x16xf32> to vector<16xf32>
        %swap3A_103 = arith.index_cast %scan3A_82 : i32 to index
        %swap3A_104 = arith.constant 96 : index
        %swap3A_105 = tpu.vector_load %arg9[%swap3A_103, %swap3A_104] {strides = array<i32>} : memref<128x128xf32, #tpu.memory_space<vmem>>, vector<1x16xf32>,
        %swap3A_106 = vector.shape_cast %swap3A_105 : vector<1x16xf32> to vector<16xf32>
        %swap3A_107 = vector.shape_cast %get3A_102 : vector<16xf32> to vector<1x16xf32>
        tpu.vector_store %arg9[%swap3A_103, %swap3A_104], %swap3A_107 {strides = array<i32>} : memref<128x128xf32, #tpu.memory_space<vmem>>, vector<1x16xf32>,
        %get3A_108 = arith.index_cast %scan3A_82 : i32 to index
        %get3A_109 = arith.constant 112 : index
        %get3A_110 = tpu.vector_load %arg11[%get3A_108, %get3A_109] {strides = array<i32>} : memref<128x128xf32, #tpu.memory_space<vmem>>, vector<1x16xf32>,
        %get3A_111 = vector.shape_cast %get3A_110 : vector<1x16xf32> to vector<16xf32>
        %swap3A_112 = arith.index_cast %scan3A_82 : i32 to index
        %swap3A_113 = arith.constant 112 : index
        %swap3A_114 = tpu.vector_load %arg9[%swap3A_112, %swap3A_113] {strides = array<i32>} : memref<128x128xf32, #tpu.memory_space<vmem>>, vector<1x16xf32>,
        %swap3A_115 = vector.shape_cast %swap3A_114 : vector<1x16xf32> to vector<16xf32>
        %swap3A_116 = vector.shape_cast %get3A_111 : vector<16xf32> to vector<1x16xf32>
        tpu.vector_store %arg9[%swap3A_112, %swap3A_113], %swap3A_116 {strides = array<i32>} : memref<128x128xf32, #tpu.memory_space<vmem>>, vector<1x16xf32>,
      }
      %scan3A_46 = arith.constant 128 : i32
      %mul3A_47 = arith.constant 128 : i32
      %mul3A_48 = arith.muli %add3A_25, %mul3A_47 : i32
      %add3A_49 = arith.addi %mul3A_2, %mul3A_48 : i32
      "tpu.region"() ({
        %run_scoped3A = tpu.sem_alloc : memref<!tpu.dma_semaphore, #tpu.memory_space<semaphore_mem>>
        %dma_start3A_82 = arith.constant 0 : i32
        %dma_start3A_83 = tpu.memref_slice %arg6[%add3A_49, %dma_start3A_82] : memref<253952x128xf32, #tpu.memory_space<hbm>> -> memref<128x128xf32, #tpu.memory_space<hbm>>
        %dma_start3A_84 = arith.constant 0 : i32
        %dma_start3A_85 = tpu.memref_slice %arg6[%add3A_49, %dma_start3A_84] : memref<253952x128xf32, #tpu.memory_space<hbm>> -> memref<128x128xf32, #tpu.memory_space<hbm>>
        tpu.enqueue_dma source(%arg9 : memref<128x128xf32, #tpu.memory_space<vmem>>) target(%dma_start3A_85 : memref<128x128xf32, #tpu.memory_space<hbm>>) target_semaphore(%run_scoped3A : memref<!tpu.dma_semaphore, #tpu.memory_space<semaphore_mem>>)
        %dma_wait3A_86 = arith.constant 0 : i32
        %dma_wait3A_87 = tpu.memref_slice %arg6[%add3A_49, %dma_wait3A_86] : memref<253952x128xf32, #tpu.memory_space<hbm>> -> memref<128x128xf32, #tpu.memory_space<hbm>>
        %dma_wait3A_88 = arith.constant 0 : i32
        %dma_wait3A_89 = tpu.memref_slice %arg6[%add3A_49, %dma_wait3A_88] : memref<253952x128xf32, #tpu.memory_space<hbm>> -> memref<128x128xf32, #tpu.memory_space<hbm>>
        tpu.wait_dma2 semaphore(%run_scoped3A : memref<!tpu.dma_semaphore, #tpu.memory_space<semaphore_mem>>) src(%arg9 : memref<128x128xf32, #tpu.memory_space<vmem>>) dst(%dma_wait3A_89 : memref<128x128xf32, #tpu.memory_space<hbm>>)
        tpu.yield
      }) : () -> ()
      %mul3A_50 = arith.constant 2 : i32
      %mul3A_51 = arith.muli %scan3A_21, %mul3A_50 : i32
      %add3A_52 = arith.constant 1 : i32
      %add3A_53 = arith.addi %mul3A_51, %add3A_52 : i32
      %add3A_54 = arith.constant 1 : i32
      %add3A_55 = arith.addi %add3A_53, %add3A_54 : i32
      %lt3A_56 = arith.constant 62 : i32
      %lt3A_57 = arith.cmpi slt, %add3A_55, %lt3A_56 : i32
      %convert_element_type3A_58 = arith.extui %lt3A_57 : i1 to i32
      %cond3A_59 = arith.constant 0 : i32
      %cond3A_60 = arith.cmpi ne, %convert_element_type3A_58, %cond3A_59 : i32
      scf.if %cond3A_60 {
        %dma_start3A_82 = arith.constant 0 : i32
        %dma_start3A_83 = tpu.memref_slice %arg7[%add3A_55, %dma_start3A_82] : memref<62x128xi32, #tpu.memory_space<vmem>> -> memref<1x128xi32, #tpu.memory_space<vmem>>
        %dma_start3A_84 = tpu.memref_squeeze %dma_start3A_83 : memref<1x128xi32, #tpu.memory_space<vmem>> -> memref<128xi32, #tpu.memory_space<vmem>>
        %dma_start3A_85 = arith.constant 0 : i32
        %dma_start3A_86 = arith.constant 0 : i32
        %dma_start3A_87 = tpu.memref_slice %arg2[%dma_start3A_85, %dma_start3A_86] : memref<10000x128xf32, #tpu.memory_space<hbm>> -> memref<10000x128xf32, #tpu.memory_space<hbm>>
        tpu.enqueue_indirect_dma source(%dma_start3A_87 : memref<10000x128xf32, #tpu.memory_space<hbm>>) target(%arg9 : memref<128x128xf32, #tpu.memory_space<vmem>>) offsets(%dma_start3A_84 : memref<128xi32, #tpu.memory_space<vmem>>) semaphore(%arg13 : memref<!tpu.dma_semaphore, #tpu.memory_space<semaphore_mem>>)
        %dma_start3A_88 = arith.constant 0 : i32
        %dma_start3A_89 = tpu.memref_slice %arg8[%add3A_55, %dma_start3A_88] : memref<62x128xi32, #tpu.memory_space<vmem>> -> memref<1x128xi32, #tpu.memory_space<vmem>>
        %dma_start3A_90 = tpu.memref_squeeze %dma_start3A_89 : memref<1x128xi32, #tpu.memory_space<vmem>> -> memref<128xi32, #tpu.memory_space<vmem>>
        %dma_start3A_91 = arith.constant 0 : i32
        %dma_start3A_92 = arith.constant 0 : i32
        %dma_start3A_93 = tpu.memref_slice %arg3[%dma_start3A_91, %dma_start3A_92] : memref<10000x128xf32, #tpu.memory_space<hbm>> -> memref<10000x128xf32, #tpu.memory_space<hbm>>
        tpu.enqueue_indirect_dma source(%dma_start3A_93 : memref<10000x128xf32, #tpu.memory_space<hbm>>) target(%arg11 : memref<128x128xf32, #tpu.memory_space<vmem>>) offsets(%dma_start3A_90 : memref<128xi32, #tpu.memory_space<vmem>>) semaphore(%arg14 : memref<!tpu.dma_semaphore, #tpu.memory_space<semaphore_mem>>)
      } else {
      }
      %dma_wait3A_61 = arith.constant 0 : i32
      %dma_wait3A_62 = tpu.memref_slice %arg7[%add3A_53, %dma_wait3A_61] : memref<62x128xi32, #tpu.memory_space<vmem>> -> memref<1x128xi32, #tpu.memory_space<vmem>>
      %dma_wait3A_63 = tpu.memref_squeeze %dma_wait3A_62 : memref<1x128xi32, #tpu.memory_space<vmem>> -> memref<128xi32, #tpu.memory_space<vmem>>
      %dma_wait3A_64 = arith.constant 0 : i32
      %dma_wait3A_65 = arith.constant 0 : i32
      %dma_wait3A_66 = tpu.memref_slice %arg2[%dma_wait3A_64, %dma_wait3A_65] : memref<10000x128xf32, #tpu.memory_space<hbm>> -> memref<10000x128xf32, #tpu.memory_space<hbm>>
      tpu.wait_indirect_dma semaphore(%arg13 : memref<!tpu.dma_semaphore, #tpu.memory_space<semaphore_mem>>) src(%dma_wait3A_66 : memref<10000x128xf32, #tpu.memory_space<hbm>>) dst(%arg10 : memref<128x128xf32, #tpu.memory_space<vmem>>)
      %dma_wait3A_67 = arith.constant 0 : i32
      %dma_wait3A_68 = tpu.memref_slice %arg8[%add3A_53, %dma_wait3A_67] : memref<62x128xi32, #tpu.memory_space<vmem>> -> memref<1x128xi32, #tpu.memory_space<vmem>>
      %dma_wait3A_69 = tpu.memref_squeeze %dma_wait3A_68 : memref<1x128xi32, #tpu.memory_space<vmem>> -> memref<128xi32, #tpu.memory_space<vmem>>
      %dma_wait3A_70 = arith.constant 0 : i32
      %dma_wait3A_71 = arith.constant 0 : i32
      %dma_wait3A_72 = tpu.memref_slice %arg3[%dma_wait3A_70, %dma_wait3A_71] : memref<10000x128xf32, #tpu.memory_space<hbm>> -> memref<10000x128xf32, #tpu.memory_space<hbm>>
      tpu.wait_indirect_dma semaphore(%arg14 : memref<!tpu.dma_semaphore, #tpu.memory_space<semaphore_mem>>) src(%dma_wait3A_72 : memref<10000x128xf32, #tpu.memory_space<hbm>>) dst(%arg12 : memref<128x128xf32, #tpu.memory_space<vmem>>)
      %scan3A_73 = arith.constant 0 : i32
      %scan3A_74 = arith.constant 0 : i32
      %scan3A_75 = arith.constant 128 : i32
      %scan3A_76 = arith.addi %scan3A_74, %scan3A_75 : i32
      %scan3A_77 = arith.constant 1 : i32
      scf.for %scan3A_82 = %scan3A_74 to %scan3A_76 step %scan3A_77  : i32 {
        %get3A = arith.index_cast %scan3A_82 : i32 to index
        %get3A_83 = arith.constant 64 : index
        %get3A_84 = tpu.vector_load %arg12[%get3A, %get3A_83] {strides = array<i32>} : memref<128x128xf32, #tpu.memory_space<vmem>>, vector<1x16xf32>,
        %get3A_85 = vector.shape_cast %get3A_84 : vector<1x16xf32> to vector<16xf32>
        %swap3A = arith.index_cast %scan3A_82 : i32 to index
        %swap3A_86 = arith.constant 64 : index
        %swap3A_87 = tpu.vector_load %arg10[%swap3A, %swap3A_86] {strides = array<i32>} : memref<128x128xf32, #tpu.memory_space<vmem>>, vector<1x16xf32>,
        %swap3A_88 = vector.shape_cast %swap3A_87 : vector<1x16xf32> to vector<16xf32>
        %swap3A_89 = vector.shape_cast %get3A_85 : vector<16xf32> to vector<1x16xf32>
        tpu.vector_store %arg10[%swap3A, %swap3A_86], %swap3A_89 {strides = array<i32>} : memref<128x128xf32, #tpu.memory_space<vmem>>, vector<1x16xf32>,
        %get3A_90 = arith.index_cast %scan3A_82 : i32 to index
        %get3A_91 = arith.constant 80 : index
        %get3A_92 = tpu.vector_load %arg12[%get3A_90, %get3A_91] {strides = array<i32>} : memref<128x128xf32, #tpu.memory_space<vmem>>, vector<1x16xf32>,
        %get3A_93 = vector.shape_cast %get3A_92 : vector<1x16xf32> to vector<16xf32>
        %swap3A_94 = arith.index_cast %scan3A_82 : i32 to index
        %swap3A_95 = arith.constant 80 : index
        %swap3A_96 = tpu.vector_load %arg10[%swap3A_94, %swap3A_95] {strides = array<i32>} : memref<128x128xf32, #tpu.memory_space<vmem>>, vector<1x16xf32>,
        %swap3A_97 = vector.shape_cast %swap3A_96 : vector<1x16xf32> to vector<16xf32>
        %swap3A_98 = vector.shape_cast %get3A_93 : vector<16xf32> to vector<1x16xf32>
        tpu.vector_store %arg10[%swap3A_94, %swap3A_95], %swap3A_98 {strides = array<i32>} : memref<128x128xf32, #tpu.memory_space<vmem>>, vector<1x16xf32>,
        %get3A_99 = arith.index_cast %scan3A_82 : i32 to index
        %get3A_100 = arith.constant 96 : index
        %get3A_101 = tpu.vector_load %arg12[%get3A_99, %get3A_100] {strides = array<i32>} : memref<128x128xf32, #tpu.memory_space<vmem>>, vector<1x16xf32>,
        %get3A_102 = vector.shape_cast %get3A_101 : vector<1x16xf32> to vector<16xf32>
        %swap3A_103 = arith.index_cast %scan3A_82 : i32 to index
        %swap3A_104 = arith.constant 96 : index
        %swap3A_105 = tpu.vector_load %arg10[%swap3A_103, %swap3A_104] {strides = array<i32>} : memref<128x128xf32, #tpu.memory_space<vmem>>, vector<1x16xf32>,
        %swap3A_106 = vector.shape_cast %swap3A_105 : vector<1x16xf32> to vector<16xf32>
        %swap3A_107 = vector.shape_cast %get3A_102 : vector<16xf32> to vector<1x16xf32>
        tpu.vector_store %arg10[%swap3A_103, %swap3A_104], %swap3A_107 {strides = array<i32>} : memref<128x128xf32, #tpu.memory_space<vmem>>, vector<1x16xf32>,
        %get3A_108 = arith.index_cast %scan3A_82 : i32 to index
        %get3A_109 = arith.constant 112 : index
        %get3A_110 = tpu.vector_load %arg12[%get3A_108, %get3A_109] {strides = array<i32>} : memref<128x128xf32, #tpu.memory_space<vmem>>, vector<1x16xf32>,
        %get3A_111 = vector.shape_cast %get3A_110 : vector<1x16xf32> to vector<16xf32>
        %swap3A_112 = arith.index_cast %scan3A_82 : i32 to index
        %swap3A_113 = arith.constant 112 : index
        %swap3A_114 = tpu.vector_load %arg10[%swap3A_112, %swap3A_113] {strides = array<i32>} : memref<128x128xf32, #tpu.memory_space<vmem>>, vector<1x16xf32>,
        %swap3A_115 = vector.shape_cast %swap3A_114 : vector<1x16xf32> to vector<16xf32>
        %swap3A_116 = vector.shape_cast %get3A_111 : vector<16xf32> to vector<1x16xf32>
        tpu.vector_store %arg10[%swap3A_112, %swap3A_113], %swap3A_116 {strides = array<i32>} : memref<128x128xf32, #tpu.memory_space<vmem>>, vector<1x16xf32>,
      }
      %scan3A_78 = arith.constant 128 : i32
      %mul3A_79 = arith.constant 128 : i32
      %mul3A_80 = arith.muli %add3A_53, %mul3A_79 : i32
      %add3A_81 = arith.addi %mul3A_2, %mul3A_80 : i32
      "tpu.region"() ({
        %run_scoped3A = tpu.sem_alloc : memref<!tpu.dma_semaphore, #tpu.memory_space<semaphore_mem>>
        %dma_start3A_82 = arith.constant 0 : i32
        %dma_start3A_83 = tpu.memref_slice %arg6[%add3A_81, %dma_start3A_82] : memref<253952x128xf32, #tpu.memory_space<hbm>> -> memref<128x128xf32, #tpu.memory_space<hbm>>
        %dma_start3A_84 = arith.constant 0 : i32
        %dma_start3A_85 = tpu.memref_slice %arg6[%add3A_81, %dma_start3A_84] : memref<253952x128xf32, #tpu.memory_space<hbm>> -> memref<128x128xf32, #tpu.memory_space<hbm>>
        tpu.enqueue_dma source(%arg10 : memref<128x128xf32, #tpu.memory_space<vmem>>) target(%dma_start3A_85 : memref<128x128xf32, #tpu.memory_space<hbm>>) target_semaphore(%run_scoped3A : memref<!tpu.dma_semaphore, #tpu.memory_space<semaphore_mem>>)
        %dma_wait3A_86 = arith.constant 0 : i32
        %dma_wait3A_87 = tpu.memref_slice %arg6[%add3A_81, %dma_wait3A_86] : memref<253952x128xf32, #tpu.memory_space<hbm>> -> memref<128x128xf32, #tpu.memory_space<hbm>>
        %dma_wait3A_88 = arith.constant 0 : i32
        %dma_wait3A_89 = tpu.memref_slice %arg6[%add3A_81, %dma_wait3A_88] : memref<253952x128xf32, #tpu.memory_space<hbm>> -> memref<128x128xf32, #tpu.memory_space<hbm>>
        tpu.wait_dma2 semaphore(%run_scoped3A : memref<!tpu.dma_semaphore, #tpu.memory_space<semaphore_mem>>) src(%arg10 : memref<128x128xf32, #tpu.memory_space<vmem>>) dst(%dma_wait3A_89 : memref<128x128xf32, #tpu.memory_space<hbm>>)
        tpu.yield
      }) : () -> ()
    }
    %scan3A_20 = arith.constant 31 : i32
    return
  }
}

module attributes {stable_mosaic.version = 14 : i64} {
  func.func @_gridhead_body(%arg0: i32, %arg1: memref<2000x128xf32, #tpu.memory_space<vmem>>, %arg2: memref<128x64xf32, #tpu.memory_space<vmem>>, %arg3: memref<1x64xf32, #tpu.memory_space<vmem>>, %arg4: memref<64x64xf32, #tpu.memory_space<vmem>>, %arg5: memref<1x64xf32, #tpu.memory_space<vmem>>, %arg6: memref<1x64xf32, #tpu.memory_space<vmem>>, %arg7: memref<1x64xf32, #tpu.memory_space<vmem>>, %arg8: memref<64x64xf32, #tpu.memory_space<vmem>>, %arg9: memref<2000x128xf32, #tpu.memory_space<vmem>>) attributes {dimension_semantics = [#tpu.dimension_semantics<arbitrary>], iteration_bounds = array<i64: 5>, scalar_prefetch = 0 : i64, scratch_operands = 0 : i64, tpu.core_type = #tpu.core_type<tc>, window_params = [{transform_indices = @transform_0, window_bounds = array<i64: 2000, 128>}, {pipeline_mode = #tpu.pipeline_mode<synchronous>, transform_indices = @transform_1, window_bounds = array<i64: 128, 64>}, {pipeline_mode = #tpu.pipeline_mode<synchronous>, transform_indices = @transform_2, window_bounds = array<i64: 1, 64>}, {pipeline_mode = #tpu.pipeline_mode<synchronous>, transform_indices = @transform_3, window_bounds = array<i64: 64, 64>}, {pipeline_mode = #tpu.pipeline_mode<synchronous>, transform_indices = @transform_4, window_bounds = array<i64: 1, 64>}, {pipeline_mode = #tpu.pipeline_mode<synchronous>, transform_indices = @transform_5, window_bounds = array<i64: 1, 64>}, {pipeline_mode = #tpu.pipeline_mode<synchronous>, transform_indices = @transform_6, window_bounds = array<i64: 1, 64>}, {pipeline_mode = #tpu.pipeline_mode<synchronous>, transform_indices = @transform_7, window_bounds = array<i64: 64, 64>}, {transform_indices = @transform_8, window_bounds = array<i64: 2000, 128>}]} {
    %get3A = arith.constant 0 : index
    %get3A_0 = arith.constant 0 : index
    %get3A_1 = vector.load %arg1[%get3A, %get3A_0] : memref<2000x128xf32, #tpu.memory_space<vmem>>, vector<2000x128xf32>
    %get3A_2 = arith.constant 0 : index
    %get3A_3 = arith.constant 0 : index
    %get3A_4 = vector.load %arg2[%get3A_2, %get3A_3] : memref<128x64xf32, #tpu.memory_space<vmem>>, vector<128x64xf32>
    %dot_general3A = arith.constant dense<0.000000e+00> : vector<2000x64xf32>
    %dot_general3A_5 = tpu.matmul %get3A_1, %get3A_4, %dot_general3A {dimension_numbers = #tpu.dot_dimension_numbers<[1], [0], [0], [1], [0, 0, 1, 1], [], []>, transpose_lhs_hint = false} : vector<2000x128xf32>, vector<128x64xf32>, vector<2000x64xf32> -> vector<2000x64xf32>
    %get3A_6 = arith.constant 0 : index
    %get3A_7 = arith.constant 0 : index
    %get3A_8 = vector.load %arg3[%get3A_6, %get3A_7] : memref<1x64xf32, #tpu.memory_space<vmem>>, vector<1x64xf32>
    %add3A = vector.broadcast %get3A_8 : vector<1x64xf32> to vector<2000x64xf32>
    %add3A_9 = arith.addf %dot_general3A_5, %add3A : vector<2000x64xf32>
    %max3A = arith.constant 0.000000e+00 : f32
    %max3A_10 = vector.broadcast %max3A : f32 to vector<2000x64xf32>
    %max3A_11 = arith.maximumf %add3A_9, %max3A_10 : vector<2000x64xf32>
    %get3A_12 = arith.constant 0 : index
    %get3A_13 = arith.constant 0 : index
    %get3A_14 = vector.load %arg4[%get3A_12, %get3A_13] : memref<64x64xf32, #tpu.memory_space<vmem>>, vector<64x64xf32>
    %dot_general3A_15 = arith.constant dense<0.000000e+00> : vector<2000x64xf32>
    %dot_general3A_16 = tpu.matmul %max3A_11, %get3A_14, %dot_general3A_15 {dimension_numbers = #tpu.dot_dimension_numbers<[1], [0], [0], [1], [0, 0, 1, 1], [], []>, transpose_lhs_hint = false} : vector<2000x64xf32>, vector<64x64xf32>, vector<2000x64xf32> -> vector<2000x64xf32>
    %get3A_17 = arith.constant 0 : index
    %get3A_18 = arith.constant 0 : index
    %get3A_19 = vector.load %arg5[%get3A_17, %get3A_18] : memref<1x64xf32, #tpu.memory_space<vmem>>, vector<1x64xf32>
    %add3A_20 = vector.broadcast %get3A_19 : vector<1x64xf32> to vector<2000x64xf32>
    %add3A_21 = arith.addf %dot_general3A_16, %add3A_20 : vector<2000x64xf32>
    %reduce_sum3A = arith.constant dense<0.000000e+00> : vector<2000xf32>
    %reduce_sum3A_22 = vector.multi_reduction <add>, %add3A_21, %reduce_sum3A [1] : vector<2000x64xf32> to vector<2000xf32>
    %broadcast_in_dim3A = vector.shape_cast %reduce_sum3A_22 : vector<2000xf32> to vector<2000x1xf32>
    %div3A = arith.constant 6.400000e+01 : f32
    %div3A_23 = vector.broadcast %div3A : f32 to vector<2000x1xf32>
    %div3A_24 = arith.divf %broadcast_in_dim3A, %div3A_23 : vector<2000x1xf32>
    %sub3A = vector.broadcast %div3A_24 : vector<2000x1xf32> to vector<2000x64xf32>
    %sub3A_25 = arith.subf %add3A_21, %sub3A : vector<2000x64xf32>
    %integer_pow3A = arith.mulf %sub3A_25, %sub3A_25 : vector<2000x64xf32>
    %reduce_sum3A_26 = arith.constant dense<0.000000e+00> : vector<2000xf32>
    %reduce_sum3A_27 = vector.multi_reduction <add>, %integer_pow3A, %reduce_sum3A_26 [1] : vector<2000x64xf32> to vector<2000xf32>
    %broadcast_in_dim3A_28 = vector.shape_cast %reduce_sum3A_27 : vector<2000xf32> to vector<2000x1xf32>
    %div3A_29 = arith.constant 6.400000e+01 : f32
    %div3A_30 = vector.broadcast %div3A_29 : f32 to vector<2000x1xf32>
    %div3A_31 = arith.divf %broadcast_in_dim3A_28, %div3A_30 : vector<2000x1xf32>
    %sub3A_32 = vector.broadcast %div3A_24 : vector<2000x1xf32> to vector<2000x64xf32>
    %sub3A_33 = arith.subf %add3A_21, %sub3A_32 : vector<2000x64xf32>
    %add3A_34 = arith.constant 9.99999974E-6 : f32
    %add3A_35 = vector.broadcast %add3A_34 : f32 to vector<2000x1xf32>
    %add3A_36 = arith.addf %div3A_31, %add3A_35 : vector<2000x1xf32>
    %rsqrt3A = math.rsqrt %add3A_36 : vector<2000x1xf32>
    %mul3A = vector.broadcast %rsqrt3A : vector<2000x1xf32> to vector<2000x64xf32>
    %mul3A_37 = arith.mulf %sub3A_33, %mul3A : vector<2000x64xf32>
    %get3A_38 = arith.constant 0 : index
    %get3A_39 = arith.constant 0 : index
    %get3A_40 = vector.load %arg6[%get3A_38, %get3A_39] : memref<1x64xf32, #tpu.memory_space<vmem>>, vector<1x64xf32>
    %mul3A_41 = vector.broadcast %get3A_40 : vector<1x64xf32> to vector<2000x64xf32>
    %mul3A_42 = arith.mulf %mul3A_37, %mul3A_41 : vector<2000x64xf32>
    %get3A_43 = arith.constant 0 : index
    %get3A_44 = arith.constant 0 : index
    %get3A_45 = vector.load %arg7[%get3A_43, %get3A_44] : memref<1x64xf32, #tpu.memory_space<vmem>>, vector<1x64xf32>
    %add3A_46 = vector.broadcast %get3A_45 : vector<1x64xf32> to vector<2000x64xf32>
    %add3A_47 = arith.addf %mul3A_42, %add3A_46 : vector<2000x64xf32>
    %get3A_48 = arith.constant 0 : index
    %get3A_49 = arith.constant 0 : index
    %get3A_50 = vector.load %arg8[%get3A_48, %get3A_49] : memref<64x64xf32, #tpu.memory_space<vmem>>, vector<64x64xf32>
    %dot_general3A_51 = arith.constant dense<0.000000e+00> : vector<2000x64xf32>
    %dot_general3A_52 = tpu.matmul %add3A_47, %get3A_50, %dot_general3A_51 {dimension_numbers = #tpu.dot_dimension_numbers<[1], [0], [0], [1], [0, 0, 1, 1], [], []>, transpose_lhs_hint = false} : vector<2000x64xf32>, vector<64x64xf32>, vector<2000x64xf32> -> vector<2000x64xf32>
    %broadcast_in_dim3A_53 = arith.constant 0.000000e+00 : f32
    %broadcast_in_dim3A_54 = vector.broadcast %broadcast_in_dim3A_53 : f32 to vector<2000x64xf32>
    %concatenate3A = tpu.concatenate %broadcast_in_dim3A_54, %dot_general3A_52 in 1 : vector<2000x64xf32>, vector<2000x64xf32> -> vector<2000x128xf32>
    %swap3A = arith.constant 0 : index
    %swap3A_55 = arith.constant 0 : index
    %swap3A_56 = vector.load %arg9[%swap3A, %swap3A_55] : memref<2000x128xf32, #tpu.memory_space<vmem>>, vector<2000x128xf32>
    tpu.vector_store %arg9[%swap3A, %swap3A_55], %concatenate3A {strides = array<i32>} : memref<2000x128xf32, #tpu.memory_space<vmem>>, vector<2000x128xf32>,
    return
  }
  func.func @transform_0(%arg0: i32) -> (i32, i32) {
    %c0_i32 = arith.constant 0 : i32
    %c0_i32_0 = arith.constant 0 : i32
    return %arg0, %c0_i32 : i32, i32
  }
  func.func @transform_1(%arg0: i32) -> (i32, i32) {
    %c0_i32 = arith.constant 0 : i32
    %c0_i32_0 = arith.constant 0 : i32
    %c0_i32_1 = arith.constant 0 : i32
    return %c0_i32, %c0_i32_0 : i32, i32
  }
  func.func @transform_2(%arg0: i32) -> (i32, i32) {
    %c0_i32 = arith.constant 0 : i32
    %c0_i32_0 = arith.constant 0 : i32
    %c0_i32_1 = arith.constant 0 : i32
    return %c0_i32, %c0_i32_0 : i32, i32
  }
  func.func @transform_3(%arg0: i32) -> (i32, i32) {
    %c0_i32 = arith.constant 0 : i32
    %c0_i32_0 = arith.constant 0 : i32
    %c0_i32_1 = arith.constant 0 : i32
    return %c0_i32, %c0_i32_0 : i32, i32
  }
  func.func @transform_4(%arg0: i32) -> (i32, i32) {
    %c0_i32 = arith.constant 0 : i32
    %c0_i32_0 = arith.constant 0 : i32
    %c0_i32_1 = arith.constant 0 : i32
    return %c0_i32, %c0_i32_0 : i32, i32
  }
  func.func @transform_5(%arg0: i32) -> (i32, i32) {
    %c0_i32 = arith.constant 0 : i32
    %c0_i32_0 = arith.constant 0 : i32
    %c0_i32_1 = arith.constant 0 : i32
    return %c0_i32, %c0_i32_0 : i32, i32
  }
  func.func @transform_6(%arg0: i32) -> (i32, i32) {
    %c0_i32 = arith.constant 0 : i32
    %c0_i32_0 = arith.constant 0 : i32
    %c0_i32_1 = arith.constant 0 : i32
    return %c0_i32, %c0_i32_0 : i32, i32
  }
  func.func @transform_7(%arg0: i32) -> (i32, i32) {
    %c0_i32 = arith.constant 0 : i32
    %c0_i32_0 = arith.constant 0 : i32
    %c0_i32_1 = arith.constant 0 : i32
    return %c0_i32, %c0_i32_0 : i32, i32
  }
  func.func @transform_8(%arg0: i32) -> (i32, i32) {
    %c0_i32 = arith.constant 0 : i32
    %c0_i32_0 = arith.constant 0 : i32
    return %arg0, %c0_i32 : i32, i32
  }
}

module attributes {stable_mosaic.version = 14 : i64} {
  func.func @_mesh_body(%arg0: i32, %arg1: memref<2000x8xf32, #tpu.memory_space<vmem>>, %arg2: memref<8x64xf32, #tpu.memory_space<vmem>>, %arg3: memref<1x64xf32, #tpu.memory_space<vmem>>, %arg4: memref<64x64xf32, #tpu.memory_space<vmem>>, %arg5: memref<1x64xf32, #tpu.memory_space<vmem>>, %arg6: memref<1x64xf32, #tpu.memory_space<vmem>>, %arg7: memref<1x64xf32, #tpu.memory_space<vmem>>, %arg8: memref<64x64xf32, #tpu.memory_space<vmem>>, %arg9: memref<1x64xf32, #tpu.memory_space<vmem>>, %arg10: memref<2000x64xf32, #tpu.memory_space<vmem>>, %arg11: memref<2000x128xf32, #tpu.memory_space<vmem>>) attributes {dimension_semantics = [#tpu.dimension_semantics<arbitrary>], iteration_bounds = array<i64: 5>, scalar_prefetch = 0 : i64, scratch_operands = 0 : i64, tpu.core_type = #tpu.core_type<tc>, window_params = [{transform_indices = @transform_0, window_bounds = array<i64: 2000, 8>}, {pipeline_mode = #tpu.pipeline_mode<synchronous>, transform_indices = @transform_1, window_bounds = array<i64: 8, 64>}, {pipeline_mode = #tpu.pipeline_mode<synchronous>, transform_indices = @transform_2, window_bounds = array<i64: 1, 64>}, {pipeline_mode = #tpu.pipeline_mode<synchronous>, transform_indices = @transform_3, window_bounds = array<i64: 64, 64>}, {pipeline_mode = #tpu.pipeline_mode<synchronous>, transform_indices = @transform_4, window_bounds = array<i64: 1, 64>}, {pipeline_mode = #tpu.pipeline_mode<synchronous>, transform_indices = @transform_5, window_bounds = array<i64: 1, 64>}, {pipeline_mode = #tpu.pipeline_mode<synchronous>, transform_indices = @transform_6, window_bounds = array<i64: 1, 64>}, {pipeline_mode = #tpu.pipeline_mode<synchronous>, transform_indices = @transform_7, window_bounds = array<i64: 64, 64>}, {pipeline_mode = #tpu.pipeline_mode<synchronous>, transform_indices = @transform_8, window_bounds = array<i64: 1, 64>}, {transform_indices = @transform_9, window_bounds = array<i64: 2000, 64>}, {transform_indices = @transform_10, window_bounds = array<i64: 2000, 128>}]} {
    %get3A = arith.constant 0 : index
    %get3A_0 = arith.constant 0 : index
    %get3A_1 = vector.load %arg1[%get3A, %get3A_0] : memref<2000x8xf32, #tpu.memory_space<vmem>>, vector<2000x8xf32>
    %get3A_2 = arith.constant 0 : index
    %get3A_3 = arith.constant 0 : index
    %get3A_4 = vector.load %arg2[%get3A_2, %get3A_3] : memref<8x64xf32, #tpu.memory_space<vmem>>, vector<8x64xf32>
    %dot_general3A = arith.constant dense<0.000000e+00> : vector<2000x64xf32>
    %dot_general3A_5 = tpu.matmul %get3A_1, %get3A_4, %dot_general3A {dimension_numbers = #tpu.dot_dimension_numbers<[1], [0], [0], [1], [0, 0, 1, 1], [], []>, transpose_lhs_hint = false} : vector<2000x8xf32>, vector<8x64xf32>, vector<2000x64xf32> -> vector<2000x64xf32>
    %get3A_6 = arith.constant 0 : index
    %get3A_7 = arith.constant 0 : index
    %get3A_8 = vector.load %arg3[%get3A_6, %get3A_7] : memref<1x64xf32, #tpu.memory_space<vmem>>, vector<1x64xf32>
    %add3A = vector.broadcast %get3A_8 : vector<1x64xf32> to vector<2000x64xf32>
    %add3A_9 = arith.addf %dot_general3A_5, %add3A : vector<2000x64xf32>
    %max3A = arith.constant 0.000000e+00 : f32
    %max3A_10 = vector.broadcast %max3A : f32 to vector<2000x64xf32>
    %max3A_11 = arith.maximumf %add3A_9, %max3A_10 : vector<2000x64xf32>
    %get3A_12 = arith.constant 0 : index
    %get3A_13 = arith.constant 0 : index
    %get3A_14 = vector.load %arg4[%get3A_12, %get3A_13] : memref<64x64xf32, #tpu.memory_space<vmem>>, vector<64x64xf32>
    %dot_general3A_15 = arith.constant dense<0.000000e+00> : vector<2000x64xf32>
    %dot_general3A_16 = tpu.matmul %max3A_11, %get3A_14, %dot_general3A_15 {dimension_numbers = #tpu.dot_dimension_numbers<[1], [0], [0], [1], [0, 0, 1, 1], [], []>, transpose_lhs_hint = false} : vector<2000x64xf32>, vector<64x64xf32>, vector<2000x64xf32> -> vector<2000x64xf32>
    %get3A_17 = arith.constant 0 : index
    %get3A_18 = arith.constant 0 : index
    %get3A_19 = vector.load %arg5[%get3A_17, %get3A_18] : memref<1x64xf32, #tpu.memory_space<vmem>>, vector<1x64xf32>
    %add3A_20 = vector.broadcast %get3A_19 : vector<1x64xf32> to vector<2000x64xf32>
    %add3A_21 = arith.addf %dot_general3A_16, %add3A_20 : vector<2000x64xf32>
    %reduce_sum3A = arith.constant dense<0.000000e+00> : vector<2000xf32>
    %reduce_sum3A_22 = vector.multi_reduction <add>, %add3A_21, %reduce_sum3A [1] : vector<2000x64xf32> to vector<2000xf32>
    %broadcast_in_dim3A = vector.shape_cast %reduce_sum3A_22 : vector<2000xf32> to vector<2000x1xf32>
    %div3A = arith.constant 6.400000e+01 : f32
    %div3A_23 = vector.broadcast %div3A : f32 to vector<2000x1xf32>
    %div3A_24 = arith.divf %broadcast_in_dim3A, %div3A_23 : vector<2000x1xf32>
    %sub3A = vector.broadcast %div3A_24 : vector<2000x1xf32> to vector<2000x64xf32>
    %sub3A_25 = arith.subf %add3A_21, %sub3A : vector<2000x64xf32>
    %integer_pow3A = arith.mulf %sub3A_25, %sub3A_25 : vector<2000x64xf32>
    %reduce_sum3A_26 = arith.constant dense<0.000000e+00> : vector<2000xf32>
    %reduce_sum3A_27 = vector.multi_reduction <add>, %integer_pow3A, %reduce_sum3A_26 [1] : vector<2000x64xf32> to vector<2000xf32>
    %broadcast_in_dim3A_28 = vector.shape_cast %reduce_sum3A_27 : vector<2000xf32> to vector<2000x1xf32>
    %div3A_29 = arith.constant 6.400000e+01 : f32
    %div3A_30 = vector.broadcast %div3A_29 : f32 to vector<2000x1xf32>
    %div3A_31 = arith.divf %broadcast_in_dim3A_28, %div3A_30 : vector<2000x1xf32>
    %sub3A_32 = vector.broadcast %div3A_24 : vector<2000x1xf32> to vector<2000x64xf32>
    %sub3A_33 = arith.subf %add3A_21, %sub3A_32 : vector<2000x64xf32>
    %add3A_34 = arith.constant 9.99999974E-6 : f32
    %add3A_35 = vector.broadcast %add3A_34 : f32 to vector<2000x1xf32>
    %add3A_36 = arith.addf %div3A_31, %add3A_35 : vector<2000x1xf32>
    %rsqrt3A = math.rsqrt %add3A_36 : vector<2000x1xf32>
    %mul3A = vector.broadcast %rsqrt3A : vector<2000x1xf32> to vector<2000x64xf32>
    %mul3A_37 = arith.mulf %sub3A_33, %mul3A : vector<2000x64xf32>
    %get3A_38 = arith.constant 0 : index
    %get3A_39 = arith.constant 0 : index
    %get3A_40 = vector.load %arg6[%get3A_38, %get3A_39] : memref<1x64xf32, #tpu.memory_space<vmem>>, vector<1x64xf32>
    %mul3A_41 = vector.broadcast %get3A_40 : vector<1x64xf32> to vector<2000x64xf32>
    %mul3A_42 = arith.mulf %mul3A_37, %mul3A_41 : vector<2000x64xf32>
    %get3A_43 = arith.constant 0 : index
    %get3A_44 = arith.constant 0 : index
    %get3A_45 = vector.load %arg7[%get3A_43, %get3A_44] : memref<1x64xf32, #tpu.memory_space<vmem>>, vector<1x64xf32>
    %add3A_46 = vector.broadcast %get3A_45 : vector<1x64xf32> to vector<2000x64xf32>
    %add3A_47 = arith.addf %mul3A_42, %add3A_46 : vector<2000x64xf32>
    %swap3A = arith.constant 0 : index
    %swap3A_48 = arith.constant 0 : index
    %swap3A_49 = vector.load %arg10[%swap3A, %swap3A_48] : memref<2000x64xf32, #tpu.memory_space<vmem>>, vector<2000x64xf32>
    tpu.vector_store %arg10[%swap3A, %swap3A_48], %add3A_47 {strides = array<i32>} : memref<2000x64xf32, #tpu.memory_space<vmem>>, vector<2000x64xf32>,
    %get3A_50 = arith.constant 0 : index
    %get3A_51 = arith.constant 0 : index
    %get3A_52 = vector.load %arg8[%get3A_50, %get3A_51] : memref<64x64xf32, #tpu.memory_space<vmem>>, vector<64x64xf32>
    %dot_general3A_53 = arith.constant dense<0.000000e+00> : vector<2000x64xf32>
    %dot_general3A_54 = tpu.matmul %add3A_47, %get3A_52, %dot_general3A_53 {dimension_numbers = #tpu.dot_dimension_numbers<[1], [0], [0], [1], [0, 0, 1, 1], [], []>, transpose_lhs_hint = false} : vector<2000x64xf32>, vector<64x64xf32>, vector<2000x64xf32> -> vector<2000x64xf32>
    %get3A_55 = arith.constant 0 : index
    %get3A_56 = arith.constant 0 : index
    %get3A_57 = vector.load %arg9[%get3A_55, %get3A_56] : memref<1x64xf32, #tpu.memory_space<vmem>>, vector<1x64xf32>
    %add3A_58 = vector.broadcast %get3A_57 : vector<1x64xf32> to vector<2000x64xf32>
    %add3A_59 = arith.addf %dot_general3A_54, %add3A_58 : vector<2000x64xf32>
    %broadcast_in_dim3A_60 = arith.constant 0.000000e+00 : f32
    %broadcast_in_dim3A_61 = vector.broadcast %broadcast_in_dim3A_60 : f32 to vector<2000x64xf32>
    %concatenate3A = tpu.concatenate %add3A_59, %broadcast_in_dim3A_61 in 1 : vector<2000x64xf32>, vector<2000x64xf32> -> vector<2000x128xf32>
    %swap3A_62 = arith.constant 0 : index
    %swap3A_63 = arith.constant 0 : index
    %swap3A_64 = vector.load %arg11[%swap3A_62, %swap3A_63] : memref<2000x128xf32, #tpu.memory_space<vmem>>, vector<2000x128xf32>
    tpu.vector_store %arg11[%swap3A_62, %swap3A_63], %concatenate3A {strides = array<i32>} : memref<2000x128xf32, #tpu.memory_space<vmem>>, vector<2000x128xf32>,
    return
  }
  func.func @transform_0(%arg0: i32) -> (i32, i32) {
    %c0_i32 = arith.constant 0 : i32
    %c0_i32_0 = arith.constant 0 : i32
    return %arg0, %c0_i32 : i32, i32
  }
  func.func @transform_1(%arg0: i32) -> (i32, i32) {
    %c0_i32 = arith.constant 0 : i32
    %c0_i32_0 = arith.constant 0 : i32
    %c0_i32_1 = arith.constant 0 : i32
    return %c0_i32, %c0_i32_0 : i32, i32
  }
  func.func @transform_2(%arg0: i32) -> (i32, i32) {
    %c0_i32 = arith.constant 0 : i32
    %c0_i32_0 = arith.constant 0 : i32
    %c0_i32_1 = arith.constant 0 : i32
    return %c0_i32, %c0_i32_0 : i32, i32
  }
  func.func @transform_3(%arg0: i32) -> (i32, i32) {
    %c0_i32 = arith.constant 0 : i32
    %c0_i32_0 = arith.constant 0 : i32
    %c0_i32_1 = arith.constant 0 : i32
    return %c0_i32, %c0_i32_0 : i32, i32
  }
  func.func @transform_4(%arg0: i32) -> (i32, i32) {
    %c0_i32 = arith.constant 0 : i32
    %c0_i32_0 = arith.constant 0 : i32
    %c0_i32_1 = arith.constant 0 : i32
    return %c0_i32, %c0_i32_0 : i32, i32
  }
  func.func @transform_5(%arg0: i32) -> (i32, i32) {
    %c0_i32 = arith.constant 0 : i32
    %c0_i32_0 = arith.constant 0 : i32
    %c0_i32_1 = arith.constant 0 : i32
    return %c0_i32, %c0_i32_0 : i32, i32
  }
  func.func @transform_6(%arg0: i32) -> (i32, i32) {
    %c0_i32 = arith.constant 0 : i32
    %c0_i32_0 = arith.constant 0 : i32
    %c0_i32_1 = arith.constant 0 : i32
    return %c0_i32, %c0_i32_0 : i32, i32
  }
  func.func @transform_7(%arg0: i32) -> (i32, i32) {
    %c0_i32 = arith.constant 0 : i32
    %c0_i32_0 = arith.constant 0 : i32
    %c0_i32_1 = arith.constant 0 : i32
    return %c0_i32, %c0_i32_0 : i32, i32
  }
  func.func @transform_8(%arg0: i32) -> (i32, i32) {
    %c0_i32 = arith.constant 0 : i32
    %c0_i32_0 = arith.constant 0 : i32
    %c0_i32_1 = arith.constant 0 : i32
    return %c0_i32, %c0_i32_0 : i32, i32
  }
  func.func @transform_9(%arg0: i32) -> (i32, i32) {
    %c0_i32 = arith.constant 0 : i32
    %c0_i32_0 = arith.constant 0 : i32
    return %arg0, %c0_i32 : i32, i32
  }
  func.func @transform_10(%arg0: i32) -> (i32, i32) {
    %c0_i32 = arith.constant 0 : i32
    %c0_i32_0 = arith.constant 0 : i32
    return %arg0, %c0_i32 : i32, i32
  }
}

module attributes {stable_mosaic.version = 14 : i64} {
  func.func @_edge_msg_body(%arg0: i32, %arg1: memref<2000x4xf32, #tpu.memory_space<vmem>>, %arg2: memref<2000x128xf32, #tpu.memory_space<vmem>>, %arg3: memref<4x64xf32, #tpu.memory_space<vmem>>, %arg4: memref<1x64xf32, #tpu.memory_space<vmem>>, %arg5: memref<64x64xf32, #tpu.memory_space<vmem>>, %arg6: memref<1x64xf32, #tpu.memory_space<vmem>>, %arg7: memref<64x64xf32, #tpu.memory_space<vmem>>, %arg8: memref<64x64xf32, #tpu.memory_space<vmem>>, %arg9: memref<1x64xf32, #tpu.memory_space<vmem>>, %arg10: memref<1x64xf32, #tpu.memory_space<vmem>>, %arg11: memref<1x64xf32, #tpu.memory_space<vmem>>, %arg12: memref<2000x128xf32, #tpu.memory_space<vmem>>) attributes {dimension_semantics = [#tpu.dimension_semantics<arbitrary>], iteration_bounds = array<i64: 125>, scalar_prefetch = 0 : i64, scratch_operands = 0 : i64, tpu.core_type = #tpu.core_type<tc>, window_params = [{transform_indices = @transform_0, window_bounds = array<i64: 2000, 4>}, {transform_indices = @transform_1, window_bounds = array<i64: 2000, 128>}, {pipeline_mode = #tpu.pipeline_mode<synchronous>, transform_indices = @transform_2, window_bounds = array<i64: 4, 64>}, {pipeline_mode = #tpu.pipeline_mode<synchronous>, transform_indices = @transform_3, window_bounds = array<i64: 1, 64>}, {pipeline_mode = #tpu.pipeline_mode<synchronous>, transform_indices = @transform_4, window_bounds = array<i64: 64, 64>}, {pipeline_mode = #tpu.pipeline_mode<synchronous>, transform_indices = @transform_5, window_bounds = array<i64: 1, 64>}, {pipeline_mode = #tpu.pipeline_mode<synchronous>, transform_indices = @transform_6, window_bounds = array<i64: 64, 64>}, {pipeline_mode = #tpu.pipeline_mode<synchronous>, transform_indices = @transform_7, window_bounds = array<i64: 64, 64>}, {pipeline_mode = #tpu.pipeline_mode<synchronous>, transform_indices = @transform_8, window_bounds = array<i64: 1, 64>}, {pipeline_mode = #tpu.pipeline_mode<synchronous>, transform_indices = @transform_9, window_bounds = array<i64: 1, 64>}, {pipeline_mode = #tpu.pipeline_mode<synchronous>, transform_indices = @transform_10, window_bounds = array<i64: 1, 64>}, {transform_indices = @transform_11, window_bounds = array<i64: 2000, 128>}]} {
    %get3A = arith.constant 0 : index
    %get3A_0 = arith.constant 0 : index
    %get3A_1 = vector.load %arg1[%get3A, %get3A_0] : memref<2000x4xf32, #tpu.memory_space<vmem>>, vector<2000x4xf32>
    %get3A_2 = arith.constant 0 : index
    %get3A_3 = arith.constant 0 : index
    %get3A_4 = vector.load %arg3[%get3A_2, %get3A_3] : memref<4x64xf32, #tpu.memory_space<vmem>>, vector<4x64xf32>
    %dot_general3A = arith.constant dense<0.000000e+00> : vector<2000x64xf32>
    %dot_general3A_5 = tpu.matmul %get3A_1, %get3A_4, %dot_general3A {dimension_numbers = #tpu.dot_dimension_numbers<[1], [0], [0], [1], [0, 0, 1, 1], [], []>, transpose_lhs_hint = false} : vector<2000x4xf32>, vector<4x64xf32>, vector<2000x64xf32> -> vector<2000x64xf32>
    %get3A_6 = arith.constant 0 : index
    %get3A_7 = arith.constant 0 : index
    %get3A_8 = vector.load %arg4[%get3A_6, %get3A_7] : memref<1x64xf32, #tpu.memory_space<vmem>>, vector<1x64xf32>
    %add3A = vector.broadcast %get3A_8 : vector<1x64xf32> to vector<2000x64xf32>
    %add3A_9 = arith.addf %dot_general3A_5, %add3A : vector<2000x64xf32>
    %max3A = arith.constant 0.000000e+00 : f32
    %max3A_10 = vector.broadcast %max3A : f32 to vector<2000x64xf32>
    %max3A_11 = arith.maximumf %add3A_9, %max3A_10 : vector<2000x64xf32>
    %get3A_12 = arith.constant 0 : index
    %get3A_13 = arith.constant 0 : index
    %get3A_14 = vector.load %arg5[%get3A_12, %get3A_13] : memref<64x64xf32, #tpu.memory_space<vmem>>, vector<64x64xf32>
    %dot_general3A_15 = arith.constant dense<0.000000e+00> : vector<2000x64xf32>
    %dot_general3A_16 = tpu.matmul %max3A_11, %get3A_14, %dot_general3A_15 {dimension_numbers = #tpu.dot_dimension_numbers<[1], [0], [0], [1], [0, 0, 1, 1], [], []>, transpose_lhs_hint = false} : vector<2000x64xf32>, vector<64x64xf32>, vector<2000x64xf32> -> vector<2000x64xf32>
    %get3A_17 = arith.constant 0 : index
    %get3A_18 = arith.constant 0 : index
    %get3A_19 = vector.load %arg6[%get3A_17, %get3A_18] : memref<1x64xf32, #tpu.memory_space<vmem>>, vector<1x64xf32>
    %add3A_20 = vector.broadcast %get3A_19 : vector<1x64xf32> to vector<2000x64xf32>
    %add3A_21 = arith.addf %dot_general3A_16, %add3A_20 : vector<2000x64xf32>
    %reduce_sum3A = arith.constant dense<0.000000e+00> : vector<2000xf32>
    %reduce_sum3A_22 = vector.multi_reduction <add>, %add3A_21, %reduce_sum3A [1] : vector<2000x64xf32> to vector<2000xf32>
    %broadcast_in_dim3A = vector.shape_cast %reduce_sum3A_22 : vector<2000xf32> to vector<2000x1xf32>
    %div3A = arith.constant 6.400000e+01 : f32
    %div3A_23 = vector.broadcast %div3A : f32 to vector<2000x1xf32>
    %div3A_24 = arith.divf %broadcast_in_dim3A, %div3A_23 : vector<2000x1xf32>
    %sub3A = vector.broadcast %div3A_24 : vector<2000x1xf32> to vector<2000x64xf32>
    %sub3A_25 = arith.subf %add3A_21, %sub3A : vector<2000x64xf32>
    %integer_pow3A = arith.mulf %sub3A_25, %sub3A_25 : vector<2000x64xf32>
    %reduce_sum3A_26 = arith.constant dense<0.000000e+00> : vector<2000xf32>
    %reduce_sum3A_27 = vector.multi_reduction <add>, %integer_pow3A, %reduce_sum3A_26 [1] : vector<2000x64xf32> to vector<2000xf32>
    %broadcast_in_dim3A_28 = vector.shape_cast %reduce_sum3A_27 : vector<2000xf32> to vector<2000x1xf32>
    %div3A_29 = arith.constant 6.400000e+01 : f32
    %div3A_30 = vector.broadcast %div3A_29 : f32 to vector<2000x1xf32>
    %div3A_31 = arith.divf %broadcast_in_dim3A_28, %div3A_30 : vector<2000x1xf32>
    %sub3A_32 = vector.broadcast %div3A_24 : vector<2000x1xf32> to vector<2000x64xf32>
    %sub3A_33 = arith.subf %add3A_21, %sub3A_32 : vector<2000x64xf32>
    %add3A_34 = arith.constant 9.99999974E-6 : f32
    %add3A_35 = vector.broadcast %add3A_34 : f32 to vector<2000x1xf32>
    %add3A_36 = arith.addf %div3A_31, %add3A_35 : vector<2000x1xf32>
    %rsqrt3A = math.rsqrt %add3A_36 : vector<2000x1xf32>
    %mul3A = vector.broadcast %rsqrt3A : vector<2000x1xf32> to vector<2000x64xf32>
    %mul3A_37 = arith.mulf %sub3A_33, %mul3A : vector<2000x64xf32>
    %get3A_38 = arith.constant 0 : index
    %get3A_39 = arith.constant 0 : index
    %get3A_40 = vector.load %arg2[%get3A_38, %get3A_39] : memref<2000x128xf32, #tpu.memory_space<vmem>>, vector<2000x128xf32>
    %get3A_41 = arith.constant 0 : index
    %get3A_42 = arith.constant 0 : index
    %get3A_43 = vector.load %arg7[%get3A_41, %get3A_42] : memref<64x64xf32, #tpu.memory_space<vmem>>, vector<64x64xf32>
    %dot_general3A_44 = arith.constant dense<0.000000e+00> : vector<2000x64xf32>
    %dot_general3A_45 = tpu.matmul %mul3A_37, %get3A_43, %dot_general3A_44 {dimension_numbers = #tpu.dot_dimension_numbers<[1], [0], [0], [1], [0, 0, 1, 1], [], []>, transpose_lhs_hint = false} : vector<2000x64xf32>, vector<64x64xf32>, vector<2000x64xf32> -> vector<2000x64xf32>
    %slice3A = vector.extract_strided_slice %get3A_40 {offsets = [0, 0], sizes = [2000, 64], strides = [1, 1]} : vector<2000x128xf32> to vector<2000x64xf32>
    %add3A_46 = arith.addf %dot_general3A_45, %slice3A : vector<2000x64xf32>
    %slice3A_47 = vector.extract_strided_slice %get3A_40 {offsets = [0, 64], sizes = [2000, 64], strides = [1, 1]} : vector<2000x128xf32> to vector<2000x64xf32>
    %add3A_48 = arith.addf %add3A_46, %slice3A_47 : vector<2000x64xf32>
    %max3A_49 = arith.constant 0.000000e+00 : f32
    %max3A_50 = vector.broadcast %max3A_49 : f32 to vector<2000x64xf32>
    %max3A_51 = arith.maximumf %add3A_48, %max3A_50 : vector<2000x64xf32>
    %get3A_52 = arith.constant 0 : index
    %get3A_53 = arith.constant 0 : index
    %get3A_54 = vector.load %arg8[%get3A_52, %get3A_53] : memref<64x64xf32, #tpu.memory_space<vmem>>, vector<64x64xf32>
    %dot_general3A_55 = arith.constant dense<0.000000e+00> : vector<2000x64xf32>
    %dot_general3A_56 = tpu.matmul %max3A_51, %get3A_54, %dot_general3A_55 {dimension_numbers = #tpu.dot_dimension_numbers<[1], [0], [0], [1], [0, 0, 1, 1], [], []>, transpose_lhs_hint = false} : vector<2000x64xf32>, vector<64x64xf32>, vector<2000x64xf32> -> vector<2000x64xf32>
    %get3A_57 = arith.constant 0 : index
    %get3A_58 = arith.constant 0 : index
    %get3A_59 = vector.load %arg9[%get3A_57, %get3A_58] : memref<1x64xf32, #tpu.memory_space<vmem>>, vector<1x64xf32>
    %add3A_60 = vector.broadcast %get3A_59 : vector<1x64xf32> to vector<2000x64xf32>
    %add3A_61 = arith.addf %dot_general3A_56, %add3A_60 : vector<2000x64xf32>
    %reduce_sum3A_62 = arith.constant dense<0.000000e+00> : vector<2000xf32>
    %reduce_sum3A_63 = vector.multi_reduction <add>, %add3A_61, %reduce_sum3A_62 [1] : vector<2000x64xf32> to vector<2000xf32>
    %broadcast_in_dim3A_64 = vector.shape_cast %reduce_sum3A_63 : vector<2000xf32> to vector<2000x1xf32>
    %div3A_65 = arith.constant 6.400000e+01 : f32
    %div3A_66 = vector.broadcast %div3A_65 : f32 to vector<2000x1xf32>
    %div3A_67 = arith.divf %broadcast_in_dim3A_64, %div3A_66 : vector<2000x1xf32>
    %sub3A_68 = vector.broadcast %div3A_67 : vector<2000x1xf32> to vector<2000x64xf32>
    %sub3A_69 = arith.subf %add3A_61, %sub3A_68 : vector<2000x64xf32>
    %integer_pow3A_70 = arith.mulf %sub3A_69, %sub3A_69 : vector<2000x64xf32>
    %reduce_sum3A_71 = arith.constant dense<0.000000e+00> : vector<2000xf32>
    %reduce_sum3A_72 = vector.multi_reduction <add>, %integer_pow3A_70, %reduce_sum3A_71 [1] : vector<2000x64xf32> to vector<2000xf32>
    %broadcast_in_dim3A_73 = vector.shape_cast %reduce_sum3A_72 : vector<2000xf32> to vector<2000x1xf32>
    %div3A_74 = arith.constant 6.400000e+01 : f32
    %div3A_75 = vector.broadcast %div3A_74 : f32 to vector<2000x1xf32>
    %div3A_76 = arith.divf %broadcast_in_dim3A_73, %div3A_75 : vector<2000x1xf32>
    %sub3A_77 = vector.broadcast %div3A_67 : vector<2000x1xf32> to vector<2000x64xf32>
    %sub3A_78 = arith.subf %add3A_61, %sub3A_77 : vector<2000x64xf32>
    %add3A_79 = arith.constant 9.99999974E-6 : f32
    %add3A_80 = vector.broadcast %add3A_79 : f32 to vector<2000x1xf32>
    %add3A_81 = arith.addf %div3A_76, %add3A_80 : vector<2000x1xf32>
    %rsqrt3A_82 = math.rsqrt %add3A_81 : vector<2000x1xf32>
    %mul3A_83 = vector.broadcast %rsqrt3A_82 : vector<2000x1xf32> to vector<2000x64xf32>
    %mul3A_84 = arith.mulf %sub3A_78, %mul3A_83 : vector<2000x64xf32>
    %get3A_85 = arith.constant 0 : index
    %get3A_86 = arith.constant 0 : index
    %get3A_87 = vector.load %arg10[%get3A_85, %get3A_86] : memref<1x64xf32, #tpu.memory_space<vmem>>, vector<1x64xf32>
    %mul3A_88 = vector.broadcast %get3A_87 : vector<1x64xf32> to vector<2000x64xf32>
    %mul3A_89 = arith.mulf %mul3A_84, %mul3A_88 : vector<2000x64xf32>
    %get3A_90 = arith.constant 0 : index
    %get3A_91 = arith.constant 0 : index
    %get3A_92 = vector.load %arg11[%get3A_90, %get3A_91] : memref<1x64xf32, #tpu.memory_space<vmem>>, vector<1x64xf32>
    %add3A_93 = vector.broadcast %get3A_92 : vector<1x64xf32> to vector<2000x64xf32>
    %add3A_94 = arith.addf %mul3A_89, %add3A_93 : vector<2000x64xf32>
    %broadcast_in_dim3A_95 = arith.constant 0.000000e+00 : f32
    %broadcast_in_dim3A_96 = vector.broadcast %broadcast_in_dim3A_95 : f32 to vector<2000x64xf32>
    %concatenate3A = tpu.concatenate %add3A_94, %broadcast_in_dim3A_96 in 1 : vector<2000x64xf32>, vector<2000x64xf32> -> vector<2000x128xf32>
    %swap3A = arith.constant 0 : index
    %swap3A_97 = arith.constant 0 : index
    %swap3A_98 = vector.load %arg12[%swap3A, %swap3A_97] : memref<2000x128xf32, #tpu.memory_space<vmem>>, vector<2000x128xf32>
    tpu.vector_store %arg12[%swap3A, %swap3A_97], %concatenate3A {strides = array<i32>} : memref<2000x128xf32, #tpu.memory_space<vmem>>, vector<2000x128xf32>,
    return
  }
  func.func @transform_0(%arg0: i32) -> (i32, i32) {
    %add3A = arith.constant 125 : i32
    %add3A_0 = arith.addi %arg0, %add3A : i32
    %c0_i32 = arith.constant 0 : i32
    %c0_i32_1 = arith.constant 0 : i32
    return %add3A_0, %c0_i32 : i32, i32
  }
  func.func @transform_1(%arg0: i32) -> (i32, i32) {
    %c0_i32 = arith.constant 0 : i32
    %c0_i32_0 = arith.constant 0 : i32
    return %arg0, %c0_i32 : i32, i32
  }
  func.func @transform_2(%arg0: i32) -> (i32, i32) {
    %c0_i32 = arith.constant 0 : i32
    %c0_i32_0 = arith.constant 0 : i32
    %c0_i32_1 = arith.constant 0 : i32
    return %c0_i32, %c0_i32_0 : i32, i32
  }
  func.func @transform_3(%arg0: i32) -> (i32, i32) {
    %c0_i32 = arith.constant 0 : i32
    %c0_i32_0 = arith.constant 0 : i32
    %c0_i32_1 = arith.constant 0 : i32
    return %c0_i32, %c0_i32_0 : i32, i32
  }
  func.func @transform_4(%arg0: i32) -> (i32, i32) {
    %c0_i32 = arith.constant 0 : i32
    %c0_i32_0 = arith.constant 0 : i32
    %c0_i32_1 = arith.constant 0 : i32
    return %c0_i32, %c0_i32_0 : i32, i32
  }
  func.func @transform_5(%arg0: i32) -> (i32, i32) {
    %c0_i32 = arith.constant 0 : i32
    %c0_i32_0 = arith.constant 0 : i32
    %c0_i32_1 = arith.constant 0 : i32
    return %c0_i32, %c0_i32_0 : i32, i32
  }
  func.func @transform_6(%arg0: i32) -> (i32, i32) {
    %c0_i32 = arith.constant 0 : i32
    %c0_i32_0 = arith.constant 0 : i32
    %c0_i32_1 = arith.constant 0 : i32
    return %c0_i32, %c0_i32_0 : i32, i32
  }
  func.func @transform_7(%arg0: i32) -> (i32, i32) {
    %c0_i32 = arith.constant 0 : i32
    %c0_i32_0 = arith.constant 0 : i32
    %c0_i32_1 = arith.constant 0 : i32
    return %c0_i32, %c0_i32_0 : i32, i32
  }
  func.func @transform_8(%arg0: i32) -> (i32, i32) {
    %c0_i32 = arith.constant 0 : i32
    %c0_i32_0 = arith.constant 0 : i32
    %c0_i32_1 = arith.constant 0 : i32
    return %c0_i32, %c0_i32_0 : i32, i32
  }
  func.func @transform_9(%arg0: i32) -> (i32, i32) {
    %c0_i32 = arith.constant 0 : i32
    %c0_i32_0 = arith.constant 0 : i32
    %c0_i32_1 = arith.constant 0 : i32
    return %c0_i32, %c0_i32_0 : i32, i32
  }
  func.func @transform_10(%arg0: i32) -> (i32, i32) {
    %c0_i32 = arith.constant 0 : i32
    %c0_i32_0 = arith.constant 0 : i32
    %c0_i32_1 = arith.constant 0 : i32
    return %c0_i32, %c0_i32_0 : i32, i32
  }
  func.func @transform_11(%arg0: i32) -> (i32, i32) {
    %c0_i32 = arith.constant 0 : i32
    %c0_i32_0 = arith.constant 0 : i32
    return %arg0, %c0_i32 : i32, i32
  }
}

module attributes {stable_mosaic.version = 14 : i64} {
  func.func @_edge_msg_body(%arg0: i32, %arg1: memref<2000x4xf32, #tpu.memory_space<vmem>>, %arg2: memref<2000x128xf32, #tpu.memory_space<vmem>>, %arg3: memref<4x64xf32, #tpu.memory_space<vmem>>, %arg4: memref<1x64xf32, #tpu.memory_space<vmem>>, %arg5: memref<64x64xf32, #tpu.memory_space<vmem>>, %arg6: memref<1x64xf32, #tpu.memory_space<vmem>>, %arg7: memref<64x64xf32, #tpu.memory_space<vmem>>, %arg8: memref<64x64xf32, #tpu.memory_space<vmem>>, %arg9: memref<1x64xf32, #tpu.memory_space<vmem>>, %arg10: memref<1x64xf32, #tpu.memory_space<vmem>>, %arg11: memref<1x64xf32, #tpu.memory_space<vmem>>, %arg12: memref<2000x128xf32, #tpu.memory_space<vmem>>) attributes {dimension_semantics = [#tpu.dimension_semantics<arbitrary>], iteration_bounds = array<i64: 125>, scalar_prefetch = 0 : i64, scratch_operands = 0 : i64, tpu.core_type = #tpu.core_type<tc>, window_params = [{transform_indices = @transform_0, window_bounds = array<i64: 2000, 4>}, {transform_indices = @transform_1, window_bounds = array<i64: 2000, 128>}, {pipeline_mode = #tpu.pipeline_mode<synchronous>, transform_indices = @transform_2, window_bounds = array<i64: 4, 64>}, {pipeline_mode = #tpu.pipeline_mode<synchronous>, transform_indices = @transform_3, window_bounds = array<i64: 1, 64>}, {pipeline_mode = #tpu.pipeline_mode<synchronous>, transform_indices = @transform_4, window_bounds = array<i64: 64, 64>}, {pipeline_mode = #tpu.pipeline_mode<synchronous>, transform_indices = @transform_5, window_bounds = array<i64: 1, 64>}, {pipeline_mode = #tpu.pipeline_mode<synchronous>, transform_indices = @transform_6, window_bounds = array<i64: 64, 64>}, {pipeline_mode = #tpu.pipeline_mode<synchronous>, transform_indices = @transform_7, window_bounds = array<i64: 64, 64>}, {pipeline_mode = #tpu.pipeline_mode<synchronous>, transform_indices = @transform_8, window_bounds = array<i64: 1, 64>}, {pipeline_mode = #tpu.pipeline_mode<synchronous>, transform_indices = @transform_9, window_bounds = array<i64: 1, 64>}, {pipeline_mode = #tpu.pipeline_mode<synchronous>, transform_indices = @transform_10, window_bounds = array<i64: 1, 64>}, {transform_indices = @transform_11, window_bounds = array<i64: 2000, 128>}]} {
    %get3A = arith.constant 0 : index
    %get3A_0 = arith.constant 0 : index
    %get3A_1 = vector.load %arg1[%get3A, %get3A_0] : memref<2000x4xf32, #tpu.memory_space<vmem>>, vector<2000x4xf32>
    %get3A_2 = arith.constant 0 : index
    %get3A_3 = arith.constant 0 : index
    %get3A_4 = vector.load %arg3[%get3A_2, %get3A_3] : memref<4x64xf32, #tpu.memory_space<vmem>>, vector<4x64xf32>
    %dot_general3A = arith.constant dense<0.000000e+00> : vector<2000x64xf32>
    %dot_general3A_5 = tpu.matmul %get3A_1, %get3A_4, %dot_general3A {dimension_numbers = #tpu.dot_dimension_numbers<[1], [0], [0], [1], [0, 0, 1, 1], [], []>, transpose_lhs_hint = false} : vector<2000x4xf32>, vector<4x64xf32>, vector<2000x64xf32> -> vector<2000x64xf32>
    %get3A_6 = arith.constant 0 : index
    %get3A_7 = arith.constant 0 : index
    %get3A_8 = vector.load %arg4[%get3A_6, %get3A_7] : memref<1x64xf32, #tpu.memory_space<vmem>>, vector<1x64xf32>
    %add3A = vector.broadcast %get3A_8 : vector<1x64xf32> to vector<2000x64xf32>
    %add3A_9 = arith.addf %dot_general3A_5, %add3A : vector<2000x64xf32>
    %max3A = arith.constant 0.000000e+00 : f32
    %max3A_10 = vector.broadcast %max3A : f32 to vector<2000x64xf32>
    %max3A_11 = arith.maximumf %add3A_9, %max3A_10 : vector<2000x64xf32>
    %get3A_12 = arith.constant 0 : index
    %get3A_13 = arith.constant 0 : index
    %get3A_14 = vector.load %arg5[%get3A_12, %get3A_13] : memref<64x64xf32, #tpu.memory_space<vmem>>, vector<64x64xf32>
    %dot_general3A_15 = arith.constant dense<0.000000e+00> : vector<2000x64xf32>
    %dot_general3A_16 = tpu.matmul %max3A_11, %get3A_14, %dot_general3A_15 {dimension_numbers = #tpu.dot_dimension_numbers<[1], [0], [0], [1], [0, 0, 1, 1], [], []>, transpose_lhs_hint = false} : vector<2000x64xf32>, vector<64x64xf32>, vector<2000x64xf32> -> vector<2000x64xf32>
    %get3A_17 = arith.constant 0 : index
    %get3A_18 = arith.constant 0 : index
    %get3A_19 = vector.load %arg6[%get3A_17, %get3A_18] : memref<1x64xf32, #tpu.memory_space<vmem>>, vector<1x64xf32>
    %add3A_20 = vector.broadcast %get3A_19 : vector<1x64xf32> to vector<2000x64xf32>
    %add3A_21 = arith.addf %dot_general3A_16, %add3A_20 : vector<2000x64xf32>
    %reduce_sum3A = arith.constant dense<0.000000e+00> : vector<2000xf32>
    %reduce_sum3A_22 = vector.multi_reduction <add>, %add3A_21, %reduce_sum3A [1] : vector<2000x64xf32> to vector<2000xf32>
    %broadcast_in_dim3A = vector.shape_cast %reduce_sum3A_22 : vector<2000xf32> to vector<2000x1xf32>
    %div3A = arith.constant 6.400000e+01 : f32
    %div3A_23 = vector.broadcast %div3A : f32 to vector<2000x1xf32>
    %div3A_24 = arith.divf %broadcast_in_dim3A, %div3A_23 : vector<2000x1xf32>
    %sub3A = vector.broadcast %div3A_24 : vector<2000x1xf32> to vector<2000x64xf32>
    %sub3A_25 = arith.subf %add3A_21, %sub3A : vector<2000x64xf32>
    %integer_pow3A = arith.mulf %sub3A_25, %sub3A_25 : vector<2000x64xf32>
    %reduce_sum3A_26 = arith.constant dense<0.000000e+00> : vector<2000xf32>
    %reduce_sum3A_27 = vector.multi_reduction <add>, %integer_pow3A, %reduce_sum3A_26 [1] : vector<2000x64xf32> to vector<2000xf32>
    %broadcast_in_dim3A_28 = vector.shape_cast %reduce_sum3A_27 : vector<2000xf32> to vector<2000x1xf32>
    %div3A_29 = arith.constant 6.400000e+01 : f32
    %div3A_30 = vector.broadcast %div3A_29 : f32 to vector<2000x1xf32>
    %div3A_31 = arith.divf %broadcast_in_dim3A_28, %div3A_30 : vector<2000x1xf32>
    %sub3A_32 = vector.broadcast %div3A_24 : vector<2000x1xf32> to vector<2000x64xf32>
    %sub3A_33 = arith.subf %add3A_21, %sub3A_32 : vector<2000x64xf32>
    %add3A_34 = arith.constant 9.99999974E-6 : f32
    %add3A_35 = vector.broadcast %add3A_34 : f32 to vector<2000x1xf32>
    %add3A_36 = arith.addf %div3A_31, %add3A_35 : vector<2000x1xf32>
    %rsqrt3A = math.rsqrt %add3A_36 : vector<2000x1xf32>
    %mul3A = vector.broadcast %rsqrt3A : vector<2000x1xf32> to vector<2000x64xf32>
    %mul3A_37 = arith.mulf %sub3A_33, %mul3A : vector<2000x64xf32>
    %get3A_38 = arith.constant 0 : index
    %get3A_39 = arith.constant 0 : index
    %get3A_40 = vector.load %arg2[%get3A_38, %get3A_39] : memref<2000x128xf32, #tpu.memory_space<vmem>>, vector<2000x128xf32>
    %get3A_41 = arith.constant 0 : index
    %get3A_42 = arith.constant 0 : index
    %get3A_43 = vector.load %arg7[%get3A_41, %get3A_42] : memref<64x64xf32, #tpu.memory_space<vmem>>, vector<64x64xf32>
    %dot_general3A_44 = arith.constant dense<0.000000e+00> : vector<2000x64xf32>
    %dot_general3A_45 = tpu.matmul %mul3A_37, %get3A_43, %dot_general3A_44 {dimension_numbers = #tpu.dot_dimension_numbers<[1], [0], [0], [1], [0, 0, 1, 1], [], []>, transpose_lhs_hint = false} : vector<2000x64xf32>, vector<64x64xf32>, vector<2000x64xf32> -> vector<2000x64xf32>
    %slice3A = vector.extract_strided_slice %get3A_40 {offsets = [0, 0], sizes = [2000, 64], strides = [1, 1]} : vector<2000x128xf32> to vector<2000x64xf32>
    %add3A_46 = arith.addf %dot_general3A_45, %slice3A : vector<2000x64xf32>
    %slice3A_47 = vector.extract_strided_slice %get3A_40 {offsets = [0, 64], sizes = [2000, 64], strides = [1, 1]} : vector<2000x128xf32> to vector<2000x64xf32>
    %add3A_48 = arith.addf %add3A_46, %slice3A_47 : vector<2000x64xf32>
    %max3A_49 = arith.constant 0.000000e+00 : f32
    %max3A_50 = vector.broadcast %max3A_49 : f32 to vector<2000x64xf32>
    %max3A_51 = arith.maximumf %add3A_48, %max3A_50 : vector<2000x64xf32>
    %get3A_52 = arith.constant 0 : index
    %get3A_53 = arith.constant 0 : index
    %get3A_54 = vector.load %arg8[%get3A_52, %get3A_53] : memref<64x64xf32, #tpu.memory_space<vmem>>, vector<64x64xf32>
    %dot_general3A_55 = arith.constant dense<0.000000e+00> : vector<2000x64xf32>
    %dot_general3A_56 = tpu.matmul %max3A_51, %get3A_54, %dot_general3A_55 {dimension_numbers = #tpu.dot_dimension_numbers<[1], [0], [0], [1], [0, 0, 1, 1], [], []>, transpose_lhs_hint = false} : vector<2000x64xf32>, vector<64x64xf32>, vector<2000x64xf32> -> vector<2000x64xf32>
    %get3A_57 = arith.constant 0 : index
    %get3A_58 = arith.constant 0 : index
    %get3A_59 = vector.load %arg9[%get3A_57, %get3A_58] : memref<1x64xf32, #tpu.memory_space<vmem>>, vector<1x64xf32>
    %add3A_60 = vector.broadcast %get3A_59 : vector<1x64xf32> to vector<2000x64xf32>
    %add3A_61 = arith.addf %dot_general3A_56, %add3A_60 : vector<2000x64xf32>
    %reduce_sum3A_62 = arith.constant dense<0.000000e+00> : vector<2000xf32>
    %reduce_sum3A_63 = vector.multi_reduction <add>, %add3A_61, %reduce_sum3A_62 [1] : vector<2000x64xf32> to vector<2000xf32>
    %broadcast_in_dim3A_64 = vector.shape_cast %reduce_sum3A_63 : vector<2000xf32> to vector<2000x1xf32>
    %div3A_65 = arith.constant 6.400000e+01 : f32
    %div3A_66 = vector.broadcast %div3A_65 : f32 to vector<2000x1xf32>
    %div3A_67 = arith.divf %broadcast_in_dim3A_64, %div3A_66 : vector<2000x1xf32>
    %sub3A_68 = vector.broadcast %div3A_67 : vector<2000x1xf32> to vector<2000x64xf32>
    %sub3A_69 = arith.subf %add3A_61, %sub3A_68 : vector<2000x64xf32>
    %integer_pow3A_70 = arith.mulf %sub3A_69, %sub3A_69 : vector<2000x64xf32>
    %reduce_sum3A_71 = arith.constant dense<0.000000e+00> : vector<2000xf32>
    %reduce_sum3A_72 = vector.multi_reduction <add>, %integer_pow3A_70, %reduce_sum3A_71 [1] : vector<2000x64xf32> to vector<2000xf32>
    %broadcast_in_dim3A_73 = vector.shape_cast %reduce_sum3A_72 : vector<2000xf32> to vector<2000x1xf32>
    %div3A_74 = arith.constant 6.400000e+01 : f32
    %div3A_75 = vector.broadcast %div3A_74 : f32 to vector<2000x1xf32>
    %div3A_76 = arith.divf %broadcast_in_dim3A_73, %div3A_75 : vector<2000x1xf32>
    %sub3A_77 = vector.broadcast %div3A_67 : vector<2000x1xf32> to vector<2000x64xf32>
    %sub3A_78 = arith.subf %add3A_61, %sub3A_77 : vector<2000x64xf32>
    %add3A_79 = arith.constant 9.99999974E-6 : f32
    %add3A_80 = vector.broadcast %add3A_79 : f32 to vector<2000x1xf32>
    %add3A_81 = arith.addf %div3A_76, %add3A_80 : vector<2000x1xf32>
    %rsqrt3A_82 = math.rsqrt %add3A_81 : vector<2000x1xf32>
    %mul3A_83 = vector.broadcast %rsqrt3A_82 : vector<2000x1xf32> to vector<2000x64xf32>
    %mul3A_84 = arith.mulf %sub3A_78, %mul3A_83 : vector<2000x64xf32>
    %get3A_85 = arith.constant 0 : index
    %get3A_86 = arith.constant 0 : index
    %get3A_87 = vector.load %arg10[%get3A_85, %get3A_86] : memref<1x64xf32, #tpu.memory_space<vmem>>, vector<1x64xf32>
    %mul3A_88 = vector.broadcast %get3A_87 : vector<1x64xf32> to vector<2000x64xf32>
    %mul3A_89 = arith.mulf %mul3A_84, %mul3A_88 : vector<2000x64xf32>
    %get3A_90 = arith.constant 0 : index
    %get3A_91 = arith.constant 0 : index
    %get3A_92 = vector.load %arg11[%get3A_90, %get3A_91] : memref<1x64xf32, #tpu.memory_space<vmem>>, vector<1x64xf32>
    %add3A_93 = vector.broadcast %get3A_92 : vector<1x64xf32> to vector<2000x64xf32>
    %add3A_94 = arith.addf %mul3A_89, %add3A_93 : vector<2000x64xf32>
    %broadcast_in_dim3A_95 = arith.constant 0.000000e+00 : f32
    %broadcast_in_dim3A_96 = vector.broadcast %broadcast_in_dim3A_95 : f32 to vector<2000x64xf32>
    %concatenate3A = tpu.concatenate %add3A_94, %broadcast_in_dim3A_96 in 1 : vector<2000x64xf32>, vector<2000x64xf32> -> vector<2000x128xf32>
    %swap3A = arith.constant 0 : index
    %swap3A_97 = arith.constant 0 : index
    %swap3A_98 = vector.load %arg12[%swap3A, %swap3A_97] : memref<2000x128xf32, #tpu.memory_space<vmem>>, vector<2000x128xf32>
    tpu.vector_store %arg12[%swap3A, %swap3A_97], %concatenate3A {strides = array<i32>} : memref<2000x128xf32, #tpu.memory_space<vmem>>, vector<2000x128xf32>,
    return
  }
  func.func @transform_0(%arg0: i32) -> (i32, i32) {
    %add3A = arith.constant 0 : i32
    %add3A_0 = arith.addi %arg0, %add3A : i32
    %c0_i32 = arith.constant 0 : i32
    %c0_i32_1 = arith.constant 0 : i32
    return %add3A_0, %c0_i32 : i32, i32
  }
  func.func @transform_1(%arg0: i32) -> (i32, i32) {
    %c0_i32 = arith.constant 0 : i32
    %c0_i32_0 = arith.constant 0 : i32
    return %arg0, %c0_i32 : i32, i32
  }
  func.func @transform_2(%arg0: i32) -> (i32, i32) {
    %c0_i32 = arith.constant 0 : i32
    %c0_i32_0 = arith.constant 0 : i32
    %c0_i32_1 = arith.constant 0 : i32
    return %c0_i32, %c0_i32_0 : i32, i32
  }
  func.func @transform_3(%arg0: i32) -> (i32, i32) {
    %c0_i32 = arith.constant 0 : i32
    %c0_i32_0 = arith.constant 0 : i32
    %c0_i32_1 = arith.constant 0 : i32
    return %c0_i32, %c0_i32_0 : i32, i32
  }
  func.func @transform_4(%arg0: i32) -> (i32, i32) {
    %c0_i32 = arith.constant 0 : i32
    %c0_i32_0 = arith.constant 0 : i32
    %c0_i32_1 = arith.constant 0 : i32
    return %c0_i32, %c0_i32_0 : i32, i32
  }
  func.func @transform_5(%arg0: i32) -> (i32, i32) {
    %c0_i32 = arith.constant 0 : i32
    %c0_i32_0 = arith.constant 0 : i32
    %c0_i32_1 = arith.constant 0 : i32
    return %c0_i32, %c0_i32_0 : i32, i32
  }
  func.func @transform_6(%arg0: i32) -> (i32, i32) {
    %c0_i32 = arith.constant 0 : i32
    %c0_i32_0 = arith.constant 0 : i32
    %c0_i32_1 = arith.constant 0 : i32
    return %c0_i32, %c0_i32_0 : i32, i32
  }
  func.func @transform_7(%arg0: i32) -> (i32, i32) {
    %c0_i32 = arith.constant 0 : i32
    %c0_i32_0 = arith.constant 0 : i32
    %c0_i32_1 = arith.constant 0 : i32
    return %c0_i32, %c0_i32_0 : i32, i32
  }
  func.func @transform_8(%arg0: i32) -> (i32, i32) {
    %c0_i32 = arith.constant 0 : i32
    %c0_i32_0 = arith.constant 0 : i32
    %c0_i32_1 = arith.constant 0 : i32
    return %c0_i32, %c0_i32_0 : i32, i32
  }
  func.func @transform_9(%arg0: i32) -> (i32, i32) {
    %c0_i32 = arith.constant 0 : i32
    %c0_i32_0 = arith.constant 0 : i32
    %c0_i32_1 = arith.constant 0 : i32
    return %c0_i32, %c0_i32_0 : i32, i32
  }
  func.func @transform_10(%arg0: i32) -> (i32, i32) {
    %c0_i32 = arith.constant 0 : i32
    %c0_i32_0 = arith.constant 0 : i32
    %c0_i32_1 = arith.constant 0 : i32
    return %c0_i32, %c0_i32_0 : i32, i32
  }
  func.func @transform_11(%arg0: i32) -> (i32, i32) {
    %c0_i32 = arith.constant 0 : i32
    %c0_i32_0 = arith.constant 0 : i32
    return %arg0, %c0_i32 : i32, i32
  }
}

module attributes {stable_mosaic.version = 14 : i64} {
  func.func @_grid_body(%arg0: i32, %arg1: memref<2000x128xf32, #tpu.memory_space<vmem>>, %arg2: memref<128x64xf32, #tpu.memory_space<vmem>>, %arg3: memref<1x64xf32, #tpu.memory_space<vmem>>, %arg4: memref<64x64xf32, #tpu.memory_space<vmem>>, %arg5: memref<1x64xf32, #tpu.memory_space<vmem>>, %arg6: memref<1x64xf32, #tpu.memory_space<vmem>>, %arg7: memref<1x64xf32, #tpu.memory_space<vmem>>, %arg8: memref<64x64xf32, #tpu.memory_space<vmem>>, %arg9: memref<1x64xf32, #tpu.memory_space<vmem>>, %arg10: memref<64x64xf32, #tpu.memory_space<vmem>>, %arg11: memref<1x64xf32, #tpu.memory_space<vmem>>, %arg12: memref<1x64xf32, #tpu.memory_space<vmem>>, %arg13: memref<1x64xf32, #tpu.memory_space<vmem>>, %arg14: memref<2000x64xf32, #tpu.memory_space<vmem>>) attributes {dimension_semantics = [#tpu.dimension_semantics<arbitrary>], iteration_bounds = array<i64: 50>, scalar_prefetch = 0 : i64, scratch_operands = 0 : i64, tpu.core_type = #tpu.core_type<tc>, window_params = [{transform_indices = @transform_0, window_bounds = array<i64: 2000, 128>}, {pipeline_mode = #tpu.pipeline_mode<synchronous>, transform_indices = @transform_1, window_bounds = array<i64: 128, 64>}, {pipeline_mode = #tpu.pipeline_mode<synchronous>, transform_indices = @transform_2, window_bounds = array<i64: 1, 64>}, {pipeline_mode = #tpu.pipeline_mode<synchronous>, transform_indices = @transform_3, window_bounds = array<i64: 64, 64>}, {pipeline_mode = #tpu.pipeline_mode<synchronous>, transform_indices = @transform_4, window_bounds = array<i64: 1, 64>}, {pipeline_mode = #tpu.pipeline_mode<synchronous>, transform_indices = @transform_5, window_bounds = array<i64: 1, 64>}, {pipeline_mode = #tpu.pipeline_mode<synchronous>, transform_indices = @transform_6, window_bounds = array<i64: 1, 64>}, {pipeline_mode = #tpu.pipeline_mode<synchronous>, transform_indices = @transform_7, window_bounds = array<i64: 64, 64>}, {pipeline_mode = #tpu.pipeline_mode<synchronous>, transform_indices = @transform_8, window_bounds = array<i64: 1, 64>}, {pipeline_mode = #tpu.pipeline_mode<synchronous>, transform_indices = @transform_9, window_bounds = array<i64: 64, 64>}, {pipeline_mode = #tpu.pipeline_mode<synchronous>, transform_indices = @transform_10, window_bounds = array<i64: 1, 64>}, {pipeline_mode = #tpu.pipeline_mode<synchronous>, transform_indices = @transform_11, window_bounds = array<i64: 1, 64>}, {pipeline_mode = #tpu.pipeline_mode<synchronous>, transform_indices = @transform_12, window_bounds = array<i64: 1, 64>}, {transform_indices = @transform_13, window_bounds = array<i64: 2000, 64>}]} {
    %get3A = arith.constant 0 : index
    %get3A_0 = arith.constant 0 : index
    %get3A_1 = vector.load %arg1[%get3A, %get3A_0] : memref<2000x128xf32, #tpu.memory_space<vmem>>, vector<2000x128xf32>
    %get3A_2 = arith.constant 0 : index
    %get3A_3 = arith.constant 0 : index
    %get3A_4 = vector.load %arg2[%get3A_2, %get3A_3] : memref<128x64xf32, #tpu.memory_space<vmem>>, vector<128x64xf32>
    %dot_general3A = arith.constant dense<0.000000e+00> : vector<2000x64xf32>
    %dot_general3A_5 = tpu.matmul %get3A_1, %get3A_4, %dot_general3A {dimension_numbers = #tpu.dot_dimension_numbers<[1], [0], [0], [1], [0, 0, 1, 1], [], []>, transpose_lhs_hint = false} : vector<2000x128xf32>, vector<128x64xf32>, vector<2000x64xf32> -> vector<2000x64xf32>
    %get3A_6 = arith.constant 0 : index
    %get3A_7 = arith.constant 0 : index
    %get3A_8 = vector.load %arg3[%get3A_6, %get3A_7] : memref<1x64xf32, #tpu.memory_space<vmem>>, vector<1x64xf32>
    %add3A = vector.broadcast %get3A_8 : vector<1x64xf32> to vector<2000x64xf32>
    %add3A_9 = arith.addf %dot_general3A_5, %add3A : vector<2000x64xf32>
    %max3A = arith.constant 0.000000e+00 : f32
    %max3A_10 = vector.broadcast %max3A : f32 to vector<2000x64xf32>
    %max3A_11 = arith.maximumf %add3A_9, %max3A_10 : vector<2000x64xf32>
    %get3A_12 = arith.constant 0 : index
    %get3A_13 = arith.constant 0 : index
    %get3A_14 = vector.load %arg4[%get3A_12, %get3A_13] : memref<64x64xf32, #tpu.memory_space<vmem>>, vector<64x64xf32>
    %dot_general3A_15 = arith.constant dense<0.000000e+00> : vector<2000x64xf32>
    %dot_general3A_16 = tpu.matmul %max3A_11, %get3A_14, %dot_general3A_15 {dimension_numbers = #tpu.dot_dimension_numbers<[1], [0], [0], [1], [0, 0, 1, 1], [], []>, transpose_lhs_hint = false} : vector<2000x64xf32>, vector<64x64xf32>, vector<2000x64xf32> -> vector<2000x64xf32>
    %get3A_17 = arith.constant 0 : index
    %get3A_18 = arith.constant 0 : index
    %get3A_19 = vector.load %arg5[%get3A_17, %get3A_18] : memref<1x64xf32, #tpu.memory_space<vmem>>, vector<1x64xf32>
    %add3A_20 = vector.broadcast %get3A_19 : vector<1x64xf32> to vector<2000x64xf32>
    %add3A_21 = arith.addf %dot_general3A_16, %add3A_20 : vector<2000x64xf32>
    %reduce_sum3A = arith.constant dense<0.000000e+00> : vector<2000xf32>
    %reduce_sum3A_22 = vector.multi_reduction <add>, %add3A_21, %reduce_sum3A [1] : vector<2000x64xf32> to vector<2000xf32>
    %broadcast_in_dim3A = vector.shape_cast %reduce_sum3A_22 : vector<2000xf32> to vector<2000x1xf32>
    %div3A = arith.constant 6.400000e+01 : f32
    %div3A_23 = vector.broadcast %div3A : f32 to vector<2000x1xf32>
    %div3A_24 = arith.divf %broadcast_in_dim3A, %div3A_23 : vector<2000x1xf32>
    %sub3A = vector.broadcast %div3A_24 : vector<2000x1xf32> to vector<2000x64xf32>
    %sub3A_25 = arith.subf %add3A_21, %sub3A : vector<2000x64xf32>
    %integer_pow3A = arith.mulf %sub3A_25, %sub3A_25 : vector<2000x64xf32>
    %reduce_sum3A_26 = arith.constant dense<0.000000e+00> : vector<2000xf32>
    %reduce_sum3A_27 = vector.multi_reduction <add>, %integer_pow3A, %reduce_sum3A_26 [1] : vector<2000x64xf32> to vector<2000xf32>
    %broadcast_in_dim3A_28 = vector.shape_cast %reduce_sum3A_27 : vector<2000xf32> to vector<2000x1xf32>
    %div3A_29 = arith.constant 6.400000e+01 : f32
    %div3A_30 = vector.broadcast %div3A_29 : f32 to vector<2000x1xf32>
    %div3A_31 = arith.divf %broadcast_in_dim3A_28, %div3A_30 : vector<2000x1xf32>
    %sub3A_32 = vector.broadcast %div3A_24 : vector<2000x1xf32> to vector<2000x64xf32>
    %sub3A_33 = arith.subf %add3A_21, %sub3A_32 : vector<2000x64xf32>
    %add3A_34 = arith.constant 9.99999974E-6 : f32
    %add3A_35 = vector.broadcast %add3A_34 : f32 to vector<2000x1xf32>
    %add3A_36 = arith.addf %div3A_31, %add3A_35 : vector<2000x1xf32>
    %rsqrt3A = math.rsqrt %add3A_36 : vector<2000x1xf32>
    %mul3A = vector.broadcast %rsqrt3A : vector<2000x1xf32> to vector<2000x64xf32>
    %mul3A_37 = arith.mulf %sub3A_33, %mul3A : vector<2000x64xf32>
    %get3A_38 = arith.constant 0 : index
    %get3A_39 = arith.constant 0 : index
    %get3A_40 = vector.load %arg6[%get3A_38, %get3A_39] : memref<1x64xf32, #tpu.memory_space<vmem>>, vector<1x64xf32>
    %mul3A_41 = vector.broadcast %get3A_40 : vector<1x64xf32> to vector<2000x64xf32>
    %mul3A_42 = arith.mulf %mul3A_37, %mul3A_41 : vector<2000x64xf32>
    %get3A_43 = arith.constant 0 : index
    %get3A_44 = arith.constant 0 : index
    %get3A_45 = vector.load %arg7[%get3A_43, %get3A_44] : memref<1x64xf32, #tpu.memory_space<vmem>>, vector<1x64xf32>
    %add3A_46 = vector.broadcast %get3A_45 : vector<1x64xf32> to vector<2000x64xf32>
    %add3A_47 = arith.addf %mul3A_42, %add3A_46 : vector<2000x64xf32>
    %get3A_48 = arith.constant 0 : index
    %get3A_49 = arith.constant 0 : index
    %get3A_50 = vector.load %arg8[%get3A_48, %get3A_49] : memref<64x64xf32, #tpu.memory_space<vmem>>, vector<64x64xf32>
    %dot_general3A_51 = arith.constant dense<0.000000e+00> : vector<2000x64xf32>
    %dot_general3A_52 = tpu.matmul %add3A_47, %get3A_50, %dot_general3A_51 {dimension_numbers = #tpu.dot_dimension_numbers<[1], [0], [0], [1], [0, 0, 1, 1], [], []>, transpose_lhs_hint = false} : vector<2000x64xf32>, vector<64x64xf32>, vector<2000x64xf32> -> vector<2000x64xf32>
    %get3A_53 = arith.constant 0 : index
    %get3A_54 = arith.constant 0 : index
    %get3A_55 = vector.load %arg9[%get3A_53, %get3A_54] : memref<1x64xf32, #tpu.memory_space<vmem>>, vector<1x64xf32>
    %add3A_56 = vector.broadcast %get3A_55 : vector<1x64xf32> to vector<2000x64xf32>
    %add3A_57 = arith.addf %dot_general3A_52, %add3A_56 : vector<2000x64xf32>
    %max3A_58 = arith.constant 0.000000e+00 : f32
    %max3A_59 = vector.broadcast %max3A_58 : f32 to vector<2000x64xf32>
    %max3A_60 = arith.maximumf %add3A_57, %max3A_59 : vector<2000x64xf32>
    %get3A_61 = arith.constant 0 : index
    %get3A_62 = arith.constant 0 : index
    %get3A_63 = vector.load %arg10[%get3A_61, %get3A_62] : memref<64x64xf32, #tpu.memory_space<vmem>>, vector<64x64xf32>
    %dot_general3A_64 = arith.constant dense<0.000000e+00> : vector<2000x64xf32>
    %dot_general3A_65 = tpu.matmul %max3A_60, %get3A_63, %dot_general3A_64 {dimension_numbers = #tpu.dot_dimension_numbers<[1], [0], [0], [1], [0, 0, 1, 1], [], []>, transpose_lhs_hint = false} : vector<2000x64xf32>, vector<64x64xf32>, vector<2000x64xf32> -> vector<2000x64xf32>
    %get3A_66 = arith.constant 0 : index
    %get3A_67 = arith.constant 0 : index
    %get3A_68 = vector.load %arg11[%get3A_66, %get3A_67] : memref<1x64xf32, #tpu.memory_space<vmem>>, vector<1x64xf32>
    %add3A_69 = vector.broadcast %get3A_68 : vector<1x64xf32> to vector<2000x64xf32>
    %add3A_70 = arith.addf %dot_general3A_65, %add3A_69 : vector<2000x64xf32>
    %reduce_sum3A_71 = arith.constant dense<0.000000e+00> : vector<2000xf32>
    %reduce_sum3A_72 = vector.multi_reduction <add>, %add3A_70, %reduce_sum3A_71 [1] : vector<2000x64xf32> to vector<2000xf32>
    %broadcast_in_dim3A_73 = vector.shape_cast %reduce_sum3A_72 : vector<2000xf32> to vector<2000x1xf32>
    %div3A_74 = arith.constant 6.400000e+01 : f32
    %div3A_75 = vector.broadcast %div3A_74 : f32 to vector<2000x1xf32>
    %div3A_76 = arith.divf %broadcast_in_dim3A_73, %div3A_75 : vector<2000x1xf32>
    %sub3A_77 = vector.broadcast %div3A_76 : vector<2000x1xf32> to vector<2000x64xf32>
    %sub3A_78 = arith.subf %add3A_70, %sub3A_77 : vector<2000x64xf32>
    %integer_pow3A_79 = arith.mulf %sub3A_78, %sub3A_78 : vector<2000x64xf32>
    %reduce_sum3A_80 = arith.constant dense<0.000000e+00> : vector<2000xf32>
    %reduce_sum3A_81 = vector.multi_reduction <add>, %integer_pow3A_79, %reduce_sum3A_80 [1] : vector<2000x64xf32> to vector<2000xf32>
    %broadcast_in_dim3A_82 = vector.shape_cast %reduce_sum3A_81 : vector<2000xf32> to vector<2000x1xf32>
    %div3A_83 = arith.constant 6.400000e+01 : f32
    %div3A_84 = vector.broadcast %div3A_83 : f32 to vector<2000x1xf32>
    %div3A_85 = arith.divf %broadcast_in_dim3A_82, %div3A_84 : vector<2000x1xf32>
    %sub3A_86 = vector.broadcast %div3A_76 : vector<2000x1xf32> to vector<2000x64xf32>
    %sub3A_87 = arith.subf %add3A_70, %sub3A_86 : vector<2000x64xf32>
    %add3A_88 = arith.constant 9.99999974E-6 : f32
    %add3A_89 = vector.broadcast %add3A_88 : f32 to vector<2000x1xf32>
    %add3A_90 = arith.addf %div3A_85, %add3A_89 : vector<2000x1xf32>
    %rsqrt3A_91 = math.rsqrt %add3A_90 : vector<2000x1xf32>
    %mul3A_92 = vector.broadcast %rsqrt3A_91 : vector<2000x1xf32> to vector<2000x64xf32>
    %mul3A_93 = arith.mulf %sub3A_87, %mul3A_92 : vector<2000x64xf32>
    %get3A_94 = arith.constant 0 : index
    %get3A_95 = arith.constant 0 : index
    %get3A_96 = vector.load %arg12[%get3A_94, %get3A_95] : memref<1x64xf32, #tpu.memory_space<vmem>>, vector<1x64xf32>
    %mul3A_97 = vector.broadcast %get3A_96 : vector<1x64xf32> to vector<2000x64xf32>
    %mul3A_98 = arith.mulf %mul3A_93, %mul3A_97 : vector<2000x64xf32>
    %add3A_99 = arith.addf %add3A_47, %mul3A_98 : vector<2000x64xf32>
    %get3A_100 = arith.constant 0 : index
    %get3A_101 = arith.constant 0 : index
    %get3A_102 = vector.load %arg13[%get3A_100, %get3A_101] : memref<1x64xf32, #tpu.memory_space<vmem>>, vector<1x64xf32>
    %add3A_103 = vector.broadcast %get3A_102 : vector<1x64xf32> to vector<2000x64xf32>
    %add3A_104 = arith.addf %add3A_99, %add3A_103 : vector<2000x64xf32>
    %swap3A = arith.constant 0 : index
    %swap3A_105 = arith.constant 0 : index
    %swap3A_106 = vector.load %arg14[%swap3A, %swap3A_105] : memref<2000x64xf32, #tpu.memory_space<vmem>>, vector<2000x64xf32>
    tpu.vector_store %arg14[%swap3A, %swap3A_105], %add3A_104 {strides = array<i32>} : memref<2000x64xf32, #tpu.memory_space<vmem>>, vector<2000x64xf32>,
    return
  }
  func.func @transform_0(%arg0: i32) -> (i32, i32) {
    %c0_i32 = arith.constant 0 : i32
    %c0_i32_0 = arith.constant 0 : i32
    return %arg0, %c0_i32 : i32, i32
  }
  func.func @transform_1(%arg0: i32) -> (i32, i32) {
    %c0_i32 = arith.constant 0 : i32
    %c0_i32_0 = arith.constant 0 : i32
    %c0_i32_1 = arith.constant 0 : i32
    return %c0_i32, %c0_i32_0 : i32, i32
  }
  func.func @transform_2(%arg0: i32) -> (i32, i32) {
    %c0_i32 = arith.constant 0 : i32
    %c0_i32_0 = arith.constant 0 : i32
    %c0_i32_1 = arith.constant 0 : i32
    return %c0_i32, %c0_i32_0 : i32, i32
  }
  func.func @transform_3(%arg0: i32) -> (i32, i32) {
    %c0_i32 = arith.constant 0 : i32
    %c0_i32_0 = arith.constant 0 : i32
    %c0_i32_1 = arith.constant 0 : i32
    return %c0_i32, %c0_i32_0 : i32, i32
  }
  func.func @transform_4(%arg0: i32) -> (i32, i32) {
    %c0_i32 = arith.constant 0 : i32
    %c0_i32_0 = arith.constant 0 : i32
    %c0_i32_1 = arith.constant 0 : i32
    return %c0_i32, %c0_i32_0 : i32, i32
  }
  func.func @transform_5(%arg0: i32) -> (i32, i32) {
    %c0_i32 = arith.constant 0 : i32
    %c0_i32_0 = arith.constant 0 : i32
    %c0_i32_1 = arith.constant 0 : i32
    return %c0_i32, %c0_i32_0 : i32, i32
  }
  func.func @transform_6(%arg0: i32) -> (i32, i32) {
    %c0_i32 = arith.constant 0 : i32
    %c0_i32_0 = arith.constant 0 : i32
    %c0_i32_1 = arith.constant 0 : i32
    return %c0_i32, %c0_i32_0 : i32, i32
  }
  func.func @transform_7(%arg0: i32) -> (i32, i32) {
    %c0_i32 = arith.constant 0 : i32
    %c0_i32_0 = arith.constant 0 : i32
    %c0_i32_1 = arith.constant 0 : i32
    return %c0_i32, %c0_i32_0 : i32, i32
  }
  func.func @transform_8(%arg0: i32) -> (i32, i32) {
    %c0_i32 = arith.constant 0 : i32
    %c0_i32_0 = arith.constant 0 : i32
    %c0_i32_1 = arith.constant 0 : i32
    return %c0_i32, %c0_i32_0 : i32, i32
  }
  func.func @transform_9(%arg0: i32) -> (i32, i32) {
    %c0_i32 = arith.constant 0 : i32
    %c0_i32_0 = arith.constant 0 : i32
    %c0_i32_1 = arith.constant 0 : i32
    return %c0_i32, %c0_i32_0 : i32, i32
  }
  func.func @transform_10(%arg0: i32) -> (i32, i32) {
    %c0_i32 = arith.constant 0 : i32
    %c0_i32_0 = arith.constant 0 : i32
    %c0_i32_1 = arith.constant 0 : i32
    return %c0_i32, %c0_i32_0 : i32, i32
  }
  func.func @transform_11(%arg0: i32) -> (i32, i32) {
    %c0_i32 = arith.constant 0 : i32
    %c0_i32_0 = arith.constant 0 : i32
    %c0_i32_1 = arith.constant 0 : i32
    return %c0_i32, %c0_i32_0 : i32, i32
  }
  func.func @transform_12(%arg0: i32) -> (i32, i32) {
    %c0_i32 = arith.constant 0 : i32
    %c0_i32_0 = arith.constant 0 : i32
    %c0_i32_1 = arith.constant 0 : i32
    return %c0_i32, %c0_i32_0 : i32, i32
  }
  func.func @transform_13(%arg0: i32) -> (i32, i32) {
    %c0_i32 = arith.constant 0 : i32
    %c0_i32_0 = arith.constant 0 : i32
    return %arg0, %c0_i32 : i32, i32
  }
}

module attributes {stable_mosaic.version = 14 : i64} {
  func.func @_mesh_out_body(%arg0: i32, %arg1: memref<2000x64xf32, #tpu.memory_space<vmem>>, %arg2: memref<2000x64xf32, #tpu.memory_space<vmem>>, %arg3: memref<2000x64xf32, #tpu.memory_space<vmem>>, %arg4: memref<2000x64xf32, #tpu.memory_space<vmem>>, %arg5: memref<2000x64xf32, #tpu.memory_space<vmem>>, %arg6: memref<64x64xf32, #tpu.memory_space<vmem>>, %arg7: memref<64x64xf32, #tpu.memory_space<vmem>>, %arg8: memref<1x64xf32, #tpu.memory_space<vmem>>, %arg9: memref<64x64xf32, #tpu.memory_space<vmem>>, %arg10: memref<1x64xf32, #tpu.memory_space<vmem>>, %arg11: memref<1x64xf32, #tpu.memory_space<vmem>>, %arg12: memref<1x64xf32, #tpu.memory_space<vmem>>, %arg13: memref<2000x64xf32, #tpu.memory_space<vmem>>) attributes {dimension_semantics = [#tpu.dimension_semantics<arbitrary>], iteration_bounds = array<i64: 5>, scalar_prefetch = 0 : i64, scratch_operands = 0 : i64, tpu.core_type = #tpu.core_type<tc>, window_params = [{transform_indices = @transform_0, window_bounds = array<i64: 2000, 64>}, {transform_indices = @transform_1, window_bounds = array<i64: 2000, 64>}, {transform_indices = @transform_2, window_bounds = array<i64: 2000, 64>}, {transform_indices = @transform_3, window_bounds = array<i64: 2000, 64>}, {transform_indices = @transform_4, window_bounds = array<i64: 2000, 64>}, {pipeline_mode = #tpu.pipeline_mode<synchronous>, transform_indices = @transform_5, window_bounds = array<i64: 64, 64>}, {pipeline_mode = #tpu.pipeline_mode<synchronous>, transform_indices = @transform_6, window_bounds = array<i64: 64, 64>}, {pipeline_mode = #tpu.pipeline_mode<synchronous>, transform_indices = @transform_7, window_bounds = array<i64: 1, 64>}, {pipeline_mode = #tpu.pipeline_mode<synchronous>, transform_indices = @transform_8, window_bounds = array<i64: 64, 64>}, {pipeline_mode = #tpu.pipeline_mode<synchronous>, transform_indices = @transform_9, window_bounds = array<i64: 1, 64>}, {pipeline_mode = #tpu.pipeline_mode<synchronous>, transform_indices = @transform_10, window_bounds = array<i64: 1, 64>}, {pipeline_mode = #tpu.pipeline_mode<synchronous>, transform_indices = @transform_11, window_bounds = array<i64: 1, 64>}, {transform_indices = @transform_12, window_bounds = array<i64: 2000, 64>}]} {
    %get3A = arith.constant 0 : index
    %get3A_0 = arith.constant 0 : index
    %get3A_1 = vector.load %arg1[%get3A, %get3A_0] : memref<2000x64xf32, #tpu.memory_space<vmem>>, vector<2000x64xf32>
    %get3A_2 = arith.constant 0 : index
    %get3A_3 = arith.constant 0 : index
    %get3A_4 = vector.load %arg2[%get3A_2, %get3A_3] : memref<2000x64xf32, #tpu.memory_space<vmem>>, vector<2000x64xf32>
    %get3A_5 = arith.constant 0 : index
    %get3A_6 = arith.constant 0 : index
    %get3A_7 = vector.load %arg3[%get3A_5, %get3A_6] : memref<2000x64xf32, #tpu.memory_space<vmem>>, vector<2000x64xf32>
    %add3A = arith.addf %get3A_4, %get3A_7 : vector<2000x64xf32>
    %get3A_8 = arith.constant 0 : index
    %get3A_9 = arith.constant 0 : index
    %get3A_10 = vector.load %arg4[%get3A_8, %get3A_9] : memref<2000x64xf32, #tpu.memory_space<vmem>>, vector<2000x64xf32>
    %get3A_11 = arith.constant 0 : index
    %get3A_12 = arith.constant 0 : index
    %get3A_13 = vector.load %arg5[%get3A_11, %get3A_12] : memref<2000x64xf32, #tpu.memory_space<vmem>>, vector<2000x64xf32>
    %add3A_14 = arith.addf %get3A_10, %get3A_13 : vector<2000x64xf32>
    %add3A_15 = arith.addf %add3A, %add3A_14 : vector<2000x64xf32>
    %get3A_16 = arith.constant 0 : index
    %get3A_17 = arith.constant 0 : index
    %get3A_18 = vector.load %arg6[%get3A_16, %get3A_17] : memref<64x64xf32, #tpu.memory_space<vmem>>, vector<64x64xf32>
    %dot_general3A = arith.constant dense<0.000000e+00> : vector<2000x64xf32>
    %dot_general3A_19 = tpu.matmul %get3A_1, %get3A_18, %dot_general3A {dimension_numbers = #tpu.dot_dimension_numbers<[1], [0], [0], [1], [0, 0, 1, 1], [], []>, transpose_lhs_hint = false} : vector<2000x64xf32>, vector<64x64xf32>, vector<2000x64xf32> -> vector<2000x64xf32>
    %get3A_20 = arith.constant 0 : index
    %get3A_21 = arith.constant 0 : index
    %get3A_22 = vector.load %arg7[%get3A_20, %get3A_21] : memref<64x64xf32, #tpu.memory_space<vmem>>, vector<64x64xf32>
    %dot_general3A_23 = arith.constant dense<0.000000e+00> : vector<2000x64xf32>
    %dot_general3A_24 = tpu.matmul %add3A_15, %get3A_22, %dot_general3A_23 {dimension_numbers = #tpu.dot_dimension_numbers<[1], [0], [0], [1], [0, 0, 1, 1], [], []>, transpose_lhs_hint = false} : vector<2000x64xf32>, vector<64x64xf32>, vector<2000x64xf32> -> vector<2000x64xf32>
    %add3A_25 = arith.addf %dot_general3A_19, %dot_general3A_24 : vector<2000x64xf32>
    %get3A_26 = arith.constant 0 : index
    %get3A_27 = arith.constant 0 : index
    %get3A_28 = vector.load %arg8[%get3A_26, %get3A_27] : memref<1x64xf32, #tpu.memory_space<vmem>>, vector<1x64xf32>
    %add3A_29 = vector.broadcast %get3A_28 : vector<1x64xf32> to vector<2000x64xf32>
    %add3A_30 = arith.addf %add3A_25, %add3A_29 : vector<2000x64xf32>
    %max3A = arith.constant 0.000000e+00 : f32
    %max3A_31 = vector.broadcast %max3A : f32 to vector<2000x64xf32>
    %max3A_32 = arith.maximumf %add3A_30, %max3A_31 : vector<2000x64xf32>
    %get3A_33 = arith.constant 0 : index
    %get3A_34 = arith.constant 0 : index
    %get3A_35 = vector.load %arg9[%get3A_33, %get3A_34] : memref<64x64xf32, #tpu.memory_space<vmem>>, vector<64x64xf32>
    %dot_general3A_36 = arith.constant dense<0.000000e+00> : vector<2000x64xf32>
    %dot_general3A_37 = tpu.matmul %max3A_32, %get3A_35, %dot_general3A_36 {dimension_numbers = #tpu.dot_dimension_numbers<[1], [0], [0], [1], [0, 0, 1, 1], [], []>, transpose_lhs_hint = false} : vector<2000x64xf32>, vector<64x64xf32>, vector<2000x64xf32> -> vector<2000x64xf32>
    %get3A_38 = arith.constant 0 : index
    %get3A_39 = arith.constant 0 : index
    %get3A_40 = vector.load %arg10[%get3A_38, %get3A_39] : memref<1x64xf32, #tpu.memory_space<vmem>>, vector<1x64xf32>
    %add3A_41 = vector.broadcast %get3A_40 : vector<1x64xf32> to vector<2000x64xf32>
    %add3A_42 = arith.addf %dot_general3A_37, %add3A_41 : vector<2000x64xf32>
    %reduce_sum3A = arith.constant dense<0.000000e+00> : vector<2000xf32>
    %reduce_sum3A_43 = vector.multi_reduction <add>, %add3A_42, %reduce_sum3A [1] : vector<2000x64xf32> to vector<2000xf32>
    %broadcast_in_dim3A = vector.shape_cast %reduce_sum3A_43 : vector<2000xf32> to vector<2000x1xf32>
    %div3A = arith.constant 6.400000e+01 : f32
    %div3A_44 = vector.broadcast %div3A : f32 to vector<2000x1xf32>
    %div3A_45 = arith.divf %broadcast_in_dim3A, %div3A_44 : vector<2000x1xf32>
    %sub3A = vector.broadcast %div3A_45 : vector<2000x1xf32> to vector<2000x64xf32>
    %sub3A_46 = arith.subf %add3A_42, %sub3A : vector<2000x64xf32>
    %integer_pow3A = arith.mulf %sub3A_46, %sub3A_46 : vector<2000x64xf32>
    %reduce_sum3A_47 = arith.constant dense<0.000000e+00> : vector<2000xf32>
    %reduce_sum3A_48 = vector.multi_reduction <add>, %integer_pow3A, %reduce_sum3A_47 [1] : vector<2000x64xf32> to vector<2000xf32>
    %broadcast_in_dim3A_49 = vector.shape_cast %reduce_sum3A_48 : vector<2000xf32> to vector<2000x1xf32>
    %div3A_50 = arith.constant 6.400000e+01 : f32
    %div3A_51 = vector.broadcast %div3A_50 : f32 to vector<2000x1xf32>
    %div3A_52 = arith.divf %broadcast_in_dim3A_49, %div3A_51 : vector<2000x1xf32>
    %sub3A_53 = vector.broadcast %div3A_45 : vector<2000x1xf32> to vector<2000x64xf32>
    %sub3A_54 = arith.subf %add3A_42, %sub3A_53 : vector<2000x64xf32>
    %add3A_55 = arith.constant 9.99999974E-6 : f32
    %add3A_56 = vector.broadcast %add3A_55 : f32 to vector<2000x1xf32>
    %add3A_57 = arith.addf %div3A_52, %add3A_56 : vector<2000x1xf32>
    %rsqrt3A = math.rsqrt %add3A_57 : vector<2000x1xf32>
    %mul3A = vector.broadcast %rsqrt3A : vector<2000x1xf32> to vector<2000x64xf32>
    %mul3A_58 = arith.mulf %sub3A_54, %mul3A : vector<2000x64xf32>
    %get3A_59 = arith.constant 0 : index
    %get3A_60 = arith.constant 0 : index
    %get3A_61 = vector.load %arg11[%get3A_59, %get3A_60] : memref<1x64xf32, #tpu.memory_space<vmem>>, vector<1x64xf32>
    %mul3A_62 = vector.broadcast %get3A_61 : vector<1x64xf32> to vector<2000x64xf32>
    %mul3A_63 = arith.mulf %mul3A_58, %mul3A_62 : vector<2000x64xf32>
    %add3A_64 = arith.addf %get3A_1, %mul3A_63 : vector<2000x64xf32>
    %get3A_65 = arith.constant 0 : index
    %get3A_66 = arith.constant 0 : index
    %get3A_67 = vector.load %arg12[%get3A_65, %get3A_66] : memref<1x64xf32, #tpu.memory_space<vmem>>, vector<1x64xf32>
    %add3A_68 = vector.broadcast %get3A_67 : vector<1x64xf32> to vector<2000x64xf32>
    %add3A_69 = arith.addf %add3A_64, %add3A_68 : vector<2000x64xf32>
    %swap3A = arith.constant 0 : index
    %swap3A_70 = arith.constant 0 : index
    %swap3A_71 = vector.load %arg13[%swap3A, %swap3A_70] : memref<2000x64xf32, #tpu.memory_space<vmem>>, vector<2000x64xf32>
    tpu.vector_store %arg13[%swap3A, %swap3A_70], %add3A_69 {strides = array<i32>} : memref<2000x64xf32, #tpu.memory_space<vmem>>, vector<2000x64xf32>,
    return
  }
  func.func @transform_0(%arg0: i32) -> (i32, i32) {
    %c0_i32 = arith.constant 0 : i32
    %c0_i32_0 = arith.constant 0 : i32
    return %arg0, %c0_i32 : i32, i32
  }
  func.func @transform_1(%arg0: i32) -> (i32, i32) {
    %c0_i32 = arith.constant 0 : i32
    %c0_i32_0 = arith.constant 0 : i32
    return %arg0, %c0_i32 : i32, i32
  }
  func.func @transform_2(%arg0: i32) -> (i32, i32) {
    %c0_i32 = arith.constant 0 : i32
    %c0_i32_0 = arith.constant 0 : i32
    return %arg0, %c0_i32 : i32, i32
  }
  func.func @transform_3(%arg0: i32) -> (i32, i32) {
    %c0_i32 = arith.constant 0 : i32
    %c0_i32_0 = arith.constant 0 : i32
    return %arg0, %c0_i32 : i32, i32
  }
  func.func @transform_4(%arg0: i32) -> (i32, i32) {
    %c0_i32 = arith.constant 0 : i32
    %c0_i32_0 = arith.constant 0 : i32
    return %arg0, %c0_i32 : i32, i32
  }
  func.func @transform_5(%arg0: i32) -> (i32, i32) {
    %c0_i32 = arith.constant 0 : i32
    %c0_i32_0 = arith.constant 0 : i32
    %c0_i32_1 = arith.constant 0 : i32
    return %c0_i32, %c0_i32_0 : i32, i32
  }
  func.func @transform_6(%arg0: i32) -> (i32, i32) {
    %c0_i32 = arith.constant 0 : i32
    %c0_i32_0 = arith.constant 0 : i32
    %c0_i32_1 = arith.constant 0 : i32
    return %c0_i32, %c0_i32_0 : i32, i32
  }
  func.func @transform_7(%arg0: i32) -> (i32, i32) {
    %c0_i32 = arith.constant 0 : i32
    %c0_i32_0 = arith.constant 0 : i32
    %c0_i32_1 = arith.constant 0 : i32
    return %c0_i32, %c0_i32_0 : i32, i32
  }
  func.func @transform_8(%arg0: i32) -> (i32, i32) {
    %c0_i32 = arith.constant 0 : i32
    %c0_i32_0 = arith.constant 0 : i32
    %c0_i32_1 = arith.constant 0 : i32
    return %c0_i32, %c0_i32_0 : i32, i32
  }
  func.func @transform_9(%arg0: i32) -> (i32, i32) {
    %c0_i32 = arith.constant 0 : i32
    %c0_i32_0 = arith.constant 0 : i32
    %c0_i32_1 = arith.constant 0 : i32
    return %c0_i32, %c0_i32_0 : i32, i32
  }
  func.func @transform_10(%arg0: i32) -> (i32, i32) {
    %c0_i32 = arith.constant 0 : i32
    %c0_i32_0 = arith.constant 0 : i32
    %c0_i32_1 = arith.constant 0 : i32
    return %c0_i32, %c0_i32_0 : i32, i32
  }
  func.func @transform_11(%arg0: i32) -> (i32, i32) {
    %c0_i32 = arith.constant 0 : i32
    %c0_i32_0 = arith.constant 0 : i32
    %c0_i32_1 = arith.constant 0 : i32
    return %c0_i32, %c0_i32_0 : i32, i32
  }
  func.func @transform_12(%arg0: i32) -> (i32, i32) {
    %c0_i32 = arith.constant 0 : i32
    %c0_i32_0 = arith.constant 0 : i32
    return %arg0, %c0_i32 : i32, i32
  }
}

</mosaic_0001>

<sc_bundles>
// kernel: kernel.12.cloned.1.call-start
scs
__scs_entry_jumppad:
0x0: {  	(pc) =	sbr.rel $0x88, $3  }
0x1: {  	(tag) =	ssettag $0x0;
	lr =	simm.s32 $0x1  }
0x2: {  	[smem:$0x3F79] =	sst lr;
	_ =	strace $0xD0000000  }
0x3: {  	_ = 	snop  }
0x4: {  	_ = 	snop  }
0x5: {  	_ = 	snop  }
0x6: {  	_ = 	snop  }
0x7: {  	_ = 	snop  }
__scs_overlays_trampoline_lowered:
0x8: {  	[smem:$0x3F88] =	sst s0  }
0x9: {  	[smem:$0x3F89] =	sst s1  }
0xa: {  	[smem:$0x3F8A] =	sst s2  }
0xb: {  	[smem:$0x3F8B] =	sst s3  }
0xc: {  	[smem:$0x3F8C] =	sst s4  }
0xd: {  	[smem:$0x3F8D] =	sst s5  }
0xe: {  	[smem:$0x3F8E] =	sst s6  }
0xf: {  	[smem:$0x3F8F] =	sst s7  }
0x10: {  	[smem:$0x3F90] =	sst s8  }
0x11: {  	[smem:$0x3F91] =	sst s9;
	s0 =	simm.s32 @!p0 $0x0  }
0x12: {  	s1 =	sld [smem:$0x3F77];
	s0 =	simm.s32 @p0 $0x1  }
0x13: {  	[smem:$0x3F92] =	sst s0;
	s0 =	simm.s32 @!p1 $0x0  }
0x14: {  	s2 =	sld [smem:$0x3F76];
	s0 =	simm.s32 @p1 $0x1  }
0x15: {  	[smem:$0x3F93] =	sst s0;
	s0 =	simm.s32 @!p2 $0x0  }
0x16: {  	s3 =	sld [smem:$0x3FDB];
	s0 =	simm.s32 @p2 $0x1  }
0x17: {  	s4 =	simm.s32 $0x1BF5;
	[smem:$0x3F95] =	sst s0  }
0x18: {  	s0 =	sld [smem:$0x3F78];
	_ =	swait.ge [sflag:s4], $0x0  }
0x19: {  	s7 =	sld [smem:$0x3F79]  }
0x1a: {  	s8 =	sadd.s32 $0xFFFFE003, lr  }
0x1b: {  	s9 =	sadd.s32 $0xFFFFFEF7, lr;
	s5 =	simm.s32 $0xFFFFFFFF;
	p2 =	slt.u32 s8, $0xFFFFF086  }
0x1c: {  	p1 =	slt.u32 s9, $0xF7A;
	s5 =	simm.s32 @!p2 $0x0  }
0x1d: {  	s5 =	simm.s32 @p1 $0x1;
	p0 =	seq.s32 s7, s2  }
0x1e: {  	s7 =	smul.u32 @!p0 $0xF7A, s2;
	p2 =	seq.s32 @!p0 s5, $0x0  }
0x1f: {  	s9 =	smul.u32 $0xF7A, s1;
	s8 =	simm.s32 @!p0 $0x1BF5;
	p2 =	por !p2, p0  }
0x20: {  	[sflag:s8] =	ssyncset.s32 @!p0 $0xFFFFF086;
	s6 =	sadd.s32 @!p0 s3, s7;
	s7 =	simm.s32 @!p0 $0x108  }
0x21: {  	s3 =	sadd.s32 s3, s9;
	s6 =	sadd.s32 @!p0 $0x88, s6;
	s7 =	simm.s32 @p2 $0x1082  }
0x22: {  	[simem:s7], [sflag:s8] =	dma.local @!p0 [hbm:s6], $0xF7A  }
0x23: {  	s9 =	sor.u32 $0xD0000000, s2;
	s6 =	simm.s32 $0x108;
	_ =	swait.ge @!p0 [sflag:s8], $0x0  }
0x24: {  	s3 =	sadd.s32 $0x88, s3;
	s6 =	simm.s32 @!p1 $0x1082;
	[sflag:s4] =	ssyncset.s32 $0xFFFFF086  }
0x25: {  	[simem:s6], [sflag:s4] =	dma.local [hbm:s3], $0xF7A  }
0x26: {  	[smem:$0x3F79] =	sst s1;
	(tag) =	ssettag s2;
	_ =	strace s9  }
0x27: {  	s1 =	sld [smem:$0x3F89]  }
0x28: {  	s2 =	sld [smem:$0x3F8A]  }
0x29: {  	s4 =	sld [smem:$0x3F8C]  }
0x2a: {  	p0 =	seq.s32 s5, $0x0;
	s5 =	sld [smem:$0x3F8D]  }
0x2b: {  	s6 =	sld [smem:$0x3F8E]  }
0x2c: {  	s7 =	sld [smem:$0x3F8F]  }
0x2d: {  	s3 =	simm.s32 $0x108;
	s8 =	sld [smem:$0x3F90]  }
0x2e: {  	s3 =	simm.s32 @!p0 $0x1082;
	s9 =	sld [smem:$0x3F91]  }
0x2f: {  	lr =	sadd.s32 s0, s3;
	s0 =	sld [smem:$0x3F88]  }
0x30: {  	s3 =	sld [smem:$0x3F8B]  }
0x31: {  	[smem:$0x3F94] =	sst s10  }
0x32: {  	s10 =	sld [smem:$0x3F92];
	_ =	sdelay $0x3  }
0x33: {  	p0 =	seq.s32 s10, $0x1;
	s10 =	sld [smem:$0x3F94];
	_ =	sdelay $0x3  }
0x34: {  	[smem:$0x3F94] =	sst s10  }
0x35: {  	s10 =	sld [smem:$0x3F93];
	_ =	sdelay $0x3  }
0x36: {  	p1 =	seq.s32 s10, $0x1;
	s10 =	sld [smem:$0x3F94];
	_ =	sdelay $0x3  }
0x37: {  	[smem:$0x3F94] =	sst s10  }
0x38: {  	s10 =	sld [smem:$0x3F95]  }
0x39: {  	_ = 	snop;
	(pc) =	sbr.ind lr, $3  }
0x3a: {  	_ = 	snop  }
0x3b: {  	_ = 	snop  }
0x3c: {  	p2 =	seq.s32 s10, $0x1;
	s10 =	sld [smem:$0x3F94]  }
0x3d: {  	_ =	shalt  }
0x3e: {  	_ =	shalt  }
0x3f: {  	_ =	shalt  }
0x40: {  	_ =	shalt  }
0x41: {  	_ =	shalt  }
0x42: {  	_ =	shalt  }
0x43: {  	_ =	shalt  }
0x44: {  	_ =	shalt  }
0x45: {  	_ =	shalt  }
0x46: {  	_ =	shalt  }
0x47: {  	_ =	shalt  }
0x48: {  	_ =	shalt  }
0x49: {  	_ =	shalt  }
0x4a: {  	_ =	shalt  }
0x4b: {  	_ =	shalt  }
0x4c: {  	_ =	shalt  }
0x4d: {  	_ =	shalt  }
0x4e: {  	_ =	shalt  }
0x4f: {  	_ =	shalt  }
0x50: {  	_ =	shalt  }
0x51: {  	_ =	shalt  }
0x52: {  	_ =	shalt  }
0x53: {  	_ =	shalt  }
0x54: {  	_ =	shalt  }
0x55: {  	_ =	shalt  }
0x56: {  	_ =	shalt  }
0x57: {  	_ =	shalt  }
0x58: {  	_ =	shalt  }
0x59: {  	_ =	shalt  }
0x5a: {  	_ =	shalt  }
0x5b: {  	_ =	shalt  }
0x5c: {  	_ =	shalt  }
0x5d: {  	_ =	shalt  }
0x5e: {  	_ =	shalt  }
0x5f: {  	_ =	shalt  }
0x60: {  	_ =	shalt  }
0x61: {  	_ =	shalt  }
0x62: {  	_ =	shalt  }
0x63: {  	_ =	shalt  }
0x64: {  	_ =	shalt  }
0x65: {  	_ =	shalt  }
0x66: {  	_ =	shalt  }
0x67: {  	_ =	shalt  }
0x68: {  	_ =	shalt  }
0x69: {  	_ =	shalt  }
0x6a: {  	_ =	shalt  }
0x6b: {  	_ =	shalt  }
0x6c: {  	_ =	shalt  }
0x6d: {  	_ =	shalt  }
0x6e: {  	_ =	shalt  }
0x6f: {  	_ =	shalt  }
0x70: {  	_ =	shalt  }
0x71: {  	_ =	shalt  }
0x72: {  	_ =	shalt  }
0x73: {  	_ =	shalt  }
0x74: {  	_ =	shalt  }
0x75: {  	_ =	shalt  }
0x76: {  	_ =	shalt  }
0x77: {  	_ =	shalt  }
0x78: {  	_ =	shalt  }
0x79: {  	_ =	shalt  }
0x7a: {  	_ =	shalt  }
0x7b: {  	_ =	shalt  }
0x7c: {  	_ =	shalt  }
0x7d: {  	_ =	shalt  }
0x7e: {  	_ =	shalt  }
0x7f: {  	_ =	shalt  }
0x80: {  	_ =	shalt  }
0x81: {  	_ =	shalt  }
0x82: {  	_ =	shalt  }
0x83: {  	_ =	shalt  }
0x84: {  	_ =	shalt  }
0x85: {  	_ =	shalt  }
0x86: {  	_ =	shalt  }
0x87: {  	_ =	shalt  }
.Lfunc_end0:
.L_simem_size_0:
called_computation_lowered:
.L_overlay_start_0:
0x88: {  	s2 =	sld [smem:$0x3FD9]  }
0x89: {  	s3 =	sld [smem:$0x3FFE];
	_ =	sdelay $0x1  }
0x8a: {  	s1 =	srdreg.scid  }
0x8b: {  	s0 =	sand.u32 $0x1, s1  }
0x8c: {  	s15 =	sshll.u32 s0, $0xA;
	s2 =	sadd.s32 s3, s2  }
0x8d: {  	s2 =	sadd.s32 s2, s15  }
0x8e: {  	[smem:$0x3FA0] =	sst s2  }
0x8f: {  	_ = 	snop  }
0x90: {  	s2 =	sld [smem:$0x3FD0];
	_ =	sdelay $0x2  }
0x91: {  	s4 =	simm.s32 $0xB;
	s16 =	simm.s32 $0x10  }
0x92: {  	[smem:s16], [sflag:s4] =	dma.local [hbm:s2], $0x1  }
0x93: {  	_ =	swait.eq [sflag:s4], $0x1  }
0x94: {  	[sflag:s4] =	ssyncset.done $0x0  }
0x95: {  	s17 =	sld [smem:$0x10];
	[sflag:s4] =	ssyncadd.s32 $0xFFFFFFFF  }
0x96: {  	s18 =	sld [smem:$0x11];
	(tm) =	ssettm $0x1  }
0x97: {  	s19 =	sld [smem:$0x3FFB];
	_ =	sdelay $0x3  }
0x98: {  	_ =	strace s19  }
0x99: {  	s2 =	sld [smem:$0x3FFC];
	_ =	sdelay $0x3  }
0x9a: {  	_ =	strace s2  }
0x9b: {  	s2 =	sld [smem:$0x3FFD];
	_ =	sdelay $0x3  }
0x9c: {  	_ =	strace s2  }
0x9d: {  	_ =	strace $0x8FFFFFFF  }
0x9e: {  	s20 =	sld [smem:$0x3FDB];
	_ =	sdelay $0x1  }
0x9f: {  	s5 =	simm.s32 $_scs_section_size  }
0xa0: {  	s6 =	simm.s32 $_size__tile_overlayer_lowered;
	s7 =	simm.s32 $_tile_overlayer_lowered  }
0xa1: {  	s8 =	simm.s32 $0x1BFF;
	s21 =	sshll.u32 s7, $0x1;
	s5 =	sadd.s32 s5, s20  }
0xa2: {  	s22 =	simm.s32 $0x0;
	s6 =	sshll.u32 s6, $0x1;
	s7 =	sadd.s32 s21, s5  }
0xa3: {  	[timem:s22], [sflag:s8] =	dma.local [hbm:s7], s6  }
0xa4: {  	_ =	swait.ge [sflag:s8], s6  }
0xa5: {  	s6 =	ssub.s32 $0x0, s6;
	[sflag:s8] =	ssyncset.done $0x0  }
0xa6: {  	[sflag:s8] =	ssyncadd.s32 s6;
	_ =	sdelay $0x1  }
0xa7: {  	s23 =	simm.s32 $0x1B8B  }
0xa8: {  	_ =	swait.ge [sflag:s23], $0x1  }
0xa9: {  	[sflag:s23] =	ssyncset.done $0x0  }
0xaa: {  	[sflag:s23] =	ssyncadd.s32 $0xFFFFFFFF  }
0xab: {  	s6 =	sld [smem:$0x0]  }
0xac: {  	s7 =	sand.u32 $0xFFFFFFFE, s1  }
0xad: {  	p0 =	sne.s32 s1, s7  }
0xae: {  	s7 =	sshll.u32 @p0 s7, $0xE  }
0xaf: {  	s7 =	sadd.s32 @p0 $0x11B8D, s7;
	s8 =	sshll.u32 @p0 s6, $0x11  }
0xb0: {  	s7 =	sor.u32 @p0 s8, s7  }
0xb1: {  	[sflag:s7] =	ssyncadd.remote.s32 @p0 $0x1;
	_ =	sdelay $0x1  }
0xb2: {  	s7 =	simm.s32 @p0 $0x1B8D  }
0xb3: {  	_ =	swait.eq @p0 [sflag:s7], $0x1  }
0xb4: {  	[sflag:s7] =	ssyncadd.s32 @p0 $0xFFFFFFFF  }
0xb5: {  	s8 =	sshll.u32 @!p0 s1, $0xE  }
0xb6: {  	s8 =	sor.u32 @!p0 $0x4000, s8;
	s7 =	simm.s32 @!p0 $0x1B8D  }
0xb7: {  	s6 =	sshll.u32 @!p0 s6, $0x11;
	s8 =	sadd.s32 @!p0 $0x11B8D, s8;
	_ =	swait.eq @!p0 [sflag:s7], $0x1  }
0xb8: {  	s6 =	sor.u32 @!p0 s6, s8;
	[sflag:s7] =	ssyncadd.s32 @!p0 $0xFFFFFFFF  }
0xb9: {  	s25 =	simm.s32 $0x1B8E;
	s24 =	sld [smem:$0x3FFE];
	[sflag:s6] =	ssyncadd.remote.s32 @!p0 $0x1  }
0xba: {  	s26 =	simm.s32 $execute0_lowered;
	[smem:$0x3FD2] =	sst s25  }
0xbb: {  	s7 =	sshll.u32 s26, $0x1;
	_ =	strace $0x80000049;
	[dreg:$0x1] =	wrdreg $0xFFFFFFFF  }
0xbc: {  	s28 =	simm.s32 $_size_execute0_lowered;
	s5 =	sadd.s32 s5, s7;
	[dreg:$0x0] =	wrdreg $0x0  }
0xbd: {  	s7 =	sshll.u32 s28, $0x1;
	[dreg:$0x2] =	wrdreg s5  }
0xbe: {  	[dreg:$0x3] =	wrdreg s7  }
0xbf: {  	[dreg:$0x4] =	wrdreg $0xC0  }
0xc0: {  	_ =	task [dreg:s22], $0x5FFFF  }
0xc1: {  	[dreg:$0x1] =	wrdreg $0xFFFFFFFF  }
0xc2: {  	[dreg:$0x0] =	wrdreg $0x60  }
0xc3: {  	[dreg:$0x2] =	wrdreg s17  }
0xc4: {  	[dreg:$0x3] =	wrdreg s24  }
0xc5: {  	[dreg:$0x4] =	wrdreg s18  }
0xc6: {  	[dreg:$0x5] =	wrdreg $0x9  }
0xc7: {  	_ =	task.clear_ibuf [dreg:s22], $0x6FFFF;
	_ =	strace $0x90000049  }
0xc8: {  	s29 =	simm.s32 $0x9;
	_ =	strace $0x8000004B  }
0xc9: {  	_ =	swait.ge [sflag:s29], $0x1  }
0xca: {  	[sflag:s29] =	ssyncadd.s32 $0xFFFFFFFF  }
0xcb: {  	_ =	strace $0x9000004B  }
0xcc: {  	_ =	sfence  }
0xcd: {  	s30 =	sld [smem:$0x0];
	_ =	sdelay $0x2  }
0xce: {  	s31 =	sshll.u32 s1, $0xD;
	s1 =	sshrl.u32 s1, $0x2  }
0xcf: {  	s4 =	sand.u32 $0x4000, s31;
	s1 =	sadd.s32 s1, s30  }
0xd0: {  	s0 =	sor.u32 s4, s0;
	s1 =	sshll.u32 s1, $0x11  }
0xd1: {  	s0 =	sor.u32 s1, s0  }
0xd2: {  	s0 =	sadd.s32 $0x8F2B, s0  }
0xd3: {  	[sflag:s0] =	ssyncadd.remote.s32 $0x1  }
0xd4: {  	_ =	sfence.sel $0xFFFF  }
0xd5: {  	[dreg:$0x0] =	wrdreg $0xFFFFFFFF;
	(pc) =	sbr.abs _section_cstart, $3  }
0xd6: {  	[dreg:$0x1] =	wrdreg $0xFFFFFFFF  }
0xd7: {  	_ =	task.clear_ibuf [dreg:s22], $0x2FFFF;
	_ =	strace $0x9FFFFFFF  }
0xd8: {  	(tm) =	ssettm $0x7FFFFFFF  }
0xd9: {  	_ =	shalt  }
tec
execute0_lowered:
.L_overlay_start_1:
0x0: {  	(tag) =	ssettag $0x1  }
0x1: {  	s1 =	rddreg [dreg:$0x0]  }
0x2: {  	s5 =	rddreg [dreg:$0x1]  }
0x3: {  	s6 =	rddreg [dreg:$0x2]  }
0x4: {  	s0 =	rddreg [dreg:$0x3];
	s3 =	simm.s32 $0x0;
	s4 =	srdreg.scid  }
0x5: {  	s2 =	stileid.u32;
	s12 =	simm.s32 $0x80;
	s13 =	simm.s32 $0x4000  }
0x6: {  	s14 =	simm.s32 $0xC000;
	s15 =	simm.s32 $0x8000;
	s16 =	simm.s32 $0x10000  }
0x7: {  	s17 =	simm.s32 $0x1;
	s18 =	simm.s32 $0x2;
	s19 =	simm.s32 $0x0  }
0x8: {  	[smem:$0x7FF] =	sst s3;
	s7 =	sand.u32 $0x1, s4;
	s31 =	sshll.u32 s2, $0x1  }
0x9: {  	s4 =	sadd.s32 $0x2FE00, s5;
	s8 =	sor.u32 s7, s31;
	s7 =	ssub.s32 $0x2, s7  }
0xa: {  	_ =	strace $0x8000004A;
	s9 =	sshll.u32 s8, $0xA;
	s11 =	sshrl.u32 s7, $0x1  }
0xb: {  	s8 =	smul.u32 $0xF8000, s8;
	s10 =	sadd.s32 s9, s5;
	s5 =	sadd.s32 $0x466200, s5  }
0xc: {  	s11 =	ssub.s32 s7, s11;
	s6 =	sadd.s32 s6, s9;
	s7 =	sadd.s32 $0x45E200, s10  }
0xd: {  	s9 =	smax.u32 s11, $0x1;
	s10 =	simm.s32 $0x3;
	s11 =	simm.s32 $0x2000  }
.LBB2_1:
0xe: {  	[tilespmem:s3], [sflag:$0x3] =	stream.linear.gather [hbm4b:s6+s3], $0x1F00, $0x38;
	[tilespmem:$0x14000] =	vst v63  }
0xf: {  	_ =	swait.ge [sflag:s10], $0x1F00  }
0x10: {  	[sflag:s10] =	ssyncset.done $0x0  }
0x11: {  	[sflag:s10] =	ssyncadd.s32 $0xFFFFE100  }
0x12: {  	[tilespmem:s11], [sflag:$0x3] =	stream.linear.gather [hbm4b:s7+s3], $0x1F00, $0x38;
	[tilespmem:$0x14000] =	vst v63  }
0x13: {  	_ =	swait.ge [sflag:s10], $0x1F00  }
0x14: {  	[sflag:s10] =	ssyncset.done $0x0  }
0x15: {  	[sflag:s10] =	ssyncadd.s32 $0xFFFFE100  }
0x16: {  	[tilespmem:s13], [sflag:$0x1] =	stream.indirect.gather [hbm4b:s1+s12], $0x80, s3, s12, $0xb8;
	[tilespmem:$0x14000] =	vst v63  }
0x17: {  	s20 =	simm.s32 $0x0  }
0x18: {  	[tilespmem:s14], [sflag:$0x2] =	stream.indirect.gather [hbm4b:s4+s12], $0x80, s11, s12, $0xb8;
	[tilespmem:$0x14000] =	vst v63  }
.LBB2_2:
0x19: {  	s21 =	sshllo.u32 s20, $0x1  }
0x1a: {  	s22 =	sshll.u32 s21, $0x7  }
0x1b: {  	[tilespmem:s15], [sflag:$0x1] =	stream.indirect.gather [hbm4b:s1+s12], $0x80, s22, s12, $0xb8;
	[tilespmem:$0x14000] =	vst v63  }
0x1c: {  	s22 =	sadd.s32 $0x2000, s22  }
0x1d: {  	[tilespmem:s16], [sflag:$0x2] =	stream.indirect.gather [hbm4b:s4+s12], $0x80, s22, s12, $0xb8;
	[tilespmem:$0x14000] =	vst v63  }
0x1e: {  	_ =	swait.ge [sflag:s17], $0x4000  }
0x1f: {  	[sflag:s17] =	ssyncset.done $0x0  }
0x20: {  	[sflag:s17] =	ssyncadd.s32 $0xFFFFC000  }
0x21: {  	_ =	swait.ge [sflag:s18], $0x4000  }
0x22: {  	[sflag:s18] =	ssyncset.done $0x0  }
0x23: {  	s22 =	simm.s32 $0x0;
	[sflag:s18] =	ssyncadd.s32 $0xFFFFC000  }
0x24: {  	v3 =	vld [tilespmem:s22+$0xC070]  }
0x25: {  	v1 =	vld [tilespmem:s22+$0xC040]  }
0x26: {  	v0 =	vld [tilespmem:s22+$0xC050]  }
0x27: {  	s23 =	simm.s32 $0x200;
	v2 =	vld [tilespmem:s22+$0xC060]  }
.LBB2_3:
0x28: {  	p0 =	sne.s32 s23, $0xFE00  }
.Ltmp0:
0x29: {  	s24 =	sshra.s32 s23, $0x2;
	s23 =	sadd.s32 $0x200, s23;
	[tilespmem:s22+$0x4070] =	vst v3;
	(pc) =	sbr.rel @p0 .LBB2_3-.Ltmp0, $4  }
0x2a: {  	v3 =	vld [tilespmem:s24+$0xC070];
	[tilespmem:s22+$0x4040] =	vst v1  }
0x2b: {  	v1 =	vld [tilespmem:s24+$0xC040];
	[tilespmem:s22+$0x4050] =	vst v0  }
0x2c: {  	v0 =	vld [tilespmem:s24+$0xC050];
	[tilespmem:s22+$0x4060] =	vst v2;
	s22 =	smov.u32 s24  }
0x2d: {  	v2 =	vld [tilespmem:s22+$0xC060]  }
0x2e: {  	_ = 	snop  }
0x2f: {  	s23 =	sshll.u32 s20, $0xF;
	[tilespmem:s22+$0x4070] =	vst v3  }
0x30: {  	s23 =	sadd.s32 s8, s23;
	[tilespmem:s22+$0x4040] =	vst v1  }
0x31: {  	s23 =	sshrl.u32 s23, $0x3;
	[tilespmem:s22+$0x4050] =	vst v0  }
0x32: {  	s31 =	sadd.s32 s5, s23;
	[tilespmem:s22+$0x4060] =	vst v2  }
0x33: {  	[hbm4b:s31+s3] =	stream.linear.scatter [tilespmem:s13], [sflag:$0x3], $0x4000, $0x38;
	[tilespmem:$0x14000] =	vst v63  }
0x34: {  	p0 =	seq.s32 s20, $0x1E;
	_ =	swait.ge [sflag:s10], $0x4000  }
0x35: {  	s24 =	simm.s32 @!p0 $0x80;
	s22 =	sshll.u32 @!p0 s20, $0x8;
	[sflag:s10] =	ssyncset.done $0x0  }
0x36: {  	s25 =	simm.s32 @!p0 $0x4000;
	s23 =	sadd.s32 @!p0 $0x100, s22;
	[sflag:s10] =	ssyncadd.s32 $0xFFFFC000  }
0x37: {  	[tilespmem:s25], [sflag:$0x1] =	stream.indirect.gather @!p0 [hbm4b:s1+s24], $0x80, s23, s24, $0xb8;
	[tilespmem:$0x14000] =	vst v63  }
0x38: {  	s22 =	sadd.s32 @!p0 $0x2100, s22;
	s23 =	simm.s32 @!p0 $0xC000  }
0x39: {  	[tilespmem:s23], [sflag:$0x2] =	stream.indirect.gather @!p0 [hbm4b:s4+s24], $0x80, s22, s24, $0xb8;
	[tilespmem:$0x14000] =	vst v63  }
0x3a: {  	_ =	swait.ge [sflag:s17], $0x4000  }
0x3b: {  	[sflag:s17] =	ssyncset.done $0x0  }
0x3c: {  	[sflag:s17] =	ssyncadd.s32 $0xFFFFC000  }
0x3d: {  	_ =	swait.ge [sflag:s18], $0x4000  }
0x3e: {  	[sflag:s18] =	ssyncset.done $0x0  }
0x3f: {  	s22 =	simm.s32 $0x0;
	[sflag:s18] =	ssyncadd.s32 $0xFFFFC000  }
0x40: {  	v3 =	vld [tilespmem:s22+$0x10070]  }
0x41: {  	v1 =	vld [tilespmem:s22+$0x10040]  }
0x42: {  	v0 =	vld [tilespmem:s22+$0x10050]  }
0x43: {  	s23 =	simm.s32 $0x200;
	v2 =	vld [tilespmem:s22+$0x10060]  }
.LBB2_5:
0x44: {  	p0 =	sne.s32 s23, $0xFE00  }
.Ltmp1:
0x45: {  	s24 =	sshra.s32 s23, $0x2;
	s23 =	sadd.s32 $0x200, s23;
	[tilespmem:s22+$0x8070] =	vst v3;
	(pc) =	sbr.rel @p0 .LBB2_5-.Ltmp1, $4  }
0x46: {  	v3 =	vld [tilespmem:s24+$0x10070];
	[tilespmem:s22+$0x8040] =	vst v1  }
0x47: {  	v1 =	vld [tilespmem:s24+$0x10040];
	[tilespmem:s22+$0x8050] =	vst v0  }
0x48: {  	v0 =	vld [tilespmem:s24+$0x10050];
	[tilespmem:s22+$0x8060] =	vst v2;
	s22 =	smov.u32 s24  }
0x49: {  	v2 =	vld [tilespmem:s22+$0x10060]  }
0x4a: {  	_ = 	snop  }
0x4b: {  	s21 =	sshll.u32 s21, $0xE;
	[tilespmem:s22+$0x8070] =	vst v3  }
0x4c: {  	s20 =	sadd.s32 $0x1, s20;
	s21 =	sadd.s32 s8, s21;
	[tilespmem:s22+$0x8040] =	vst v1  }
0x4d: {  	p0 =	sne.s32 s20, $0x1F;
	s21 =	sshrl.u32 s21, $0x3;
	[tilespmem:s22+$0x8050] =	vst v0  }
.Ltmp2:
0x4e: {  	s21 =	sadd.s32 s5, s21;
	[tilespmem:s22+$0x8060] =	vst v2;
	(pc) =	sbr.rel @p0 .LBB2_2-.Ltmp2, $4  }
0x4f: {  	[hbm4b:s21+s3] =	stream.linear.scatter [tilespmem:s15], [sflag:$0x3], $0x4000, $0x38;
	[tilespmem:$0x14000] =	vst v63  }
0x50: {  	_ =	swait.ge [sflag:s10], $0x4000  }
0x51: {  	[sflag:s10] =	ssyncset.done $0x0  }
0x52: {  	[sflag:s10] =	ssyncadd.s32 $0xFFFFC000  }
0x53: {  	s19 =	sadd.s32 $0x1, s19  }
0x54: {  	p0 =	sne.s32 s19, s9  }
.Ltmp3:
0x55: {  	_ = 	snop;
	(pc) =	sbr.rel @p0 .LBB2_1-.Ltmp3, $1  }
0x56: {  	_ =	sdelay $0x3  }
0x57: {  	_ =	sfence.sel $0x180000  }
0x58: {  	[bflag:$0x0] =	sbarrier.arrive $0xFFFF  }
0x59: {  	p0 =	sne.s32 s2, $0x0;
	_ =	strace $0x9000004A  }
0x5a: {  	s0 =	sadd.s32 @!p0 $0x100000, s0;
	[bflag:$0x2] =	sbarrier.arrive $0xFFFF  }
0x5b: {  	[sflag:s0] =	ssyncadd.tile.s32 @!p0 $0x1;
	_ =	shalt  }
.Lfunc_end2:
_tile_overlayer_lowered:
.L_overlay_start_2:
0x5c: {  	(tag) =	ssettag $0x2  }
0x5d: {  	s0 =	rddreg [dreg:$0x0];
	s2 =	stileid.u32  }
0x5e: {  	s1 =	rddreg [dreg:$0x1];
	p0 =	sne.s32 s2, $0x0  }
0x5f: {  	s3 =	rddreg [dreg:$0x2];
	[bflag:$0x3] =	sbarrier.arrive $0xFFFF;
	s2 =	simm.s32 @!p0 $0x1C03  }
0x60: {  	[timem:s3], [sflag:s2] =	dma.local @!p0 [hbm:s0], s1  }
0x61: {  	s0 =	simm.s32 @!p0 $0x3  }
0x62: {  	_ =	swait.ge @!p0 [sflag:s0], s1  }
0x63: {  	s1 =	ssub.s32 @!p0 $0x0, s1;
	[sflag:s0] =	ssyncset.done @!p0 $0x0  }
0x64: {  	[sflag:s0] =	ssyncadd.s32 @!p0 s1  }
0x65: {  	[bflag:$0x3] =	sbarrier.arrive $0xFFFF  }
0x66: {  	_ =	shalt  }

// kernel: kernel.15.cloned.1.call-start
scs
__scs_entry_jumppad:
0x0: {  	(pc) =	sbr.rel $0x88, $3  }
0x1: {  	(tag) =	ssettag $0x0;
	lr =	simm.s32 $0x1  }
0x2: {  	[smem:$0x3F79] =	sst lr;
	_ =	strace $0xD0000000  }
0x3: {  	_ = 	snop  }
0x4: {  	_ = 	snop  }
0x5: {  	_ = 	snop  }
0x6: {  	_ = 	snop  }
0x7: {  	_ = 	snop  }
__scs_overlays_trampoline_lowered:
0x8: {  	[smem:$0x3F88] =	sst s0  }
0x9: {  	[smem:$0x3F89] =	sst s1  }
0xa: {  	[smem:$0x3F8A] =	sst s2  }
0xb: {  	[smem:$0x3F8B] =	sst s3  }
0xc: {  	[smem:$0x3F8C] =	sst s4  }
0xd: {  	[smem:$0x3F8D] =	sst s5  }
0xe: {  	[smem:$0x3F8E] =	sst s6  }
0xf: {  	[smem:$0x3F8F] =	sst s7  }
0x10: {  	[smem:$0x3F90] =	sst s8  }
0x11: {  	[smem:$0x3F91] =	sst s9;
	s0 =	simm.s32 @!p0 $0x0  }
0x12: {  	s1 =	sld [smem:$0x3F77];
	s0 =	simm.s32 @p0 $0x1  }
0x13: {  	[smem:$0x3F92] =	sst s0;
	s0 =	simm.s32 @!p1 $0x0  }
0x14: {  	s2 =	sld [smem:$0x3F76];
	s0 =	simm.s32 @p1 $0x1  }
0x15: {  	[smem:$0x3F93] =	sst s0;
	s0 =	simm.s32 @!p2 $0x0  }
0x16: {  	s3 =	sld [smem:$0x3FDB];
	s0 =	simm.s32 @p2 $0x1  }
0x17: {  	s4 =	simm.s32 $0x1BF5;
	[smem:$0x3F95] =	sst s0  }
0x18: {  	s0 =	sld [smem:$0x3F78];
	_ =	swait.ge [sflag:s4], $0x0  }
0x19: {  	s7 =	sld [smem:$0x3F79]  }
0x1a: {  	s8 =	sadd.s32 $0xFFFFE003, lr  }
0x1b: {  	s9 =	sadd.s32 $0xFFFFFEF7, lr;
	s5 =	simm.s32 $0xFFFFFFFF;
	p2 =	slt.u32 s8, $0xFFFFF086  }
0x1c: {  	p1 =	slt.u32 s9, $0xF7A;
	s5 =	simm.s32 @!p2 $0x0  }
0x1d: {  	s5 =	simm.s32 @p1 $0x1;
	p0 =	seq.s32 s7, s2  }
0x1e: {  	s7 =	smul.u32 @!p0 $0xF7A, s2;
	p2 =	seq.s32 @!p0 s5, $0x0  }
0x1f: {  	s9 =	smul.u32 $0xF7A, s1;
	s8 =	simm.s32 @!p0 $0x1BF5;
	p2 =	por !p2, p0  }
0x20: {  	[sflag:s8] =	ssyncset.s32 @!p0 $0xFFFFF086;
	s6 =	sadd.s32 @!p0 s3, s7;
	s7 =	simm.s32 @!p0 $0x108  }
0x21: {  	s3 =	sadd.s32 s3, s9;
	s6 =	sadd.s32 @!p0 $0x88, s6;
	s7 =	simm.s32 @p2 $0x1082  }
0x22: {  	[simem:s7], [sflag:s8] =	dma.local @!p0 [hbm:s6], $0xF7A  }
0x23: {  	s9 =	sor.u32 $0xD0000000, s2;
	s6 =	simm.s32 $0x108;
	_ =	swait.ge @!p0 [sflag:s8], $0x0  }
0x24: {  	s3 =	sadd.s32 $0x88, s3;
	s6 =	simm.s32 @!p1 $0x1082;
	[sflag:s4] =	ssyncset.s32 $0xFFFFF086  }
0x25: {  	[simem:s6], [sflag:s4] =	dma.local [hbm:s3], $0xF7A  }
0x26: {  	[smem:$0x3F79] =	sst s1;
	(tag) =	ssettag s2;
	_ =	strace s9  }
0x27: {  	s1 =	sld [smem:$0x3F89]  }
0x28: {  	s2 =	sld [smem:$0x3F8A]  }
0x29: {  	s4 =	sld [smem:$0x3F8C]  }
0x2a: {  	p0 =	seq.s32 s5, $0x0;
	s5 =	sld [smem:$0x3F8D]  }
0x2b: {  	s6 =	sld [smem:$0x3F8E]  }
0x2c: {  	s7 =	sld [smem:$0x3F8F]  }
0x2d: {  	s3 =	simm.s32 $0x108;
	s8 =	sld [smem:$0x3F90]  }
0x2e: {  	s3 =	simm.s32 @!p0 $0x1082;
	s9 =	sld [smem:$0x3F91]  }
0x2f: {  	lr =	sadd.s32 s0, s3;
	s0 =	sld [smem:$0x3F88]  }
0x30: {  	s3 =	sld [smem:$0x3F8B]  }
0x31: {  	[smem:$0x3F94] =	sst s10  }
0x32: {  	s10 =	sld [smem:$0x3F92];
	_ =	sdelay $0x3  }
0x33: {  	p0 =	seq.s32 s10, $0x1;
	s10 =	sld [smem:$0x3F94];
	_ =	sdelay $0x3  }
0x34: {  	[smem:$0x3F94] =	sst s10  }
0x35: {  	s10 =	sld [smem:$0x3F93];
	_ =	sdelay $0x3  }
0x36: {  	p1 =	seq.s32 s10, $0x1;
	s10 =	sld [smem:$0x3F94];
	_ =	sdelay $0x3  }
0x37: {  	[smem:$0x3F94] =	sst s10  }
0x38: {  	s10 =	sld [smem:$0x3F95]  }
0x39: {  	_ = 	snop;
	(pc) =	sbr.ind lr, $3  }
0x3a: {  	_ = 	snop  }
0x3b: {  	_ = 	snop  }
0x3c: {  	p2 =	seq.s32 s10, $0x1;
	s10 =	sld [smem:$0x3F94]  }
0x3d: {  	_ =	shalt  }
0x3e: {  	_ =	shalt  }
0x3f: {  	_ =	shalt  }
0x40: {  	_ =	shalt  }
0x41: {  	_ =	shalt  }
0x42: {  	_ =	shalt  }
0x43: {  	_ =	shalt  }
0x44: {  	_ =	shalt  }
0x45: {  	_ =	shalt  }
0x46: {  	_ =	shalt  }
0x47: {  	_ =	shalt  }
0x48: {  	_ =	shalt  }
0x49: {  	_ =	shalt  }
0x4a: {  	_ =	shalt  }
0x4b: {  	_ =	shalt  }
0x4c: {  	_ =	shalt  }
0x4d: {  	_ =	shalt  }
0x4e: {  	_ =	shalt  }
0x4f: {  	_ =	shalt  }
0x50: {  	_ =	shalt  }
0x51: {  	_ =	shalt  }
0x52: {  	_ =	shalt  }
0x53: {  	_ =	shalt  }
0x54: {  	_ =	shalt  }
0x55: {  	_ =	shalt  }
0x56: {  	_ =	shalt  }
0x57: {  	_ =	shalt  }
0x58: {  	_ =	shalt  }
0x59: {  	_ =	shalt  }
0x5a: {  	_ =	shalt  }
0x5b: {  	_ =	shalt  }
0x5c: {  	_ =	shalt  }
0x5d: {  	_ =	shalt  }
0x5e: {  	_ =	shalt  }
0x5f: {  	_ =	shalt  }
0x60: {  	_ =	shalt  }
0x61: {  	_ =	shalt  }
0x62: {  	_ =	shalt  }
0x63: {  	_ =	shalt  }
0x64: {  	_ =	shalt  }
0x65: {  	_ =	shalt  }
0x66: {  	_ =	shalt  }
0x67: {  	_ =	shalt  }
0x68: {  	_ =	shalt  }
0x69: {  	_ =	shalt  }
0x6a: {  	_ =	shalt  }
0x6b: {  	_ =	shalt  }
0x6c: {  	_ =	shalt  }
0x6d: {  	_ =	shalt  }
0x6e: {  	_ =	shalt  }
0x6f: {  	_ =	shalt  }
0x70: {  	_ =	shalt  }
0x71: {  	_ =	shalt  }
0x72: {  	_ =	shalt  }
0x73: {  	_ =	shalt  }
0x74: {  	_ =	shalt  }
0x75: {  	_ =	shalt  }
0x76: {  	_ =	shalt  }
0x77: {  	_ =	shalt  }
0x78: {  	_ =	shalt  }
0x79: {  	_ =	shalt  }
0x7a: {  	_ =	shalt  }
0x7b: {  	_ =	shalt  }
0x7c: {  	_ =	shalt  }
0x7d: {  	_ =	shalt  }
0x7e: {  	_ =	shalt  }
0x7f: {  	_ =	shalt  }
0x80: {  	_ =	shalt  }
0x81: {  	_ =	shalt  }
0x82: {  	_ =	shalt  }
0x83: {  	_ =	shalt  }
0x84: {  	_ =	shalt  }
0x85: {  	_ =	shalt  }
0x86: {  	_ =	shalt  }
0x87: {  	_ =	shalt  }
.Lfunc_end0:
.L_simem_size_0:
called_computation.1_lowered:
.L_overlay_start_0:
0x88: {  	s2 =	sld [smem:$0x3FD9]  }
0x89: {  	s3 =	sld [smem:$0x3FFE];
	_ =	sdelay $0x1  }
0x8a: {  	s1 =	srdreg.scid  }
0x8b: {  	s0 =	sand.u32 $0x1, s1  }
0x8c: {  	s17 =	sshll.u32 s0, $0xA;
	s2 =	sadd.s32 s3, s2  }
0x8d: {  	s2 =	sadd.s32 s2, s17  }
0x8e: {  	[smem:$0x3FA0] =	sst s2  }
0x8f: {  	_ = 	snop  }
0x90: {  	(tm) =	ssettm $0x1  }
0x91: {  	s18 =	sld [smem:$0x3FFB];
	_ =	sdelay $0x3  }
0x92: {  	_ =	strace s18  }
0x93: {  	s2 =	sld [smem:$0x3FFC];
	_ =	sdelay $0x3  }
0x94: {  	_ =	strace s2  }
0x95: {  	s2 =	sld [smem:$0x3FFD];
	_ =	sdelay $0x3  }
0x96: {  	_ =	strace s2  }
0x97: {  	_ =	strace $0x8FFFFFFF  }
0x98: {  	s19 =	sld [smem:$0x3FDB];
	_ =	sdelay $0x1  }
0x99: {  	s20 =	simm.s32 $_scs_section_size  }
0x9a: {  	s4 =	simm.s32 $_size__tile_overlayer_lowered;
	s5 =	simm.s32 $_tile_overlayer_lowered  }
0x9b: {  	s6 =	simm.s32 $0x1BFF;
	s21 =	sshll.u32 s5, $0x1;
	s3 =	sadd.s32 s20, s19  }
0x9c: {  	s22 =	simm.s32 $0x0;
	s4 =	sshll.u32 s4, $0x1;
	s5 =	sadd.s32 s21, s3  }
0x9d: {  	[timem:s22], [sflag:s6] =	dma.local [hbm:s5], s4  }
0x9e: {  	_ =	swait.ge [sflag:s6], s4  }
0x9f: {  	s4 =	ssub.s32 $0x0, s4;
	[sflag:s6] =	ssyncset.done $0x0  }
0xa0: {  	[sflag:s6] =	ssyncadd.s32 s4;
	_ =	sdelay $0x1  }
0xa1: {  	s23 =	simm.s32 $0x1B8B  }
0xa2: {  	_ =	swait.ge [sflag:s23], $0x1  }
0xa3: {  	[sflag:s23] =	ssyncset.done $0x0  }
0xa4: {  	[sflag:s23] =	ssyncadd.s32 $0xFFFFFFFF  }
0xa5: {  	s4 =	sld [smem:$0x0]  }
0xa6: {  	s5 =	sand.u32 $0xFFFFFFFE, s1  }
0xa7: {  	p0 =	sne.s32 s1, s5  }
0xa8: {  	s5 =	sshll.u32 @p0 s5, $0xE  }
0xa9: {  	s5 =	sadd.s32 @p0 $0x11B8D, s5;
	s6 =	sshll.u32 @p0 s4, $0x11  }
0xaa: {  	s5 =	sor.u32 @p0 s6, s5  }
0xab: {  	[sflag:s5] =	ssyncadd.remote.s32 @p0 $0x1;
	_ =	sdelay $0x1  }
0xac: {  	s5 =	simm.s32 @p0 $0x1B8D  }
0xad: {  	_ =	swait.eq @p0 [sflag:s5], $0x1  }
0xae: {  	[sflag:s5] =	ssyncadd.s32 @p0 $0xFFFFFFFF  }
0xaf: {  	s6 =	sshll.u32 @!p0 s1, $0xE  }
0xb0: {  	s6 =	sor.u32 @!p0 $0x4000, s6;
	s5 =	simm.s32 @!p0 $0x1B8D  }
0xb1: {  	s4 =	sshll.u32 @!p0 s4, $0x11;
	s6 =	sadd.s32 @!p0 $0x11B8D, s6;
	_ =	swait.eq @!p0 [sflag:s5], $0x1  }
0xb2: {  	s4 =	sor.u32 @!p0 s4, s6;
	[sflag:s5] =	ssyncadd.s32 @!p0 $0xFFFFFFFF  }
0xb3: {  	s25 =	simm.s32 $0x1B8E;
	s24 =	sld [smem:$0x3FFE];
	[sflag:s4] =	ssyncadd.remote.s32 @!p0 $0x1  }
0xb4: {  	s26 =	simm.s32 $execute0_lowered;
	[smem:$0x3FD2] =	sst s25  }
0xb5: {  	s5 =	sshll.u32 s26, $0x1;
	_ =	strace $0x8000004F;
	[dreg:$0x1] =	wrdreg $0xFFFFFFFF  }
0xb6: {  	s28 =	simm.s32 $_size_execute0_lowered;
	s3 =	sadd.s32 s3, s5;
	[dreg:$0x0] =	wrdreg $0x0  }
0xb7: {  	s5 =	sshll.u32 s28, $0x1;
	[dreg:$0x2] =	wrdreg s3  }
0xb8: {  	[dreg:$0x3] =	wrdreg s5  }
0xb9: {  	[dreg:$0x4] =	wrdreg $0xC0  }
0xba: {  	_ =	task [dreg:s22], $0x5FFFF  }
0xbb: {  	[dreg:$0x1] =	wrdreg $0xFFFFFFFF  }
0xbc: {  	[dreg:$0x0] =	wrdreg $0x60  }
0xbd: {  	[dreg:$0x2] =	wrdreg s24  }
0xbe: {  	[dreg:$0x3] =	wrdreg $0xA0000  }
0xbf: {  	[dreg:$0x4] =	wrdreg $0x9  }
0xc0: {  	_ =	task.clear_ibuf [dreg:s22], $0x5FFFF;
	_ =	strace $0x9000004F  }
0xc1: {  	s29 =	simm.s32 $0x9;
	_ =	strace $0x80000051  }
0xc2: {  	_ =	swait.ge [sflag:s29], $0x1  }
0xc3: {  	[sflag:s29] =	ssyncadd.s32 $0xFFFFFFFF  }
0xc4: {  	_ =	strace $0x90000051  }
0xc5: {  	_ =	sfence  }
0xc6: {  	s30 =	sld [smem:$0x0];
	_ =	sdelay $0x2  }
0xc7: {  	s31 =	sshll.u32 s1, $0xD;
	s1 =	sshrl.u32 s1, $0x2  }
0xc8: {  	s4 =	sand.u32 $0x4000, s31;
	s1 =	sadd.s32 s1, s30  }
0xc9: {  	s0 =	sor.u32 s4, s0;
	s1 =	sshll.u32 s1, $0x11  }
0xca: {  	s0 =	sor.u32 s1, s0  }
0xcb: {  	s0 =	sadd.s32 $0x8F2B, s0  }
0xcc: {  	[sflag:s0] =	ssyncadd.remote.s32 $0x1  }
0xcd: {  	_ =	sfence.sel $0xFFFF  }
0xce: {  	[dreg:$0x0] =	wrdreg $0xFFFFFFFF;
	(pc) =	sbr.abs _section_cstart, $3  }
0xcf: {  	[dreg:$0x1] =	wrdreg $0xFFFFFFFF  }
0xd0: {  	_ =	task.clear_ibuf [dreg:s22], $0x2FFFF;
	_ =	strace $0x9FFFFFFF  }
0xd1: {  	(tm) =	ssettm $0x7FFFFFFF  }
tec
execute0_lowered:
.L_overlay_start_1:
0x0: {  	(tag) =	ssettag $0x1  }
0x1: {  	s6 =	rddreg [dreg:$0x0]  }
0x2: {  	s2 =	rddreg [dreg:$0x1]  }
0x3: {  	s0 =	rddreg [dreg:$0x2];
	s4 =	srdreg.scid  }
0x4: {  	s1 =	stileid.u32;
	s3 =	simm.s32 $0x0;
	s17 =	simm.s32 $0x1  }
0x5: {  	s18 =	simm.s32 $0x80;
	s19 =	simm.s32 $0x1E00;
	s11 =	smul.u32 $0x50000, s1  }
0x6: {  	s20 =	simm.s32 $0x1E80;
	s7 =	sand.u32 $0x1, s4;
	s25 =	smul.u32 $0x1F0000, s1  }
0x7: {  	s22 =	sshll.u32 s1, $0x1;
	[smem:$0x7FF] =	sst s3;
	s9 =	smul.u32 $0x28000, s7  }
0x8: {  	s4 =	sadd.s32 $0x13C7400, s6;
	s26 =	sshll.u32 s1, $0x6;
	s16 =	smul.u32 $0xF8000, s7  }
0x9: {  	s8 =	sor.u32 s7, s22;
	_ =	strace $0x80000050;
	s22 =	smul.u32 $0x2800, s1  }
0xa: {  	s12 =	ssub.s32 $0x2, s7;
	s5 =	sshll.u32 s8, $0xA;
	s13 =	smul.u32 $0x1F000, s8  }
0xb: {  	s23 =	sshrl.u32 s12, $0x1;
	s14 =	smul.u32 $0xF8000, s8;
	s24 =	sshrl.u32 s11, $0x2  }
0xc: {  	s10 =	sadd.s32 s5, s6;
	s5 =	sadd.s32 $0x10600, s6;
	s9 =	sadd.s32 s9, s6  }
0xd: {  	s12 =	ssub.s32 s12, s23;
	s15 =	sadd.s32 s24, s2;
	s6 =	sor.u32 $0x1C02, s26  }
0xe: {  	s11 =	sadd.s32 s16, s25;
	s16 =	simm.s32 $0x6000;
	s7 =	sadd.s32 $0x12E00, s10  }
0xf: {  	s8 =	sadd.s32 s4, s13;
	s21 =	sadd.s32 $0xCE200, s9;
	s28 =	sshrl.u32 s14, $0x3  }
0x10: {  	s30 =	sor.u32 $0x4000, s11;
	s9 =	smax.u32 s12, $0x1;
	s11 =	sadd.s32 $0x8000, s11  }
0x11: {  	s13 =	sshrl.u32 s15, $0x3;
	s14 =	simm.s32 $0x2;
	s15 =	simm.s32 $0x2000  }
0x12: {  	s29 =	sadd.s32 s4, s28;
	s31 =	sshrl.u32 s30, $0x3;
	s21 =	sadd.s32 s22, s21  }
0x13: {  	s22 =	simm.s32 $0x0;
	s10 =	sadd.s32 $0x1E800, s29;
	s12 =	sadd.s32 s31, s4  }
.LBB2_1:
0x14: {  	[spmem:s13], [sflag:s6] =	dma.local [hbm:s5], $0x2800  }
0x15: {  	_ =	swait.ge [sflag:s14], $0x2800  }
0x16: {  	[sflag:s14] =	ssyncset.done $0x0  }
0x17: {  	[sflag:s14] =	ssyncadd.s32 $0xFFFFD800  }
0x18: {  	[tilespmem:s3], [sflag:$0x2] =	stream.linear.gather [hbm4b:s7+s3], $0x1F00, $0x38;
	[tilespmem:$0x1E000] =	vst v63  }
0x19: {  	_ =	swait.ge [sflag:s14], $0x1F00  }
0x1a: {  	[sflag:s14] =	ssyncset.done $0x0  }
0x1b: {  	[sflag:s14] =	ssyncadd.s32 $0xFFFFE100  }
0x1c: {  	[bflag:$0x0] =	sbarrier.arrive $0xFFFF  }
0x1d: {  	[tilespmem:s15], [sflag:$0x1] =	stream.linear.gather [hbm4b:s8+s3], $0x4000, $0x38;
	[tilespmem:$0x1E000] =	vst v63  }
0x1e: {  	s23 =	sadd.s32 $0x0, s12  }
0x1f: {  	[tilespmem:s16], [sflag:$0x1] =	stream.linear.gather [hbm4b:s23+s3], $0x4000, $0x38;
	[tilespmem:$0x1E000] =	vst v63  }
0x20: {  	_ =	swait.ge [sflag:s17], $0x4000  }
0x21: {  	[sflag:s17] =	ssyncset.done $0x0  }
0x22: {  	[sflag:s17] =	ssyncadd.s32 $0xFFFFC000  }
0x23: {  	[spmem:s2] =	stream.indirect.scatter.add.f32 [tilespmem:s15], [sflag:$0x2], $0x80, s3, s18, $0xb8;
	[tilespmem:$0x1E000] =	vst v63  }
0x24: {  	_ =	swait.ge [sflag:s14], $0x4000  }
0x25: {  	s30 =	sshrl.u32 s11, $0x3;
	[sflag:s14] =	ssyncset.done $0x0  }
0x26: {  	s23 =	sadd.s32 s4, s30;
	[sflag:s14] =	ssyncadd.s32 $0xFFFFC000  }
0x27: {  	[tilespmem:s15], [sflag:$0x1] =	stream.linear.gather [hbm4b:s23+s3], $0x4000, $0x38;
	[tilespmem:$0x1E000] =	vst v63  }
0x28: {  	_ =	swait.ge [sflag:s17], $0x4000  }
0x29: {  	[sflag:s17] =	ssyncset.done $0x0  }
0x2a: {  	s31 =	simm.s32 $0x80;
	[sflag:s17] =	ssyncadd.s32 $0xFFFFC000  }
0x2b: {  	[spmem:s2] =	stream.indirect.scatter.add.f32 [tilespmem:s16], [sflag:$0x2], $0x80, s31, s18, $0xb8;
	[tilespmem:$0x1E000] =	vst v63  }
0x2c: {  	s25 =	simm.s32 $0x1000;
	s26 =	simm.s32 $0x2000;
	_ =	swait.ge [sflag:s14], $0x4000  }
0x2d: {  	s24 =	sadd.s32 $0x8000, s11;
	s23 =	simm.s32 $0x100;
	[sflag:s14] =	ssyncset.done $0x0  }
.LBB2_2:
0x2e: {  	s28 =	sadd.s32 s25, s12  }
0x2f: {  	[sflag:s14] =	ssyncadd.s32 $0xFFFFC000;
	s25 =	smov.u32 s26;
	s29 =	sadd.s32 $0x1000, s26  }
0x30: {  	[tilespmem:s16], [sflag:$0x1] =	stream.linear.gather [hbm4b:s28+s3], $0x4000, $0x38;
	[tilespmem:$0x1E000] =	vst v63  }
0x31: {  	p0 =	sne.s32 s26, $0x1D000;
	_ =	swait.ge [sflag:s17], $0x4000  }
0x32: {  	[sflag:s17] =	ssyncset.done $0x0  }
0x33: {  	[sflag:s17] =	ssyncadd.s32 $0xFFFFC000  }
0x34: {  	[spmem:s2] =	stream.indirect.scatter.add.f32 [tilespmem:s15], [sflag:$0x2], $0x80, s23, s18, $0xb8;
	[tilespmem:$0x1E000] =	vst v63  }
0x35: {  	_ =	swait.ge [sflag:s14], $0x4000  }
0x36: {  	s26 =	sshrl.u32 s24, $0x3;
	[sflag:s14] =	ssyncset.done $0x0  }
0x37: {  	s26 =	sadd.s32 s4, s26;
	[sflag:s14] =	ssyncadd.s32 $0xFFFFC000  }
0x38: {  	[tilespmem:s15], [sflag:$0x1] =	stream.linear.gather [hbm4b:s26+s3], $0x4000, $0x38;
	[tilespmem:$0x1E000] =	vst v63  }
0x39: {  	_ =	swait.ge [sflag:s17], $0x4000  }
.Ltmp0:
0x3a: {  	[sflag:s17] =	ssyncset.done $0x0;
	(pc) =	sbr.rel @p0 .LBB2_2-.Ltmp0, $4  }
0x3b: {  	s26 =	sadd.s32 $0x80, s23;
	[sflag:s17] =	ssyncadd.s32 $0xFFFFC000  }
0x3c: {  	[spmem:s2] =	stream.indirect.scatter.add.f32 [tilespmem:s16], [sflag:$0x2], $0x80, s26, s18, $0xb8;
	[tilespmem:$0x1E000] =	vst v63  }
0x3d: {  	s24 =	sadd.s32 $0x8000, s24;
	_ =	swait.ge [sflag:s14], $0x4000  }
0x3e: {  	s23 =	sadd.s32 $0x100, s23;
	s26 =	smov.u32 s29;
	[sflag:s14] =	ssyncset.done $0x0  }
0x3f: {  	s25 =	sadd.s32 s25, s12;
	[sflag:s14] =	ssyncadd.s32 $0xFFFFC000  }
0x40: {  	[tilespmem:s16], [sflag:$0x1] =	stream.linear.gather [hbm4b:s25+s3], $0x4000, $0x38;
	[tilespmem:$0x1E000] =	vst v63  }
0x41: {  	_ =	swait.ge [sflag:s17], $0x4000  }
0x42: {  	[sflag:s17] =	ssyncset.done $0x0  }
0x43: {  	[sflag:s17] =	ssyncadd.s32 $0xFFFFC000  }
0x44: {  	[spmem:s2] =	stream.indirect.scatter.add.f32 [tilespmem:s15], [sflag:$0x2], $0x80, s23, s18, $0xb8;
	[tilespmem:$0x1E000] =	vst v63  }
0x45: {  	_ =	swait.ge [sflag:s14], $0x4000  }
0x46: {  	s24 =	sshrl.u32 s24, $0x3;
	[sflag:s14] =	ssyncset.done $0x0  }
0x47: {  	s24 =	sadd.s32 s4, s24;
	[sflag:s14] =	ssyncadd.s32 $0xFFFFC000  }
0x48: {  	[tilespmem:s15], [sflag:$0x1] =	stream.linear.gather [hbm4b:s24+s3], $0x4000, $0x38;
	[tilespmem:$0x1E000] =	vst v63  }
0x49: {  	_ =	swait.ge [sflag:s17], $0x4000  }
0x4a: {  	[sflag:s17] =	ssyncset.done $0x0  }
0x4b: {  	s31 =	sadd.s32 $0x80, s23;
	[sflag:s17] =	ssyncadd.s32 $0xFFFFC000  }
0x4c: {  	[spmem:s2] =	stream.indirect.scatter.add.f32 [tilespmem:s16], [sflag:$0x2], $0x80, s31, s18, $0xb8;
	[tilespmem:$0x1E000] =	vst v63  }
0x4d: {  	_ =	swait.ge [sflag:s14], $0x4000  }
0x4e: {  	[sflag:s14] =	ssyncset.done $0x0  }
0x4f: {  	[sflag:s14] =	ssyncadd.s32 $0xFFFFC000  }
0x50: {  	[tilespmem:s16], [sflag:$0x1] =	stream.linear.gather [hbm4b:s10+s3], $0x4000, $0x38;
	[tilespmem:$0x1E000] =	vst v63  }
0x51: {  	_ =	swait.ge [sflag:s17], $0x4000  }
0x52: {  	[sflag:s17] =	ssyncset.done $0x0  }
0x53: {  	[sflag:s17] =	ssyncadd.s32 $0xFFFFC000  }
0x54: {  	[spmem:s2] =	stream.indirect.scatter.add.f32 [tilespmem:s15], [sflag:$0x2], $0x80, s19, s18, $0xb8;
	[tilespmem:$0x1E000] =	vst v63  }
0x55: {  	_ =	swait.ge [sflag:s14], $0x4000  }
0x56: {  	[sflag:s14] =	ssyncset.done $0x0  }
0x57: {  	[sflag:s14] =	ssyncadd.s32 $0xFFFFC000  }
0x58: {  	_ =	swait.ge [sflag:s17], $0x4000  }
0x59: {  	[sflag:s17] =	ssyncset.done $0x0  }
0x5a: {  	[sflag:s17] =	ssyncadd.s32 $0xFFFFC000  }
0x5b: {  	[spmem:s2] =	stream.indirect.scatter.add.f32 [tilespmem:s16], [sflag:$0x2], $0x80, s20, s18, $0xb8;
	[tilespmem:$0x1E000] =	vst v63  }
0x5c: {  	_ =	swait.ge [sflag:s14], $0x4000  }
0x5d: {  	s22 =	sadd.s32 $0x1, s22;
	[sflag:s14] =	ssyncset.done $0x0  }
0x5e: {  	p0 =	sne.s32 s22, s9;
	[sflag:s14] =	ssyncadd.s32 $0xFFFFC000  }
.Ltmp1:
0x5f: {  	[bflag:$0x0] =	sbarrier.arrive $0xFFFF;
	(pc) =	sbr.rel @p0 .LBB2_1-.Ltmp1, $4  }
0x60: {  	[hbm:s21], [sflag:s6] =	dma.local [spmem:s13], $0x2800  }
0x61: {  	_ =	swait.ge [sflag:s14], $0x2800  }
0x62: {  	[sflag:s14] =	ssyncset.done $0x0  }
0x63: {  	[sflag:s14] =	ssyncadd.s32 $0xFFFFD800  }
0x64: {  	_ =	sfence.sel $0x180000  }
0x65: {  	[bflag:$0x0] =	sbarrier.arrive $0xFFFF  }
0x66: {  	p0 =	sne.s32 s1, $0x0;
	_ =	strace $0x90000050  }
0x67: {  	s0 =	sadd.s32 @!p0 $0x100000, s0;
	[bflag:$0x2] =	sbarrier.arrive $0xFFFF  }
0x68: {  	[sflag:s0] =	ssyncadd.tile.s32 @!p0 $0x1;
	_ =	shalt  }
.Lfunc_end2:
_tile_overlayer_lowered:
.L_overlay_start_2:
0x69: {  	(tag) =	ssettag $0x2  }
0x6a: {  	s0 =	rddreg [dreg:$0x0];
	s2 =	stileid.u32  }
0x6b: {  	s1 =	rddreg [dreg:$0x1];
	p0 =	sne.s32 s2, $0x0  }
0x6c: {  	s3 =	rddreg [dreg:$0x2];
	[bflag:$0x3] =	sbarrier.arrive $0xFFFF;
	s2 =	simm.s32 @!p0 $0x1C02  }
0x6d: {  	[timem:s3], [sflag:s2] =	dma.local @!p0 [hbm:s0], s1  }
0x6e: {  	s0 =	simm.s32 @!p0 $0x2  }
0x6f: {  	_ =	swait.ge @!p0 [sflag:s0], s1  }
0x70: {  	s1 =	ssub.s32 @!p0 $0x0, s1;
	[sflag:s0] =	ssyncset.done @!p0 $0x0  }
0x71: {  	[sflag:s0] =	ssyncadd.s32 @!p0 s1  }
0x72: {  	[bflag:$0x3] =	sbarrier.arrive $0xFFFF  }
0x73: {  	_ =	shalt  }

// kernel: kernel.18.cloned.1.call-start
scs
__scs_entry_jumppad:
0x0: {  	(pc) =	sbr.rel $0x88, $3  }
0x1: {  	(tag) =	ssettag $0x0;
	lr =	simm.s32 $0x1  }
0x2: {  	[smem:$0x3F79] =	sst lr;
	_ =	strace $0xD0000000  }
0x3: {  	_ = 	snop  }
0x4: {  	_ = 	snop  }
0x5: {  	_ = 	snop  }
0x6: {  	_ = 	snop  }
0x7: {  	_ = 	snop  }
__scs_overlays_trampoline_lowered:
0x8: {  	[smem:$0x3F88] =	sst s0  }
0x9: {  	[smem:$0x3F89] =	sst s1  }
0xa: {  	[smem:$0x3F8A] =	sst s2  }
0xb: {  	[smem:$0x3F8B] =	sst s3  }
0xc: {  	[smem:$0x3F8C] =	sst s4  }
0xd: {  	[smem:$0x3F8D] =	sst s5  }
0xe: {  	[smem:$0x3F8E] =	sst s6  }
0xf: {  	[smem:$0x3F8F] =	sst s7  }
0x10: {  	[smem:$0x3F90] =	sst s8  }
0x11: {  	[smem:$0x3F91] =	sst s9;
	s0 =	simm.s32 @!p0 $0x0  }
0x12: {  	s1 =	sld [smem:$0x3F77];
	s0 =	simm.s32 @p0 $0x1  }
0x13: {  	[smem:$0x3F92] =	sst s0;
	s0 =	simm.s32 @!p1 $0x0  }
0x14: {  	s2 =	sld [smem:$0x3F76];
	s0 =	simm.s32 @p1 $0x1  }
0x15: {  	[smem:$0x3F93] =	sst s0;
	s0 =	simm.s32 @!p2 $0x0  }
0x16: {  	s3 =	sld [smem:$0x3FDB];
	s0 =	simm.s32 @p2 $0x1  }
0x17: {  	s4 =	simm.s32 $0x1BF5;
	[smem:$0x3F95] =	sst s0  }
0x18: {  	s0 =	sld [smem:$0x3F78];
	_ =	swait.ge [sflag:s4], $0x0  }
0x19: {  	s7 =	sld [smem:$0x3F79]  }
0x1a: {  	s8 =	sadd.s32 $0xFFFFE003, lr  }
0x1b: {  	s9 =	sadd.s32 $0xFFFFFEF7, lr;
	s5 =	simm.s32 $0xFFFFFFFF;
	p2 =	slt.u32 s8, $0xFFFFF086  }
0x1c: {  	p1 =	slt.u32 s9, $0xF7A;
	s5 =	simm.s32 @!p2 $0x0  }
0x1d: {  	s5 =	simm.s32 @p1 $0x1;
	p0 =	seq.s32 s7, s2  }
0x1e: {  	s7 =	smul.u32 @!p0 $0xF7A, s2;
	p2 =	seq.s32 @!p0 s5, $0x0  }
0x1f: {  	s9 =	smul.u32 $0xF7A, s1;
	s8 =	simm.s32 @!p0 $0x1BF5;
	p2 =	por !p2, p0  }
0x20: {  	[sflag:s8] =	ssyncset.s32 @!p0 $0xFFFFF086;
	s6 =	sadd.s32 @!p0 s3, s7;
	s7 =	simm.s32 @!p0 $0x108  }
0x21: {  	s3 =	sadd.s32 s3, s9;
	s6 =	sadd.s32 @!p0 $0x88, s6;
	s7 =	simm.s32 @p2 $0x1082  }
0x22: {  	[simem:s7], [sflag:s8] =	dma.local @!p0 [hbm:s6], $0xF7A  }
0x23: {  	s9 =	sor.u32 $0xD0000000, s2;
	s6 =	simm.s32 $0x108;
	_ =	swait.ge @!p0 [sflag:s8], $0x0  }
0x24: {  	s3 =	sadd.s32 $0x88, s3;
	s6 =	simm.s32 @!p1 $0x1082;
	[sflag:s4] =	ssyncset.s32 $0xFFFFF086  }
0x25: {  	[simem:s6], [sflag:s4] =	dma.local [hbm:s3], $0xF7A  }
0x26: {  	[smem:$0x3F79] =	sst s1;
	(tag) =	ssettag s2;
	_ =	strace s9  }
0x27: {  	s1 =	sld [smem:$0x3F89]  }
0x28: {  	s2 =	sld [smem:$0x3F8A]  }
0x29: {  	s4 =	sld [smem:$0x3F8C]  }
0x2a: {  	p0 =	seq.s32 s5, $0x0;
	s5 =	sld [smem:$0x3F8D]  }
0x2b: {  	s6 =	sld [smem:$0x3F8E]  }
0x2c: {  	s7 =	sld [smem:$0x3F8F]  }
0x2d: {  	s3 =	simm.s32 $0x108;
	s8 =	sld [smem:$0x3F90]  }
0x2e: {  	s3 =	simm.s32 @!p0 $0x1082;
	s9 =	sld [smem:$0x3F91]  }
0x2f: {  	lr =	sadd.s32 s0, s3;
	s0 =	sld [smem:$0x3F88]  }
0x30: {  	s3 =	sld [smem:$0x3F8B]  }
0x31: {  	[smem:$0x3F94] =	sst s10  }
0x32: {  	s10 =	sld [smem:$0x3F92];
	_ =	sdelay $0x3  }
0x33: {  	p0 =	seq.s32 s10, $0x1;
	s10 =	sld [smem:$0x3F94];
	_ =	sdelay $0x3  }
0x34: {  	[smem:$0x3F94] =	sst s10  }
0x35: {  	s10 =	sld [smem:$0x3F93];
	_ =	sdelay $0x3  }
0x36: {  	p1 =	seq.s32 s10, $0x1;
	s10 =	sld [smem:$0x3F94];
	_ =	sdelay $0x3  }
0x37: {  	[smem:$0x3F94] =	sst s10  }
0x38: {  	s10 =	sld [smem:$0x3F95]  }
0x39: {  	_ = 	snop;
	(pc) =	sbr.ind lr, $3  }
0x3a: {  	_ = 	snop  }
0x3b: {  	_ = 	snop  }
0x3c: {  	p2 =	seq.s32 s10, $0x1;
	s10 =	sld [smem:$0x3F94]  }
0x3d: {  	_ =	shalt  }
0x3e: {  	_ =	shalt  }
0x3f: {  	_ =	shalt  }
0x40: {  	_ =	shalt  }
0x41: {  	_ =	shalt  }
0x42: {  	_ =	shalt  }
0x43: {  	_ =	shalt  }
0x44: {  	_ =	shalt  }
0x45: {  	_ =	shalt  }
0x46: {  	_ =	shalt  }
0x47: {  	_ =	shalt  }
0x48: {  	_ =	shalt  }
0x49: {  	_ =	shalt  }
0x4a: {  	_ =	shalt  }
0x4b: {  	_ =	shalt  }
0x4c: {  	_ =	shalt  }
0x4d: {  	_ =	shalt  }
0x4e: {  	_ =	shalt  }
0x4f: {  	_ =	shalt  }
0x50: {  	_ =	shalt  }
0x51: {  	_ =	shalt  }
0x52: {  	_ =	shalt  }
0x53: {  	_ =	shalt  }
0x54: {  	_ =	shalt  }
0x55: {  	_ =	shalt  }
0x56: {  	_ =	shalt  }
0x57: {  	_ =	shalt  }
0x58: {  	_ =	shalt  }
0x59: {  	_ =	shalt  }
0x5a: {  	_ =	shalt  }
0x5b: {  	_ =	shalt  }
0x5c: {  	_ =	shalt  }
0x5d: {  	_ =	shalt  }
0x5e: {  	_ =	shalt  }
0x5f: {  	_ =	shalt  }
0x60: {  	_ =	shalt  }
0x61: {  	_ =	shalt  }
0x62: {  	_ =	shalt  }
0x63: {  	_ =	shalt  }
0x64: {  	_ =	shalt  }
0x65: {  	_ =	shalt  }
0x66: {  	_ =	shalt  }
0x67: {  	_ =	shalt  }
0x68: {  	_ =	shalt  }
0x69: {  	_ =	shalt  }
0x6a: {  	_ =	shalt  }
0x6b: {  	_ =	shalt  }
0x6c: {  	_ =	shalt  }
0x6d: {  	_ =	shalt  }
0x6e: {  	_ =	shalt  }
0x6f: {  	_ =	shalt  }
0x70: {  	_ =	shalt  }
0x71: {  	_ =	shalt  }
0x72: {  	_ =	shalt  }
0x73: {  	_ =	shalt  }
0x74: {  	_ =	shalt  }
0x75: {  	_ =	shalt  }
0x76: {  	_ =	shalt  }
0x77: {  	_ =	shalt  }
0x78: {  	_ =	shalt  }
0x79: {  	_ =	shalt  }
0x7a: {  	_ =	shalt  }
0x7b: {  	_ =	shalt  }
0x7c: {  	_ =	shalt  }
0x7d: {  	_ =	shalt  }
0x7e: {  	_ =	shalt  }
0x7f: {  	_ =	shalt  }
0x80: {  	_ =	shalt  }
0x81: {  	_ =	shalt  }
0x82: {  	_ =	shalt  }
0x83: {  	_ =	shalt  }
0x84: {  	_ =	shalt  }
0x85: {  	_ =	shalt  }
0x86: {  	_ =	shalt  }
0x87: {  	_ =	shalt  }
.Lfunc_end0:
.L_simem_size_0:
called_computation.2_lowered:
.L_overlay_start_0:
0x88: {  	s2 =	sld [smem:$0x3FD9]  }
0x89: {  	s3 =	sld [smem:$0x3FFE];
	_ =	sdelay $0x1  }
0x8a: {  	s1 =	srdreg.scid  }
0x8b: {  	s0 =	sand.u32 $0x1, s1  }
0x8c: {  	s14 =	sshll.u32 s0, $0xA;
	s2 =	sadd.s32 s3, s2  }
0x8d: {  	s2 =	sadd.s32 s2, s14  }
0x8e: {  	[smem:$0x3FA0] =	sst s2  }
0x8f: {  	_ = 	snop  }
0x90: {  	s2 =	sld [smem:$0x3FD0];
	_ =	sdelay $0x2  }
0x91: {  	s15 =	simm.s32 $0xB;
	s4 =	simm.s32 $0x10  }
0x92: {  	[smem:s4], [sflag:s15] =	dma.local [hbm:s2], $0x1  }
0x93: {  	_ =	swait.eq [sflag:s15], $0x1  }
0x94: {  	[sflag:s15] =	ssyncset.done $0x0  }
0x95: {  	[sflag:s15] =	ssyncadd.s32 $0xFFFFFFFF  }
0x96: {  	s16 =	sld [smem:$0x10];
	(tm) =	ssettm $0x1  }
0x97: {  	s17 =	sld [smem:$0x3FFB];
	_ =	sdelay $0x3  }
0x98: {  	_ =	strace s17  }
0x99: {  	s3 =	sld [smem:$0x3FFC];
	_ =	sdelay $0x3  }
0x9a: {  	_ =	strace s3  }
0x9b: {  	s3 =	sld [smem:$0x3FFD];
	_ =	sdelay $0x3  }
0x9c: {  	_ =	strace s3  }
0x9d: {  	_ =	strace $0x8FFFFFFF  }
0x9e: {  	s18 =	sld [smem:$0x3FDB];
	_ =	sdelay $0x1  }
0x9f: {  	s19 =	simm.s32 $_scs_section_size  }
0xa0: {  	s5 =	simm.s32 $_size__tile_overlayer_lowered;
	s6 =	simm.s32 $_tile_overlayer_lowered  }
0xa1: {  	s22 =	simm.s32 $0x1BFF;
	s21 =	sshll.u32 s6, $0x1;
	s3 =	sadd.s32 s19, s18  }
0xa2: {  	s7 =	simm.s32 $0x0;
	s20 =	sshll.u32 s5, $0x1;
	s5 =	sadd.s32 s21, s3  }
0xa3: {  	[timem:s7], [sflag:s22] =	dma.local [hbm:s5], s20  }
0xa4: {  	_ =	swait.ge [sflag:s22], s20  }
0xa5: {  	s4 =	ssub.s32 $0x0, s20;
	[sflag:s22] =	ssyncset.done $0x0  }
0xa6: {  	[sflag:s22] =	ssyncadd.s32 s4;
	_ =	sdelay $0x1  }
0xa7: {  	s23 =	simm.s32 $0x1B8B  }
0xa8: {  	_ =	swait.ge [sflag:s23], $0x1  }
0xa9: {  	[sflag:s23] =	ssyncset.done $0x0  }
0xaa: {  	s25 =	simm.s32 $0x1B8E;
	s24 =	sld [smem:$0x3FFE];
	[sflag:s23] =	ssyncadd.s32 $0xFFFFFFFF  }
0xab: {  	s26 =	simm.s32 $execute0_lowered;
	[smem:$0x3FD2] =	sst s25  }
0xac: {  	s5 =	sshll.u32 s26, $0x1;
	_ =	strace $0x80000046;
	[dreg:$0x1] =	wrdreg $0xFFFFFFFF  }
0xad: {  	s28 =	simm.s32 $_size_execute0_lowered;
	s3 =	sadd.s32 s3, s5;
	[dreg:$0x0] =	wrdreg $0x0  }
0xae: {  	s5 =	sshll.u32 s28, $0x1;
	[dreg:$0x2] =	wrdreg s3  }
0xaf: {  	[dreg:$0x3] =	wrdreg s5  }
0xb0: {  	[dreg:$0x4] =	wrdreg $0xC0  }
0xb1: {  	_ =	task [dreg:s7], $0x5FFFF  }
0xb2: {  	[dreg:$0x1] =	wrdreg $0xFFFFFFFF  }
0xb3: {  	[dreg:$0x0] =	wrdreg $0x60  }
0xb4: {  	[dreg:$0x2] =	wrdreg s16  }
0xb5: {  	[dreg:$0x3] =	wrdreg s24  }
0xb6: {  	[dreg:$0x4] =	wrdreg $0xA  }
0xb7: {  	_ =	task.clear_ibuf [dreg:s7], $0x5FFFF;
	_ =	strace $0x90000046  }
0xb8: {  	s29 =	simm.s32 $0xA;
	_ =	strace $0x80000048  }
0xb9: {  	_ =	swait.ge [sflag:s29], $0x1  }
0xba: {  	[sflag:s29] =	ssyncadd.s32 $0xFFFFFFFF  }
0xbb: {  	_ =	strace $0x90000048  }
0xbc: {  	_ =	sfence  }
0xbd: {  	s30 =	sld [smem:$0x0];
	_ =	sdelay $0x2  }
0xbe: {  	s31 =	sshll.u32 s1, $0xD;
	s1 =	sshrl.u32 s1, $0x2  }
0xbf: {  	s3 =	sand.u32 $0x4000, s31;
	s1 =	sadd.s32 s1, s30  }
0xc0: {  	s0 =	sor.u32 s3, s0;
	s1 =	sshll.u32 s1, $0x11  }
0xc1: {  	s0 =	sor.u32 s1, s0  }
0xc2: {  	s0 =	sadd.s32 $0x8F2B, s0  }
0xc3: {  	[sflag:s0] =	ssyncadd.remote.s32 $0x1  }
0xc4: {  	_ =	sfence.sel $0xFFFF  }
0xc5: {  	[dreg:$0x0] =	wrdreg $0xFFFFFFFF;
	(pc) =	sbr.abs _section_cstart, $3  }
0xc6: {  	[dreg:$0x1] =	wrdreg $0xFFFFFFFF  }
0xc7: {  	_ =	task.clear_ibuf [dreg:s7], $0x2FFFF;
	_ =	strace $0x9FFFFFFF  }
0xc8: {  	(tm) =	ssettm $0x7FFFFFFF  }
0xc9: {  	_ =	shalt  }
tec
execute0_lowered:
.L_overlay_start_1:
0x0: {  	(tag) =	ssettag $0x1  }
0x1: {  	s1 =	rddreg [dreg:$0x0]  }
0x2: {  	s5 =	rddreg [dreg:$0x1]  }
0x3: {  	s0 =	rddreg [dreg:$0x2];
	s3 =	simm.s32 $0x0;
	s4 =	srdreg.scid  }
0x4: {  	s2 =	stileid.u32;
	s10 =	simm.s32 $0x3;
	s11 =	simm.s32 $0x2000  }
0x5: {  	s12 =	simm.s32 $0x80;
	s13 =	simm.s32 $0x4000;
	s14 =	simm.s32 $0xC000  }
0x6: {  	s15 =	simm.s32 $0x8000;
	s16 =	simm.s32 $0x10000;
	s17 =	simm.s32 $0x1  }
0x7: {  	s18 =	simm.s32 $0x2;
	s19 =	simm.s32 $0x0;
	[smem:$0x7FF] =	sst s3  }
0x8: {  	s6 =	sand.u32 $0x1, s4;
	s31 =	sshll.u32 s2, $0x1;
	s4 =	sadd.s32 $0x2FE00, s5  }
0x9: {  	_ =	strace $0x80000047;
	s8 =	sor.u32 s6, s31;
	s6 =	ssub.s32 $0x2, s6  }
0xa: {  	s7 =	sshll.u32 s8, $0xA;
	s9 =	sshrl.u32 s6, $0x1;
	s8 =	smul.u32 $0xF8000, s8  }
0xb: {  	s7 =	sadd.s32 s7, s5;
	s5 =	sadd.s32 $0x7E200, s5;
	s9 =	ssub.s32 s6, s9  }
0xc: {  	s6 =	sadd.s32 $0x1FE00, s7;
	s7 =	sadd.s32 $0x27E00, s7;
	s9 =	smax.u32 s9, $0x1  }
.LBB2_1:
0xd: {  	[tilespmem:s3], [sflag:$0x3] =	stream.linear.gather [hbm4b:s6+s3], $0x1F00, $0x38;
	[tilespmem:$0x14000] =	vst v63  }
0xe: {  	_ =	swait.ge [sflag:s10], $0x1F00  }
0xf: {  	[sflag:s10] =	ssyncset.done $0x0  }
0x10: {  	[sflag:s10] =	ssyncadd.s32 $0xFFFFE100  }
0x11: {  	[tilespmem:s11], [sflag:$0x3] =	stream.linear.gather [hbm4b:s7+s3], $0x1F00, $0x38;
	[tilespmem:$0x14000] =	vst v63  }
0x12: {  	_ =	swait.ge [sflag:s10], $0x1F00  }
0x13: {  	[sflag:s10] =	ssyncset.done $0x0  }
0x14: {  	[sflag:s10] =	ssyncadd.s32 $0xFFFFE100  }
0x15: {  	[tilespmem:s13], [sflag:$0x1] =	stream.indirect.gather [hbm4b:s1+s12], $0x80, s3, s12, $0xb8;
	[tilespmem:$0x14000] =	vst v63  }
0x16: {  	s20 =	simm.s32 $0x0  }
0x17: {  	[tilespmem:s14], [sflag:$0x2] =	stream.indirect.gather [hbm4b:s4+s12], $0x80, s11, s12, $0xb8;
	[tilespmem:$0x14000] =	vst v63  }
.LBB2_2:
0x18: {  	s21 =	sshllo.u32 s20, $0x1  }
0x19: {  	s22 =	sshll.u32 s21, $0x7  }
0x1a: {  	[tilespmem:s15], [sflag:$0x1] =	stream.indirect.gather [hbm4b:s1+s12], $0x80, s22, s12, $0xb8;
	[tilespmem:$0x14000] =	vst v63  }
0x1b: {  	s22 =	sadd.s32 $0x2000, s22  }
0x1c: {  	[tilespmem:s16], [sflag:$0x2] =	stream.indirect.gather [hbm4b:s4+s12], $0x80, s22, s12, $0xb8;
	[tilespmem:$0x14000] =	vst v63  }
0x1d: {  	_ =	swait.ge [sflag:s17], $0x4000  }
0x1e: {  	[sflag:s17] =	ssyncset.done $0x0  }
0x1f: {  	[sflag:s17] =	ssyncadd.s32 $0xFFFFC000  }
0x20: {  	_ =	swait.ge [sflag:s18], $0x4000  }
0x21: {  	[sflag:s18] =	ssyncset.done $0x0  }
0x22: {  	s22 =	simm.s32 $0x0;
	[sflag:s18] =	ssyncadd.s32 $0xFFFFC000  }
0x23: {  	v3 =	vld [tilespmem:s22+$0xC070]  }
0x24: {  	v1 =	vld [tilespmem:s22+$0xC040]  }
0x25: {  	v0 =	vld [tilespmem:s22+$0xC050]  }
0x26: {  	s23 =	simm.s32 $0x200;
	v2 =	vld [tilespmem:s22+$0xC060]  }
.LBB2_3:
0x27: {  	p0 =	sne.s32 s23, $0xFE00  }
.Ltmp0:
0x28: {  	s24 =	sshra.s32 s23, $0x2;
	s23 =	sadd.s32 $0x200, s23;
	[tilespmem:s22+$0x4070] =	vst v3;
	(pc) =	sbr.rel @p0 .LBB2_3-.Ltmp0, $4  }
0x29: {  	v3 =	vld [tilespmem:s24+$0xC070];
	[tilespmem:s22+$0x4040] =	vst v1  }
0x2a: {  	v1 =	vld [tilespmem:s24+$0xC040];
	[tilespmem:s22+$0x4050] =	vst v0  }
0x2b: {  	v0 =	vld [tilespmem:s24+$0xC050];
	[tilespmem:s22+$0x4060] =	vst v2;
	s22 =	smov.u32 s24  }
0x2c: {  	v2 =	vld [tilespmem:s22+$0xC060]  }
0x2d: {  	_ = 	snop  }
0x2e: {  	s23 =	sshll.u32 s20, $0xF;
	[tilespmem:s22+$0x4070] =	vst v3  }
0x2f: {  	s23 =	sadd.s32 s8, s23;
	[tilespmem:s22+$0x4040] =	vst v1  }
0x30: {  	s23 =	sshrl.u32 s23, $0x3;
	[tilespmem:s22+$0x4050] =	vst v0  }
0x31: {  	s31 =	sadd.s32 s5, s23;
	[tilespmem:s22+$0x4060] =	vst v2  }
0x32: {  	[hbm4b:s31+s3] =	stream.linear.scatter [tilespmem:s13], [sflag:$0x3], $0x4000, $0x38;
	[tilespmem:$0x14000] =	vst v63  }
0x33: {  	p0 =	seq.s32 s20, $0x1E;
	_ =	swait.ge [sflag:s10], $0x4000  }
0x34: {  	s24 =	simm.s32 @!p0 $0x80;
	s22 =	sshll.u32 @!p0 s20, $0x8;
	[sflag:s10] =	ssyncset.done $0x0  }
0x35: {  	s25 =	simm.s32 @!p0 $0x4000;
	s23 =	sadd.s32 @!p0 $0x100, s22;
	[sflag:s10] =	ssyncadd.s32 $0xFFFFC000  }
0x36: {  	[tilespmem:s25], [sflag:$0x1] =	stream.indirect.gather @!p0 [hbm4b:s1+s24], $0x80, s23, s24, $0xb8;
	[tilespmem:$0x14000] =	vst v63  }
0x37: {  	s22 =	sadd.s32 @!p0 $0x2100, s22;
	s23 =	simm.s32 @!p0 $0xC000  }
0x38: {  	[tilespmem:s23], [sflag:$0x2] =	stream.indirect.gather @!p0 [hbm4b:s4+s24], $0x80, s22, s24, $0xb8;
	[tilespmem:$0x14000] =	vst v63  }
0x39: {  	_ =	swait.ge [sflag:s17], $0x4000  }
0x3a: {  	[sflag:s17] =	ssyncset.done $0x0  }
0x3b: {  	[sflag:s17] =	ssyncadd.s32 $0xFFFFC000  }
0x3c: {  	_ =	swait.ge [sflag:s18], $0x4000  }
0x3d: {  	[sflag:s18] =	ssyncset.done $0x0  }
0x3e: {  	s22 =	simm.s32 $0x0;
	[sflag:s18] =	ssyncadd.s32 $0xFFFFC000  }
0x3f: {  	v3 =	vld [tilespmem:s22+$0x10070]  }
0x40: {  	v1 =	vld [tilespmem:s22+$0x10040]  }
0x41: {  	v0 =	vld [tilespmem:s22+$0x10050]  }
0x42: {  	s23 =	simm.s32 $0x200;
	v2 =	vld [tilespmem:s22+$0x10060]  }
.LBB2_5:
0x43: {  	p0 =	sne.s32 s23, $0xFE00  }
.Ltmp1:
0x44: {  	s24 =	sshra.s32 s23, $0x2;
	s23 =	sadd.s32 $0x200, s23;
	[tilespmem:s22+$0x8070] =	vst v3;
	(pc) =	sbr.rel @p0 .LBB2_5-.Ltmp1, $4  }
0x45: {  	v3 =	vld [tilespmem:s24+$0x10070];
	[tilespmem:s22+$0x8040] =	vst v1  }
0x46: {  	v1 =	vld [tilespmem:s24+$0x10040];
	[tilespmem:s22+$0x8050] =	vst v0  }
0x47: {  	v0 =	vld [tilespmem:s24+$0x10050];
	[tilespmem:s22+$0x8060] =	vst v2;
	s22 =	smov.u32 s24  }
0x48: {  	v2 =	vld [tilespmem:s22+$0x10060]  }
0x49: {  	_ = 	snop  }
0x4a: {  	s21 =	sshll.u32 s21, $0xE;
	[tilespmem:s22+$0x8070] =	vst v3  }
0x4b: {  	s20 =	sadd.s32 $0x1, s20;
	s21 =	sadd.s32 s8, s21;
	[tilespmem:s22+$0x8040] =	vst v1  }
0x4c: {  	p0 =	sne.s32 s20, $0x1F;
	s21 =	sshrl.u32 s21, $0x3;
	[tilespmem:s22+$0x8050] =	vst v0  }
.Ltmp2:
0x4d: {  	s21 =	sadd.s32 s5, s21;
	[tilespmem:s22+$0x8060] =	vst v2;
	(pc) =	sbr.rel @p0 .LBB2_2-.Ltmp2, $4  }
0x4e: {  	[hbm4b:s21+s3] =	stream.linear.scatter [tilespmem:s15], [sflag:$0x3], $0x4000, $0x38;
	[tilespmem:$0x14000] =	vst v63  }
0x4f: {  	_ =	swait.ge [sflag:s10], $0x4000  }
0x50: {  	[sflag:s10] =	ssyncset.done $0x0  }
0x51: {  	[sflag:s10] =	ssyncadd.s32 $0xFFFFC000  }
0x52: {  	s19 =	sadd.s32 $0x1, s19  }
0x53: {  	p0 =	sne.s32 s19, s9  }
.Ltmp3:
0x54: {  	_ = 	snop;
	(pc) =	sbr.rel @p0 .LBB2_1-.Ltmp3, $1  }
0x55: {  	_ =	sdelay $0x3  }
0x56: {  	_ =	sfence.sel $0x180000  }
0x57: {  	[bflag:$0x0] =	sbarrier.arrive $0xFFFF  }
0x58: {  	p0 =	sne.s32 s2, $0x0;
	_ =	strace $0x90000047  }
0x59: {  	s0 =	sadd.s32 @!p0 $0x100000, s0;
	[bflag:$0x2] =	sbarrier.arrive $0xFFFF  }
0x5a: {  	[sflag:s0] =	ssyncadd.tile.s32 @!p0 $0x1;
	_ =	shalt  }
.Lfunc_end2:
_tile_overlayer_lowered:
.L_overlay_start_2:
0x5b: {  	(tag) =	ssettag $0x2  }
0x5c: {  	s0 =	rddreg [dreg:$0x0];
	s2 =	stileid.u32  }
0x5d: {  	s1 =	rddreg [dreg:$0x1];
	p0 =	sne.s32 s2, $0x0  }
0x5e: {  	s3 =	rddreg [dreg:$0x2];
	[bflag:$0x3] =	sbarrier.arrive $0xFFFF;
	s2 =	simm.s32 @!p0 $0x1C03  }
0x5f: {  	[timem:s3], [sflag:s2] =	dma.local @!p0 [hbm:s0], s1  }
0x60: {  	s0 =	simm.s32 @!p0 $0x3  }
0x61: {  	_ =	swait.ge @!p0 [sflag:s0], s1  }
0x62: {  	s1 =	ssub.s32 @!p0 $0x0, s1;
	[sflag:s0] =	ssyncset.done @!p0 $0x0  }
0x63: {  	[sflag:s0] =	ssyncadd.s32 @!p0 s1  }
0x64: {  	[bflag:$0x3] =	sbarrier.arrive $0xFFFF  }
0x65: {  	_ =	shalt  }

// kernel: kernel.21.cloned.1.call-start
scs
__scs_entry_jumppad:
0x0: {  	(pc) =	sbr.rel $0x88, $3  }
0x1: {  	(tag) =	ssettag $0x0;
	lr =	simm.s32 $0x1  }
0x2: {  	[smem:$0x3F79] =	sst lr;
	_ =	strace $0xD0000000  }
0x3: {  	_ = 	snop  }
0x4: {  	_ = 	snop  }
0x5: {  	_ = 	snop  }
0x6: {  	_ = 	snop  }
0x7: {  	_ = 	snop  }
__scs_overlays_trampoline_lowered:
0x8: {  	[smem:$0x3F88] =	sst s0  }
0x9: {  	[smem:$0x3F89] =	sst s1  }
0xa: {  	[smem:$0x3F8A] =	sst s2  }
0xb: {  	[smem:$0x3F8B] =	sst s3  }
0xc: {  	[smem:$0x3F8C] =	sst s4  }
0xd: {  	[smem:$0x3F8D] =	sst s5  }
0xe: {  	[smem:$0x3F8E] =	sst s6  }
0xf: {  	[smem:$0x3F8F] =	sst s7  }
0x10: {  	[smem:$0x3F90] =	sst s8  }
0x11: {  	[smem:$0x3F91] =	sst s9;
	s0 =	simm.s32 @!p0 $0x0  }
0x12: {  	s1 =	sld [smem:$0x3F77];
	s0 =	simm.s32 @p0 $0x1  }
0x13: {  	[smem:$0x3F92] =	sst s0;
	s0 =	simm.s32 @!p1 $0x0  }
0x14: {  	s2 =	sld [smem:$0x3F76];
	s0 =	simm.s32 @p1 $0x1  }
0x15: {  	[smem:$0x3F93] =	sst s0;
	s0 =	simm.s32 @!p2 $0x0  }
0x16: {  	s3 =	sld [smem:$0x3FDB];
	s0 =	simm.s32 @p2 $0x1  }
0x17: {  	s4 =	simm.s32 $0x1BF5;
	[smem:$0x3F95] =	sst s0  }
0x18: {  	s0 =	sld [smem:$0x3F78];
	_ =	swait.ge [sflag:s4], $0x0  }
0x19: {  	s7 =	sld [smem:$0x3F79]  }
0x1a: {  	s8 =	sadd.s32 $0xFFFFE003, lr  }
0x1b: {  	s9 =	sadd.s32 $0xFFFFFEF7, lr;
	s5 =	simm.s32 $0xFFFFFFFF;
	p2 =	slt.u32 s8, $0xFFFFF086  }
0x1c: {  	p1 =	slt.u32 s9, $0xF7A;
	s5 =	simm.s32 @!p2 $0x0  }
0x1d: {  	s5 =	simm.s32 @p1 $0x1;
	p0 =	seq.s32 s7, s2  }
0x1e: {  	s7 =	smul.u32 @!p0 $0xF7A, s2;
	p2 =	seq.s32 @!p0 s5, $0x0  }
0x1f: {  	s9 =	smul.u32 $0xF7A, s1;
	s8 =	simm.s32 @!p0 $0x1BF5;
	p2 =	por !p2, p0  }
0x20: {  	[sflag:s8] =	ssyncset.s32 @!p0 $0xFFFFF086;
	s6 =	sadd.s32 @!p0 s3, s7;
	s7 =	simm.s32 @!p0 $0x108  }
0x21: {  	s3 =	sadd.s32 s3, s9;
	s6 =	sadd.s32 @!p0 $0x88, s6;
	s7 =	simm.s32 @p2 $0x1082  }
0x22: {  	[simem:s7], [sflag:s8] =	dma.local @!p0 [hbm:s6], $0xF7A  }
0x23: {  	s9 =	sor.u32 $0xD0000000, s2;
	s6 =	simm.s32 $0x108;
	_ =	swait.ge @!p0 [sflag:s8], $0x0  }
0x24: {  	s3 =	sadd.s32 $0x88, s3;
	s6 =	simm.s32 @!p1 $0x1082;
	[sflag:s4] =	ssyncset.s32 $0xFFFFF086  }
0x25: {  	[simem:s6], [sflag:s4] =	dma.local [hbm:s3], $0xF7A  }
0x26: {  	[smem:$0x3F79] =	sst s1;
	(tag) =	ssettag s2;
	_ =	strace s9  }
0x27: {  	s1 =	sld [smem:$0x3F89]  }
0x28: {  	s2 =	sld [smem:$0x3F8A]  }
0x29: {  	s4 =	sld [smem:$0x3F8C]  }
0x2a: {  	p0 =	seq.s32 s5, $0x0;
	s5 =	sld [smem:$0x3F8D]  }
0x2b: {  	s6 =	sld [smem:$0x3F8E]  }
0x2c: {  	s7 =	sld [smem:$0x3F8F]  }
0x2d: {  	s3 =	simm.s32 $0x108;
	s8 =	sld [smem:$0x3F90]  }
0x2e: {  	s3 =	simm.s32 @!p0 $0x1082;
	s9 =	sld [smem:$0x3F91]  }
0x2f: {  	lr =	sadd.s32 s0, s3;
	s0 =	sld [smem:$0x3F88]  }
0x30: {  	s3 =	sld [smem:$0x3F8B]  }
0x31: {  	[smem:$0x3F94] =	sst s10  }
0x32: {  	s10 =	sld [smem:$0x3F92];
	_ =	sdelay $0x3  }
0x33: {  	p0 =	seq.s32 s10, $0x1;
	s10 =	sld [smem:$0x3F94];
	_ =	sdelay $0x3  }
0x34: {  	[smem:$0x3F94] =	sst s10  }
0x35: {  	s10 =	sld [smem:$0x3F93];
	_ =	sdelay $0x3  }
0x36: {  	p1 =	seq.s32 s10, $0x1;
	s10 =	sld [smem:$0x3F94];
	_ =	sdelay $0x3  }
0x37: {  	[smem:$0x3F94] =	sst s10  }
0x38: {  	s10 =	sld [smem:$0x3F95]  }
0x39: {  	_ = 	snop;
	(pc) =	sbr.ind lr, $3  }
0x3a: {  	_ = 	snop  }
0x3b: {  	_ = 	snop  }
0x3c: {  	p2 =	seq.s32 s10, $0x1;
	s10 =	sld [smem:$0x3F94]  }
0x3d: {  	_ =	shalt  }
0x3e: {  	_ =	shalt  }
0x3f: {  	_ =	shalt  }
0x40: {  	_ =	shalt  }
0x41: {  	_ =	shalt  }
0x42: {  	_ =	shalt  }
0x43: {  	_ =	shalt  }
0x44: {  	_ =	shalt  }
0x45: {  	_ =	shalt  }
0x46: {  	_ =	shalt  }
0x47: {  	_ =	shalt  }
0x48: {  	_ =	shalt  }
0x49: {  	_ =	shalt  }
0x4a: {  	_ =	shalt  }
0x4b: {  	_ =	shalt  }
0x4c: {  	_ =	shalt  }
0x4d: {  	_ =	shalt  }
0x4e: {  	_ =	shalt  }
0x4f: {  	_ =	shalt  }
0x50: {  	_ =	shalt  }
0x51: {  	_ =	shalt  }
0x52: {  	_ =	shalt  }
0x53: {  	_ =	shalt  }
0x54: {  	_ =	shalt  }
0x55: {  	_ =	shalt  }
0x56: {  	_ =	shalt  }
0x57: {  	_ =	shalt  }
0x58: {  	_ =	shalt  }
0x59: {  	_ =	shalt  }
0x5a: {  	_ =	shalt  }
0x5b: {  	_ =	shalt  }
0x5c: {  	_ =	shalt  }
0x5d: {  	_ =	shalt  }
0x5e: {  	_ =	shalt  }
0x5f: {  	_ =	shalt  }
0x60: {  	_ =	shalt  }
0x61: {  	_ =	shalt  }
0x62: {  	_ =	shalt  }
0x63: {  	_ =	shalt  }
0x64: {  	_ =	shalt  }
0x65: {  	_ =	shalt  }
0x66: {  	_ =	shalt  }
0x67: {  	_ =	shalt  }
0x68: {  	_ =	shalt  }
0x69: {  	_ =	shalt  }
0x6a: {  	_ =	shalt  }
0x6b: {  	_ =	shalt  }
0x6c: {  	_ =	shalt  }
0x6d: {  	_ =	shalt  }
0x6e: {  	_ =	shalt  }
0x6f: {  	_ =	shalt  }
0x70: {  	_ =	shalt  }
0x71: {  	_ =	shalt  }
0x72: {  	_ =	shalt  }
0x73: {  	_ =	shalt  }
0x74: {  	_ =	shalt  }
0x75: {  	_ =	shalt  }
0x76: {  	_ =	shalt  }
0x77: {  	_ =	shalt  }
0x78: {  	_ =	shalt  }
0x79: {  	_ =	shalt  }
0x7a: {  	_ =	shalt  }
0x7b: {  	_ =	shalt  }
0x7c: {  	_ =	shalt  }
0x7d: {  	_ =	shalt  }
0x7e: {  	_ =	shalt  }
0x7f: {  	_ =	shalt  }
0x80: {  	_ =	shalt  }
0x81: {  	_ =	shalt  }
0x82: {  	_ =	shalt  }
0x83: {  	_ =	shalt  }
0x84: {  	_ =	shalt  }
0x85: {  	_ =	shalt  }
0x86: {  	_ =	shalt  }
0x87: {  	_ =	shalt  }
.Lfunc_end0:
.L_simem_size_0:
called_computation.3_lowered:
.L_overlay_start_0:
0x88: {  	s2 =	sld [smem:$0x3FD9]  }
0x89: {  	s3 =	sld [smem:$0x3FFE];
	_ =	sdelay $0x1  }
0x8a: {  	s1 =	srdreg.scid  }
0x8b: {  	s0 =	sand.u32 $0x1, s1  }
0x8c: {  	s17 =	sshll.u32 s0, $0xA;
	s2 =	sadd.s32 s3, s2  }
0x8d: {  	s2 =	sadd.s32 s2, s17  }
0x8e: {  	[smem:$0x3FA0] =	sst s2  }
0x8f: {  	_ = 	snop  }
0x90: {  	(tm) =	ssettm $0x1  }
0x91: {  	s18 =	sld [smem:$0x3FFB];
	_ =	sdelay $0x3  }
0x92: {  	_ =	strace s18  }
0x93: {  	s2 =	sld [smem:$0x3FFC];
	_ =	sdelay $0x3  }
0x94: {  	_ =	strace s2  }
0x95: {  	s2 =	sld [smem:$0x3FFD];
	_ =	sdelay $0x3  }
0x96: {  	_ =	strace s2  }
0x97: {  	_ =	strace $0x8FFFFFFF  }
0x98: {  	s19 =	sld [smem:$0x3FDB];
	_ =	sdelay $0x1  }
0x99: {  	s20 =	simm.s32 $_scs_section_size  }
0x9a: {  	s4 =	simm.s32 $_size__tile_overlayer_lowered;
	s5 =	simm.s32 $_tile_overlayer_lowered  }
0x9b: {  	s6 =	simm.s32 $0x1BFF;
	s21 =	sshll.u32 s5, $0x1;
	s3 =	sadd.s32 s20, s19  }
0x9c: {  	s22 =	simm.s32 $0x0;
	s4 =	sshll.u32 s4, $0x1;
	s5 =	sadd.s32 s21, s3  }
0x9d: {  	[timem:s22], [sflag:s6] =	dma.local [hbm:s5], s4  }
0x9e: {  	_ =	swait.ge [sflag:s6], s4  }
0x9f: {  	s4 =	ssub.s32 $0x0, s4;
	[sflag:s6] =	ssyncset.done $0x0  }
0xa0: {  	[sflag:s6] =	ssyncadd.s32 s4;
	_ =	sdelay $0x1  }
0xa1: {  	s23 =	simm.s32 $0x1B8B  }
0xa2: {  	_ =	swait.ge [sflag:s23], $0x1  }
0xa3: {  	[sflag:s23] =	ssyncset.done $0x0  }
0xa4: {  	[sflag:s23] =	ssyncadd.s32 $0xFFFFFFFF  }
0xa5: {  	s4 =	sld [smem:$0x0]  }
0xa6: {  	s5 =	sand.u32 $0xFFFFFFFE, s1  }
0xa7: {  	p0 =	sne.s32 s1, s5  }
0xa8: {  	s5 =	sshll.u32 @p0 s5, $0xE  }
0xa9: {  	s5 =	sadd.s32 @p0 $0x11B8D, s5;
	s6 =	sshll.u32 @p0 s4, $0x11  }
0xaa: {  	s5 =	sor.u32 @p0 s6, s5  }
0xab: {  	[sflag:s5] =	ssyncadd.remote.s32 @p0 $0x1;
	_ =	sdelay $0x1  }
0xac: {  	s5 =	simm.s32 @p0 $0x1B8D  }
0xad: {  	_ =	swait.eq @p0 [sflag:s5], $0x1  }
0xae: {  	[sflag:s5] =	ssyncadd.s32 @p0 $0xFFFFFFFF  }
0xaf: {  	s6 =	sshll.u32 @!p0 s1, $0xE  }
0xb0: {  	s6 =	sor.u32 @!p0 $0x4000, s6;
	s5 =	simm.s32 @!p0 $0x1B8D  }
0xb1: {  	s4 =	sshll.u32 @!p0 s4, $0x11;
	s6 =	sadd.s32 @!p0 $0x11B8D, s6;
	_ =	swait.eq @!p0 [sflag:s5], $0x1  }
0xb2: {  	s4 =	sor.u32 @!p0 s4, s6;
	[sflag:s5] =	ssyncadd.s32 @!p0 $0xFFFFFFFF  }
0xb3: {  	s25 =	simm.s32 $0x1B8E;
	s24 =	sld [smem:$0x3FFE];
	[sflag:s4] =	ssyncadd.remote.s32 @!p0 $0x1  }
0xb4: {  	s26 =	simm.s32 $execute0_lowered;
	[smem:$0x3FD2] =	sst s25  }
0xb5: {  	s5 =	sshll.u32 s26, $0x1;
	_ =	strace $0x8000004C;
	[dreg:$0x1] =	wrdreg $0xFFFFFFFF  }
0xb6: {  	s28 =	simm.s32 $_size_execute0_lowered;
	s3 =	sadd.s32 s3, s5;
	[dreg:$0x0] =	wrdreg $0x0  }
0xb7: {  	s5 =	sshll.u32 s28, $0x1;
	[dreg:$0x2] =	wrdreg s3  }
0xb8: {  	[dreg:$0x3] =	wrdreg s5  }
0xb9: {  	[dreg:$0x4] =	wrdreg $0xC0  }
0xba: {  	_ =	task [dreg:s22], $0x5FFFF  }
0xbb: {  	[dreg:$0x1] =	wrdreg $0xFFFFFFFF  }
0xbc: {  	[dreg:$0x0] =	wrdreg $0x60  }
0xbd: {  	[dreg:$0x2] =	wrdreg s24  }
0xbe: {  	[dreg:$0x3] =	wrdreg $0xA0000  }
0xbf: {  	[dreg:$0x4] =	wrdreg $0xA  }
0xc0: {  	_ =	task.clear_ibuf [dreg:s22], $0x5FFFF;
	_ =	strace $0x9000004C  }
0xc1: {  	s29 =	simm.s32 $0xA;
	_ =	strace $0x8000004E  }
0xc2: {  	_ =	swait.ge [sflag:s29], $0x1  }
0xc3: {  	[sflag:s29] =	ssyncadd.s32 $0xFFFFFFFF  }
0xc4: {  	_ =	strace $0x9000004E  }
0xc5: {  	_ =	sfence  }
0xc6: {  	s30 =	sld [smem:$0x0];
	_ =	sdelay $0x2  }
0xc7: {  	s31 =	sshll.u32 s1, $0xD;
	s1 =	sshrl.u32 s1, $0x2  }
0xc8: {  	s4 =	sand.u32 $0x4000, s31;
	s1 =	sadd.s32 s1, s30  }
0xc9: {  	s0 =	sor.u32 s4, s0;
	s1 =	sshll.u32 s1, $0x11  }
0xca: {  	s0 =	sor.u32 s1, s0  }
0xcb: {  	s0 =	sadd.s32 $0x8F2B, s0  }
0xcc: {  	[sflag:s0] =	ssyncadd.remote.s32 $0x1  }
0xcd: {  	_ =	sfence.sel $0xFFFF  }
0xce: {  	[dreg:$0x0] =	wrdreg $0xFFFFFFFF;
	(pc) =	sbr.abs _section_cstart, $3  }
0xcf: {  	[dreg:$0x1] =	wrdreg $0xFFFFFFFF  }
0xd0: {  	_ =	task.clear_ibuf [dreg:s22], $0x2FFFF;
	_ =	strace $0x9FFFFFFF  }
0xd1: {  	(tm) =	ssettm $0x7FFFFFFF  }
tec
execute0_lowered:
.L_overlay_start_1:
0x0: {  	(tag) =	ssettag $0x1  }
0x1: {  	s6 =	rddreg [dreg:$0x0]  }
0x2: {  	s2 =	rddreg [dreg:$0x1]  }
0x3: {  	s0 =	rddreg [dreg:$0x2];
	s4 =	srdreg.scid  }
0x4: {  	s1 =	stileid.u32;
	s3 =	simm.s32 $0x0;
	s17 =	simm.s32 $0x1  }
0x5: {  	s18 =	simm.s32 $0x80;
	s19 =	simm.s32 $0x1E00;
	s11 =	smul.u32 $0x50000, s1  }
0x6: {  	s20 =	simm.s32 $0x1E80;
	s7 =	sand.u32 $0x1, s4;
	s25 =	smul.u32 $0x1F0000, s1  }
0x7: {  	s22 =	sshll.u32 s1, $0x1;
	[smem:$0x7FF] =	sst s3;
	s9 =	smul.u32 $0x28000, s7  }
0x8: {  	s4 =	sadd.s32 $0xFE7400, s6;
	s26 =	sshll.u32 s1, $0x6;
	s16 =	smul.u32 $0xF8000, s7  }
0x9: {  	s8 =	sor.u32 s7, s22;
	_ =	strace $0x8000004D;
	s22 =	smul.u32 $0x2800, s1  }
0xa: {  	s12 =	ssub.s32 $0x2, s7;
	s5 =	sshll.u32 s8, $0xA;
	s13 =	smul.u32 $0x1F000, s8  }
0xb: {  	s23 =	sshrl.u32 s12, $0x1;
	s14 =	smul.u32 $0xF8000, s8;
	s24 =	sshrl.u32 s11, $0x2  }
0xc: {  	s10 =	sadd.s32 s5, s6;
	s5 =	sadd.s32 $0x10600, s6;
	s9 =	sadd.s32 s9, s6  }
0xd: {  	s12 =	ssub.s32 s12, s23;
	s15 =	sadd.s32 s24, s2;
	s6 =	sor.u32 $0x1C02, s26  }
0xe: {  	s11 =	sadd.s32 s16, s25;
	s16 =	simm.s32 $0x6000;
	s7 =	sadd.s32 $0x7E00, s10  }
0xf: {  	s8 =	sadd.s32 s4, s13;
	s21 =	sadd.s32 $0x7E200, s9;
	s28 =	sshrl.u32 s14, $0x3  }
0x10: {  	s30 =	sor.u32 $0x4000, s11;
	s9 =	smax.u32 s12, $0x1;
	s11 =	sadd.s32 $0x8000, s11  }
0x11: {  	s13 =	sshrl.u32 s15, $0x3;
	s14 =	simm.s32 $0x2;
	s15 =	simm.s32 $0x2000  }
0x12: {  	s29 =	sadd.s32 s4, s28;
	s31 =	sshrl.u32 s30, $0x3;
	s21 =	sadd.s32 s22, s21  }
0x13: {  	s22 =	simm.s32 $0x0;
	s10 =	sadd.s32 $0x1E800, s29;
	s12 =	sadd.s32 s31, s4  }
.LBB2_1:
0x14: {  	[spmem:s13], [sflag:s6] =	dma.local [hbm:s5], $0x2800  }
0x15: {  	_ =	swait.ge [sflag:s14], $0x2800  }
0x16: {  	[sflag:s14] =	ssyncset.done $0x0  }
0x17: {  	[sflag:s14] =	ssyncadd.s32 $0xFFFFD800  }
0x18: {  	[tilespmem:s3], [sflag:$0x2] =	stream.linear.gather [hbm4b:s7+s3], $0x1F00, $0x38;
	[tilespmem:$0x1E000] =	vst v63  }
0x19: {  	_ =	swait.ge [sflag:s14], $0x1F00  }
0x1a: {  	[sflag:s14] =	ssyncset.done $0x0  }
0x1b: {  	[sflag:s14] =	ssyncadd.s32 $0xFFFFE100  }
0x1c: {  	[bflag:$0x0] =	sbarrier.arrive $0xFFFF  }
0x1d: {  	[tilespmem:s15], [sflag:$0x1] =	stream.linear.gather [hbm4b:s8+s3], $0x4000, $0x38;
	[tilespmem:$0x1E000] =	vst v63  }
0x1e: {  	s23 =	sadd.s32 $0x0, s12  }
0x1f: {  	[tilespmem:s16], [sflag:$0x1] =	stream.linear.gather [hbm4b:s23+s3], $0x4000, $0x38;
	[tilespmem:$0x1E000] =	vst v63  }
0x20: {  	_ =	swait.ge [sflag:s17], $0x4000  }
0x21: {  	[sflag:s17] =	ssyncset.done $0x0  }
0x22: {  	[sflag:s17] =	ssyncadd.s32 $0xFFFFC000  }
0x23: {  	[spmem:s2] =	stream.indirect.scatter.add.f32 [tilespmem:s15], [sflag:$0x2], $0x80, s3, s18, $0xb8;
	[tilespmem:$0x1E000] =	vst v63  }
0x24: {  	_ =	swait.ge [sflag:s14], $0x4000  }
0x25: {  	s30 =	sshrl.u32 s11, $0x3;
	[sflag:s14] =	ssyncset.done $0x0  }
0x26: {  	s23 =	sadd.s32 s4, s30;
	[sflag:s14] =	ssyncadd.s32 $0xFFFFC000  }
0x27: {  	[tilespmem:s15], [sflag:$0x1] =	stream.linear.gather [hbm4b:s23+s3], $0x4000, $0x38;
	[tilespmem:$0x1E000] =	vst v63  }
0x28: {  	_ =	swait.ge [sflag:s17], $0x4000  }
0x29: {  	[sflag:s17] =	ssyncset.done $0x0  }
0x2a: {  	s31 =	simm.s32 $0x80;
	[sflag:s17] =	ssyncadd.s32 $0xFFFFC000  }
0x2b: {  	[spmem:s2] =	stream.indirect.scatter.add.f32 [tilespmem:s16], [sflag:$0x2], $0x80, s31, s18, $0xb8;
	[tilespmem:$0x1E000] =	vst v63  }
0x2c: {  	s25 =	simm.s32 $0x1000;
	s26 =	simm.s32 $0x2000;
	_ =	swait.ge [sflag:s14], $0x4000  }
0x2d: {  	s24 =	sadd.s32 $0x8000, s11;
	s23 =	simm.s32 $0x100;
	[sflag:s14] =	ssyncset.done $0x0  }
.LBB2_2:
0x2e: {  	s28 =	sadd.s32 s25, s12  }
0x2f: {  	[sflag:s14] =	ssyncadd.s32 $0xFFFFC000;
	s25 =	smov.u32 s26;
	s29 =	sadd.s32 $0x1000, s26  }
0x30: {  	[tilespmem:s16], [sflag:$0x1] =	stream.linear.gather [hbm4b:s28+s3], $0x4000, $0x38;
	[tilespmem:$0x1E000] =	vst v63  }
0x31: {  	p0 =	sne.s32 s26, $0x1D000;
	_ =	swait.ge [sflag:s17], $0x4000  }
0x32: {  	[sflag:s17] =	ssyncset.done $0x0  }
0x33: {  	[sflag:s17] =	ssyncadd.s32 $0xFFFFC000  }
0x34: {  	[spmem:s2] =	stream.indirect.scatter.add.f32 [tilespmem:s15], [sflag:$0x2], $0x80, s23, s18, $0xb8;
	[tilespmem:$0x1E000] =	vst v63  }
0x35: {  	_ =	swait.ge [sflag:s14], $0x4000  }
0x36: {  	s26 =	sshrl.u32 s24, $0x3;
	[sflag:s14] =	ssyncset.done $0x0  }
0x37: {  	s26 =	sadd.s32 s4, s26;
	[sflag:s14] =	ssyncadd.s32 $0xFFFFC000  }
0x38: {  	[tilespmem:s15], [sflag:$0x1] =	stream.linear.gather [hbm4b:s26+s3], $0x4000, $0x38;
	[tilespmem:$0x1E000] =	vst v63  }
0x39: {  	_ =	swait.ge [sflag:s17], $0x4000  }
.Ltmp0:
0x3a: {  	[sflag:s17] =	ssyncset.done $0x0;
	(pc) =	sbr.rel @p0 .LBB2_2-.Ltmp0, $4  }
0x3b: {  	s26 =	sadd.s32 $0x80, s23;
	[sflag:s17] =	ssyncadd.s32 $0xFFFFC000  }
0x3c: {  	[spmem:s2] =	stream.indirect.scatter.add.f32 [tilespmem:s16], [sflag:$0x2], $0x80, s26, s18, $0xb8;
	[tilespmem:$0x1E000] =	vst v63  }
0x3d: {  	s24 =	sadd.s32 $0x8000, s24;
	_ =	swait.ge [sflag:s14], $0x4000  }
0x3e: {  	s23 =	sadd.s32 $0x100, s23;
	s26 =	smov.u32 s29;
	[sflag:s14] =	ssyncset.done $0x0  }
0x3f: {  	s25 =	sadd.s32 s25, s12;
	[sflag:s14] =	ssyncadd.s32 $0xFFFFC000  }
0x40: {  	[tilespmem:s16], [sflag:$0x1] =	stream.linear.gather [hbm4b:s25+s3], $0x4000, $0x38;
	[tilespmem:$0x1E000] =	vst v63  }
0x41: {  	_ =	swait.ge [sflag:s17], $0x4000  }
0x42: {  	[sflag:s17] =	ssyncset.done $0x0  }
0x43: {  	[sflag:s17] =	ssyncadd.s32 $0xFFFFC000  }
0x44: {  	[spmem:s2] =	stream.indirect.scatter.add.f32 [tilespmem:s15], [sflag:$0x2], $0x80, s23, s18, $0xb8;
	[tilespmem:$0x1E000] =	vst v63  }
0x45: {  	_ =	swait.ge [sflag:s14], $0x4000  }
0x46: {  	s24 =	sshrl.u32 s24, $0x3;
	[sflag:s14] =	ssyncset.done $0x0  }
0x47: {  	s24 =	sadd.s32 s4, s24;
	[sflag:s14] =	ssyncadd.s32 $0xFFFFC000  }
0x48: {  	[tilespmem:s15], [sflag:$0x1] =	stream.linear.gather [hbm4b:s24+s3], $0x4000, $0x38;
	[tilespmem:$0x1E000] =	vst v63  }
0x49: {  	_ =	swait.ge [sflag:s17], $0x4000  }
0x4a: {  	[sflag:s17] =	ssyncset.done $0x0  }
0x4b: {  	s31 =	sadd.s32 $0x80, s23;
	[sflag:s17] =	ssyncadd.s32 $0xFFFFC000  }
0x4c: {  	[spmem:s2] =	stream.indirect.scatter.add.f32 [tilespmem:s16], [sflag:$0x2], $0x80, s31, s18, $0xb8;
	[tilespmem:$0x1E000] =	vst v63  }
0x4d: {  	_ =	swait.ge [sflag:s14], $0x4000  }
0x4e: {  	[sflag:s14] =	ssyncset.done $0x0  }
0x4f: {  	[sflag:s14] =	ssyncadd.s32 $0xFFFFC000  }
0x50: {  	[tilespmem:s16], [sflag:$0x1] =	stream.linear.gather [hbm4b:s10+s3], $0x4000, $0x38;
	[tilespmem:$0x1E000] =	vst v63  }
0x51: {  	_ =	swait.ge [sflag:s17], $0x4000  }
0x52: {  	[sflag:s17] =	ssyncset.done $0x0  }
0x53: {  	[sflag:s17] =	ssyncadd.s32 $0xFFFFC000  }
0x54: {  	[spmem:s2] =	stream.indirect.scatter.add.f32 [tilespmem:s15], [sflag:$0x2], $0x80, s19, s18, $0xb8;
	[tilespmem:$0x1E000] =	vst v63  }
0x55: {  	_ =	swait.ge [sflag:s14], $0x4000  }
0x56: {  	[sflag:s14] =	ssyncset.done $0x0  }
0x57: {  	[sflag:s14] =	ssyncadd.s32 $0xFFFFC000  }
0x58: {  	_ =	swait.ge [sflag:s17], $0x4000  }
0x59: {  	[sflag:s17] =	ssyncset.done $0x0  }
0x5a: {  	[sflag:s17] =	ssyncadd.s32 $0xFFFFC000  }
0x5b: {  	[spmem:s2] =	stream.indirect.scatter.add.f32 [tilespmem:s16], [sflag:$0x2], $0x80, s20, s18, $0xb8;
	[tilespmem:$0x1E000] =	vst v63  }
0x5c: {  	_ =	swait.ge [sflag:s14], $0x4000  }
0x5d: {  	s22 =	sadd.s32 $0x1, s22;
	[sflag:s14] =	ssyncset.done $0x0  }
0x5e: {  	p0 =	sne.s32 s22, s9;
	[sflag:s14] =	ssyncadd.s32 $0xFFFFC000  }
.Ltmp1:
0x5f: {  	[bflag:$0x0] =	sbarrier.arrive $0xFFFF;
	(pc) =	sbr.rel @p0 .LBB2_1-.Ltmp1, $4  }
0x60: {  	[hbm:s21], [sflag:s6] =	dma.local [spmem:s13], $0x2800  }
0x61: {  	_ =	swait.ge [sflag:s14], $0x2800  }
0x62: {  	[sflag:s14] =	ssyncset.done $0x0  }
0x63: {  	[sflag:s14] =	ssyncadd.s32 $0xFFFFD800  }
0x64: {  	_ =	sfence.sel $0x180000  }
0x65: {  	[bflag:$0x0] =	sbarrier.arrive $0xFFFF  }
0x66: {  	p0 =	sne.s32 s1, $0x0;
	_ =	strace $0x9000004D  }
0x67: {  	s0 =	sadd.s32 @!p0 $0x100000, s0;
	[bflag:$0x2] =	sbarrier.arrive $0xFFFF  }
0x68: {  	[sflag:s0] =	ssyncadd.tile.s32 @!p0 $0x1;
	_ =	shalt  }
.Lfunc_end2:
_tile_overlayer_lowered:
.L_overlay_start_2:
0x69: {  	(tag) =	ssettag $0x2  }
0x6a: {  	s0 =	rddreg [dreg:$0x0];
	s2 =	stileid.u32  }
0x6b: {  	s1 =	rddreg [dreg:$0x1];
	p0 =	sne.s32 s2, $0x0  }
0x6c: {  	s3 =	rddreg [dreg:$0x2];
	[bflag:$0x3] =	sbarrier.arrive $0xFFFF;
	s2 =	simm.s32 @!p0 $0x1C02  }
0x6d: {  	[timem:s3], [sflag:s2] =	dma.local @!p0 [hbm:s0], s1  }
0x6e: {  	s0 =	simm.s32 @!p0 $0x2  }
0x6f: {  	_ =	swait.ge @!p0 [sflag:s0], s1  }
0x70: {  	s1 =	ssub.s32 @!p0 $0x0, s1;
	[sflag:s0] =	ssyncset.done @!p0 $0x0  }
0x71: {  	[sflag:s0] =	ssyncadd.s32 @!p0 s1  }
0x72: {  	[bflag:$0x3] =	sbarrier.arrive $0xFFFF  }
0x73: {  	_ =	shalt  }

</sc_bundles>
